<compile_context>
chip_gen: v7x
topology: tpu7x:2x2x1
jax: 0.10.2.dev20260603
libtpu: 0.0.44.dev20260713+nightly
codegen_flags: <defaults>
</compile_context>

<pallas_src>
import jax
import jax.numpy as jnp
from jax.experimental import pallas as pl
from jax.experimental.pallas import tpu as pltpu
from jax.experimental.pallas import tpu_sc as plsc

ACT_DIM = 1024
DICT = 32768
EXPERTS = 16
K = 100
E_TOP = 2
DE = DICT // EXPERTS

TM = 128
TG = 256
TB = 256


def _gate_kernel(x_ref, gw_ref, gb_ref, bg_ref, i1_ref, i2_ref, w1_ref, w2_ref):
    xc = x_ref[...] - bg_ref[...]
    logits = jax.lax.dot_general(
        xc, gw_ref[...], (((1,), (1,)), ((), ())),
        preferred_element_type=jnp.float32) + gb_ref[...]
    m = jnp.max(logits, axis=1, keepdims=True)
    e = jnp.exp(logits - m)
    p = e / jnp.sum(e, axis=1, keepdims=True)
    i1 = jnp.argmax(p, axis=1)
    p1 = jnp.max(p, axis=1, keepdims=True)
    lane = jax.lax.broadcasted_iota(jnp.int32, p.shape, 1)
    pm = jnp.where(lane == i1[:, None], -jnp.inf, p)
    i2 = jnp.argmax(pm, axis=1)
    p2 = jnp.max(pm, axis=1, keepdims=True)
    w1 = 1.0 / (1.0 + jnp.exp(p2 - p1))
    i1_ref[...] = i1[:, None].astype(jnp.int32)
    i2_ref[...] = i2[:, None].astype(jnp.int32)
    w1_ref[...] = w1
    w2_ref[...] = 1.0 - w1


def _enc_kernel(te_ref, xg_ref, we_ref, be_ref, bd_ref, wt_ref, out_ref):
    del te_ref
    xc = xg_ref[...] - bd_ref[...]
    z = jax.lax.dot_general(
        xc, we_ref[0], (((1,), (1,)), ((), ())),
        preferred_element_type=jnp.float32)
    out_ref[...] = jnp.maximum(z + be_ref[0], 0.0) * wt_ref[...]


def _thr_kernel(ct_ref, thr_ref):
    v = ct_ref[...]
    bits = jax.lax.bitcast_convert_type(v, jnp.int32)
    lo = jnp.zeros((v.shape[0], 1), jnp.int32)
    hi = jnp.max(bits, axis=1)[:, None]
    ones = jnp.ones((v.shape[1], 1), jnp.float32)

    def body(_, carry):
        lo, hi = carry
        mid = lo + (hi - lo + 1) // 2
        sel = jnp.where(bits >= mid, 1.0, 0.0)
        cnt = jax.lax.dot_general(sel, ones, (((1,), (0,)), ((), ())),
                                  preferred_element_type=jnp.float32)
        ok = cnt >= float(K)
        return jnp.where(ok, mid, lo), jnp.where(ok, hi, mid - 1)

    lo, hi = jax.lax.fori_loop(0, 31, body, (lo, hi))
    thr_ref[...] = jax.lax.bitcast_convert_type(lo, jnp.float32)


def _dec_kernel(te_ref, cs_ref, thr_ref, wd_ref, out_ref):
    del te_ref
    c = cs_ref[...]
    masked = jnp.where(c >= thr_ref[...], c, 0.0)
    out_ref[...] = jax.lax.dot_general(
        masked, wd_ref[0], (((1,), (0,)), ((), ())),
        preferred_element_type=jnp.float32)


def _comb_kernel(g_ref, bd_ref, out_ref):
    out_ref[...] = jnp.sum(g_ref[...], axis=1) + bd_ref[...]


def _sc_gather(table, idx, group):
    n = idx.shape[0]
    d = table.shape[1]
    units = 32
    ch = n // units
    assert ch % group == 0 and ch * units == n
    mesh = plsc.VectorSubcoreMesh(core_axis_name="c", subcore_axis_name="s")

    nst = ch // group

    @pl.kernel(
        out_type=jax.ShapeDtypeStruct((n, d), table.dtype),
        mesh=mesh,
        scratch_types=[
            pltpu.VMEM((1, n), jnp.int32),
            pltpu.VMEM((group, d), table.dtype),
            pltpu.VMEM((group, d), table.dtype),
            pltpu.SemaphoreType.DMA,
            pltpu.SemaphoreType.DMA,
            pltpu.SemaphoreType.DMA,
            pltpu.SemaphoreType.DMA,
        ],
    )
    def k(x_hbm, i_hbm, o_hbm, iv, b0, b1, g0, g1, w0, w1):
        u = jax.lax.axis_index("c") * 16 + jax.lax.axis_index("s")
        pltpu.sync_copy(i_hbm, iv)
        base = u * ch
        bufs, gsem, wsem = (b0, b1), (g0, g1), (w0, w1)

        def gather(c):
            return pltpu.async_copy(
                x_hbm.at[iv.at[0, pl.ds(base + c * group, group)]],
                bufs[c % 2], gsem[c % 2])

        def put(c):
            return pltpu.async_copy(
                bufs[c % 2], o_hbm.at[pl.ds(base + c * group, group)],
                wsem[c % 2])

        hg = {0: gather(0)}
        hw = {}
        for c in range(nst):
            if c + 1 < nst:
                if c >= 1:
                    hw[c - 1].wait()
                hg[c + 1] = gather(c + 1)
            hg[c].wait()
            hw[c] = put(c)
        hw[nst - 1].wait()
        if nst >= 2:
            hw[nst - 2].wait()

    return k(table, idx.reshape(1, n))


def kernel(x, W_enc, b_enc, W_dec, gate_W, gate_b, b_gate, b_dec):
    B = x.shape[0]
    NP = E_TOP * B + EXPERTS * TM
    NT = NP // TM

    gb2 = gate_b.reshape(1, EXPERTS)
    bg2 = b_gate.reshape(1, ACT_DIM)
    bd2 = b_dec.reshape(1, ACT_DIM)

    i1, i2, w1, w2 = pl.pallas_call(
        _gate_kernel,
        grid=(B // TG,),
        in_specs=[
            pl.BlockSpec((TG, ACT_DIM), lambda i: (i, 0)),
            pl.BlockSpec((EXPERTS, ACT_DIM), lambda i: (0, 0)),
            pl.BlockSpec((1, EXPERTS), lambda i: (0, 0)),
            pl.BlockSpec((1, ACT_DIM), lambda i: (0, 0)),
        ],
        out_specs=[
            pl.BlockSpec((TG, 1), lambda i: (i, 0)),
            pl.BlockSpec((TG, 1), lambda i: (i, 0)),
            pl.BlockSpec((TG, 1), lambda i: (i, 0)),
            pl.BlockSpec((TG, 1), lambda i: (i, 0)),
        ],
        out_shape=[
            jax.ShapeDtypeStruct((B, 1), jnp.int32),
            jax.ShapeDtypeStruct((B, 1), jnp.int32),
            jax.ShapeDtypeStruct((B, 1), jnp.float32),
            jax.ShapeDtypeStruct((B, 1), jnp.float32),
        ],
    )(x, gate_W, gb2, bg2)

    e_flat = jnp.concatenate([i1, i2], axis=1).reshape(-1)
    w_flat = jnp.concatenate([w1, w2], axis=1).reshape(-1)
    onehot = (e_flat[:, None] == jnp.arange(EXPERTS)[None, :]).astype(jnp.int32)
    rank = jnp.sum((jnp.cumsum(onehot, axis=0) - onehot) * onehot, axis=1)
    counts = jnp.sum(onehot, axis=0)
    padded = ((counts + TM - 1) // TM) * TM
    padded_end = jnp.cumsum(padded)
    padded_start = padded_end - padded
    pos = padded_start[e_flat] + rank
    tok_sorted = jnp.zeros((NP,), jnp.int32).at[pos].set(
        jnp.arange(E_TOP * B, dtype=jnp.int32) // E_TOP)
    wt_sorted = jnp.zeros((NP,), jnp.float32).at[pos].set(w_flat)
    tile_e = jnp.minimum(
        jnp.sum((jnp.arange(NT, dtype=jnp.int32)[:, None] * TM
                 >= padded_end[None, :]).astype(jnp.int32), axis=1),
        EXPERTS - 1)

    xg = _sc_gather(x, tok_sorted, 32)

    cands = pl.pallas_call(
        _enc_kernel,
        grid_spec=pltpu.PrefetchScalarGridSpec(
            num_scalar_prefetch=1,
            grid=(NT,),
            in_specs=[
                pl.BlockSpec((TM, ACT_DIM), lambda i, te: (i, 0)),
                pl.BlockSpec((1, DE, ACT_DIM), lambda i, te: (te[i], 0, 0)),
                pl.BlockSpec((1, 1, DE), lambda i, te: (te[i], 0, 0)),
                pl.BlockSpec((1, ACT_DIM), lambda i, te: (0, 0)),
                pl.BlockSpec((TM, 1), lambda i, te: (i, 0)),
            ],
            out_specs=pl.BlockSpec((TM, DE), lambda i, te: (i, 0)),
        ),
        out_shape=jax.ShapeDtypeStruct((NP, DE), jnp.float32),
    )(tile_e, xg, W_enc, b_enc.reshape(EXPERTS, 1, DE), bd2,
      wt_sorted.reshape(NP, 1))

    ct = _sc_gather(cands, pos, 16).reshape(B, E_TOP * DE)
    thr = pl.pallas_call(
        _thr_kernel,
        grid=(B // TB,),
        in_specs=[pl.BlockSpec((TB, E_TOP * DE), lambda i: (i, 0))],
        out_specs=pl.BlockSpec((TB, 1), lambda i: (i, 0)),
        out_shape=jax.ShapeDtypeStruct((B, 1), jnp.float32),
    )(ct)
    thr_sorted = jnp.take(thr.reshape(-1), tok_sorted).reshape(NP, 1)

    part = pl.pallas_call(
        _dec_kernel,
        grid_spec=pltpu.PrefetchScalarGridSpec(
            num_scalar_prefetch=1,
            grid=(NT,),
            in_specs=[
                pl.BlockSpec((TM, DE), lambda i, te: (i, 0)),
                pl.BlockSpec((TM, 1), lambda i, te: (i, 0)),
                pl.BlockSpec((1, DE, ACT_DIM), lambda i, te: (te[i], 0, 0)),
            ],
            out_specs=pl.BlockSpec((TM, ACT_DIM), lambda i, te: (i, 0)),
        ),
        out_shape=jax.ShapeDtypeStruct((NP, ACT_DIM), jnp.float32),
    )(tile_e, cands, thr_sorted, W_dec)

    g = _sc_gather(part, pos, 32).reshape(B, E_TOP, ACT_DIM)
    x_hat = pl.pallas_call(
        _comb_kernel,
        grid=(B // TB,),
        in_specs=[
            pl.BlockSpec((TB, E_TOP, ACT_DIM), lambda i: (i, 0, 0)),
            pl.BlockSpec((1, ACT_DIM), lambda i: (0, 0)),
        ],
        out_specs=pl.BlockSpec((TB, ACT_DIM), lambda i: (i, 0)),
        out_shape=jax.ShapeDtypeStruct((B, ACT_DIM), jnp.float32),
    )(g, bd2)
    return x_hat

# --- scband reference (transcript-rebuilt; emitter-appended) ---
"""Pipeline reference for scband-multi-expert-auto-encoder-42752104465121 (READ-ONLY COPY).

The authoritative reference and input builder live on the scoring server;
editing this copy changes nothing except your own understanding.
"""

import jax, jax.numpy as jnp
import numpy as np

ACT_DIM = 1024
DICT = 32768
EXPERTS = 16
K = 100
E_TOP = 2
DE = DICT // EXPERTS
B = 2048


def setup_inputs(seed: int = 0) -> dict:
    key = jax.random.key(seed)
    ks = jax.random.split(key, 4)
    x = jax.random.normal(ks[0], (B, ACT_DIM), dtype=jnp.float32)
    W_enc = jax.random.normal(ks[1], (EXPERTS, DE, ACT_DIM), dtype=jnp.float32) / np.sqrt(ACT_DIM)
    b_enc = jnp.zeros((EXPERTS, DE), dtype=jnp.float32)
    eps = jnp.finfo(jnp.float32).eps
    # decoder initialized as clone of encoder weight, columns normalized to unit norm (norm over dim 0)
    norm = jnp.linalg.norm(W_enc, axis=1, keepdims=True)
    W_dec = W_enc / (norm + eps)
    gate_W = jax.random.normal(ks[2], (EXPERTS, ACT_DIM), dtype=jnp.float32) * 0.02
    gate_b = jnp.zeros((EXPERTS,), dtype=jnp.float32)
    b_gate = jnp.zeros((ACT_DIM,), dtype=jnp.float32)
    b_dec = jnp.zeros((ACT_DIM,), dtype=jnp.float32)
    return {"x": x, "W_enc": W_enc, "b_enc": b_enc, "W_dec": W_dec,
            "gate_W": gate_W, "gate_b": gate_b, "b_gate": b_gate, "b_dec": b_dec}


def reference(x, W_enc, b_enc, W_dec, gate_W, gate_b, b_gate, b_dec):
    Bn = x.shape[0]
    # encode: gating
    gate_logits = (x - b_gate) @ gate_W.T + gate_b
    gate_scores = jax.nn.softmax(gate_logits, axis=-1)
    top_values, top_idx = jax.lax.top_k(gate_scores, E_TOP)
    sparse = jnp.full_like(gate_scores, -jnp.inf)
    rows = jnp.arange(Bn)[:, None]
    sparse = sparse.at[rows, top_idx].set(top_values)
    expert_mask = jax.nn.softmax(sparse, axis=-1)
    # all expert encoders (dense, compute-bound)
    z = jax.nn.relu(jnp.einsum('bd,eod->ebo', x - b_dec, W_enc) + b_enc[:, None, :])
    weighted = jnp.transpose(z, (1, 0, 2)) * expert_mask[:, :, None]
    f = weighted.reshape(Bn, DICT)
    # global top-k over dict
    top_acts, top_indices = jax.lax.top_k(f, K)
    # decode: split sparse features by expert, gather decoder rows, weighted sum
    expert_ids = top_indices // DE
    local_idx = top_indices % DE
    x_hat = jnp.zeros((Bn, ACT_DIM), dtype=jnp.float32)
    for eidx in range(EXPERTS):
        m = expert_ids == eidx
        acts_e = jnp.where(m, top_acts, 0.0)
        idx_e = jnp.where(m, local_idx, 0)
        gathered = W_dec[eidx][idx_e]  # [B, K, ACT_DIM] gather
        x_hat = x_hat + jnp.einsum('bk,bkd->bd', acts_e, gathered)
    return x_hat + b_dec

if __name__ == "__main__":
    import jax
    _d = setup_inputs()
    print(jax.jit(kernel)(*tuple(_d.values())))

</pallas_src>

<mosaic_0001>
#map = affine_map<(d0, d1) -> (0, 0)>
module attributes {stable_mosaic.version = 14 : i64} {
  func.func @k(%arg0: i32, %arg1: i32, %arg2: memref<6144x2048xf32, #tpu.memory_space<hbm>>, %arg3: memref<1x4096xi32, #tpu.memory_space<hbm>>, %arg4: memref<4096x2048xf32, #tpu.memory_space<hbm>>, %arg5: memref<1x4096xi32, #tpu.memory_space<vmem>>, %arg6: memref<16x2048xf32, #tpu.memory_space<vmem>>, %arg7: memref<16x2048xf32, #tpu.memory_space<vmem>>, %arg8: memref<!tpu.dma_semaphore, #tpu.memory_space<semaphore_mem>>, %arg9: memref<!tpu.dma_semaphore, #tpu.memory_space<semaphore_mem>>, %arg10: memref<!tpu.dma_semaphore, #tpu.memory_space<semaphore_mem>>, %arg11: memref<!tpu.dma_semaphore, #tpu.memory_space<semaphore_mem>>) attributes {dimension_semantics = [#tpu.dimension_semantics<core_parallel>, #tpu.dimension_semantics<subcore_parallel>], iteration_bounds = array<i64: 2, 16>, scalar_prefetch = 0 : i64, scratch_operands = 7 : i64, tpu.core_type = #tpu.core_type<sc_vector_subcore>, window_params = [{transform_indices = #map}, {transform_indices = #map}, {transform_indices = #map}]} {
    %mul3A = arith.constant 16 : i32
    %mul3A_0 = arith.muli %arg0, %mul3A : i32
    %add3A = arith.addi %mul3A_0, %arg1 : i32
    "tpu.region"() ({
      %run_scoped3A = tpu.sem_alloc : memref<!tpu.dma_semaphore, #tpu.memory_space<semaphore_mem>>
      tpu.enqueue_dma source(%arg3 : memref<1x4096xi32, #tpu.memory_space<hbm>>) target(%arg5 : memref<1x4096xi32, #tpu.memory_space<vmem>>) target_semaphore(%run_scoped3A : memref<!tpu.dma_semaphore, #tpu.memory_space<semaphore_mem>>)
      tpu.wait_dma2 semaphore(%run_scoped3A : memref<!tpu.dma_semaphore, #tpu.memory_space<semaphore_mem>>) src(%arg3 : memref<1x4096xi32, #tpu.memory_space<hbm>>) dst(%arg5 : memref<1x4096xi32, #tpu.memory_space<vmem>>)
      tpu.yield
    }) : () -> ()
    %mul3A_1 = arith.constant 128 : i32
    %mul3A_2 = arith.muli %add3A, %mul3A_1 : i32
    %add3A_3 = arith.constant 0 : i32
    %add3A_4 = arith.addi %mul3A_2, %add3A_3 : i32
    %dma_start3A = arith.constant 0 : i32
    %dma_start3A_5 = tpu.memref_slice %arg5[%dma_start3A, %add3A_4] : memref<1x4096xi32, #tpu.memory_space<vmem>> -> memref<1x16xi32, #tpu.memory_space<vmem>>
    %dma_start3A_6 = tpu.memref_squeeze %dma_start3A_5 : memref<1x16xi32, #tpu.memory_space<vmem>> -> memref<16xi32, #tpu.memory_space<vmem>>
    %dma_start3A_7 = arith.constant 0 : i32
    %dma_start3A_8 = arith.constant 0 : i32
    %dma_start3A_9 = tpu.memref_slice %arg2[%dma_start3A_7, %dma_start3A_8] : memref<6144x2048xf32, #tpu.memory_space<hbm>> -> memref<6144x2048xf32, #tpu.memory_space<hbm>>
    tpu.enqueue_indirect_dma source(%dma_start3A_9 : memref<6144x2048xf32, #tpu.memory_space<hbm>>) target(%arg6 : memref<16x2048xf32, #tpu.memory_space<vmem>>) offsets(%dma_start3A_6 : memref<16xi32, #tpu.memory_space<vmem>>) semaphore(%arg8 : memref<!tpu.dma_semaphore, #tpu.memory_space<semaphore_mem>>)
    %add3A_10 = arith.constant 16 : i32
    %add3A_11 = arith.addi %mul3A_2, %add3A_10 : i32
    %dma_start3A_12 = arith.constant 0 : i32
    %dma_start3A_13 = tpu.memref_slice %arg5[%dma_start3A_12, %add3A_11] : memref<1x4096xi32, #tpu.memory_space<vmem>> -> memref<1x16xi32, #tpu.memory_space<vmem>>
    %dma_start3A_14 = tpu.memref_squeeze %dma_start3A_13 : memref<1x16xi32, #tpu.memory_space<vmem>> -> memref<16xi32, #tpu.memory_space<vmem>>
    %dma_start3A_15 = arith.constant 0 : i32
    %dma_start3A_16 = arith.constant 0 : i32
    %dma_start3A_17 = tpu.memref_slice %arg2[%dma_start3A_15, %dma_start3A_16] : memref<6144x2048xf32, #tpu.memory_space<hbm>> -> memref<6144x2048xf32, #tpu.memory_space<hbm>>
    tpu.enqueue_indirect_dma source(%dma_start3A_17 : memref<6144x2048xf32, #tpu.memory_space<hbm>>) target(%arg7 : memref<16x2048xf32, #tpu.memory_space<vmem>>) offsets(%dma_start3A_14 : memref<16xi32, #tpu.memory_space<vmem>>) semaphore(%arg9 : memref<!tpu.dma_semaphore, #tpu.memory_space<semaphore_mem>>)
    %dma_wait3A = arith.constant 0 : i32
    %dma_wait3A_18 = tpu.memref_slice %arg5[%dma_wait3A, %add3A_4] : memref<1x4096xi32, #tpu.memory_space<vmem>> -> memref<1x16xi32, #tpu.memory_space<vmem>>
    %dma_wait3A_19 = tpu.memref_squeeze %dma_wait3A_18 : memref<1x16xi32, #tpu.memory_space<vmem>> -> memref<16xi32, #tpu.memory_space<vmem>>
    %dma_wait3A_20 = arith.constant 0 : i32
    %dma_wait3A_21 = arith.constant 0 : i32
    %dma_wait3A_22 = tpu.memref_slice %arg2[%dma_wait3A_20, %dma_wait3A_21] : memref<6144x2048xf32, #tpu.memory_space<hbm>> -> memref<6144x2048xf32, #tpu.memory_space<hbm>>
    tpu.wait_indirect_dma semaphore(%arg8 : memref<!tpu.dma_semaphore, #tpu.memory_space<semaphore_mem>>) src(%dma_wait3A_22 : memref<6144x2048xf32, #tpu.memory_space<hbm>>) dst(%arg6 : memref<16x2048xf32, #tpu.memory_space<vmem>>)
    %add3A_23 = arith.constant 0 : i32
    %add3A_24 = arith.addi %mul3A_2, %add3A_23 : i32
    %dma_start3A_25 = arith.constant 0 : i32
    %dma_start3A_26 = tpu.memref_slice %arg4[%add3A_24, %dma_start3A_25] : memref<4096x2048xf32, #tpu.memory_space<hbm>> -> memref<16x2048xf32, #tpu.memory_space<hbm>>
    %dma_start3A_27 = arith.constant 0 : i32
    %dma_start3A_28 = tpu.memref_slice %arg4[%add3A_24, %dma_start3A_27] : memref<4096x2048xf32, #tpu.memory_space<hbm>> -> memref<16x2048xf32, #tpu.memory_space<hbm>>
    tpu.enqueue_dma source(%arg6 : memref<16x2048xf32, #tpu.memory_space<vmem>>) target(%dma_start3A_28 : memref<16x2048xf32, #tpu.memory_space<hbm>>) target_semaphore(%arg10 : memref<!tpu.dma_semaphore, #tpu.memory_space<semaphore_mem>>)
    %dma_wait3A_29 = arith.constant 0 : i32
    %dma_wait3A_30 = tpu.memref_slice %arg4[%add3A_24, %dma_wait3A_29] : memref<4096x2048xf32, #tpu.memory_space<hbm>> -> memref<16x2048xf32, #tpu.memory_space<hbm>>
    %dma_wait3A_31 = arith.constant 0 : i32
    %dma_wait3A_32 = tpu.memref_slice %arg4[%add3A_24, %dma_wait3A_31] : memref<4096x2048xf32, #tpu.memory_space<hbm>> -> memref<16x2048xf32, #tpu.memory_space<hbm>>
    tpu.wait_dma2 semaphore(%arg10 : memref<!tpu.dma_semaphore, #tpu.memory_space<semaphore_mem>>) src(%arg6 : memref<16x2048xf32, #tpu.memory_space<vmem>>) dst(%dma_wait3A_32 : memref<16x2048xf32, #tpu.memory_space<hbm>>)
    %add3A_33 = arith.constant 32 : i32
    %add3A_34 = arith.addi %mul3A_2, %add3A_33 : i32
    %dma_start3A_35 = arith.constant 0 : i32
    %dma_start3A_36 = tpu.memref_slice %arg5[%dma_start3A_35, %add3A_34] : memref<1x4096xi32, #tpu.memory_space<vmem>> -> memref<1x16xi32, #tpu.memory_space<vmem>>
    %dma_start3A_37 = tpu.memref_squeeze %dma_start3A_36 : memref<1x16xi32, #tpu.memory_space<vmem>> -> memref<16xi32, #tpu.memory_space<vmem>>
    %dma_start3A_38 = arith.constant 0 : i32
    %dma_start3A_39 = arith.constant 0 : i32
    %dma_start3A_40 = tpu.memref_slice %arg2[%dma_start3A_38, %dma_start3A_39] : memref<6144x2048xf32, #tpu.memory_space<hbm>> -> memref<6144x2048xf32, #tpu.memory_space<hbm>>
    tpu.enqueue_indirect_dma source(%dma_start3A_40 : memref<6144x2048xf32, #tpu.memory_space<hbm>>) target(%arg6 : memref<16x2048xf32, #tpu.memory_space<vmem>>) offsets(%dma_start3A_37 : memref<16xi32, #tpu.memory_space<vmem>>) semaphore(%arg8 : memref<!tpu.dma_semaphore, #tpu.memory_space<semaphore_mem>>)
    %dma_wait3A_41 = arith.constant 0 : i32
    %dma_wait3A_42 = tpu.memref_slice %arg5[%dma_wait3A_41, %add3A_11] : memref<1x4096xi32, #tpu.memory_space<vmem>> -> memref<1x16xi32, #tpu.memory_space<vmem>>
    %dma_wait3A_43 = tpu.memref_squeeze %dma_wait3A_42 : memref<1x16xi32, #tpu.memory_space<vmem>> -> memref<16xi32, #tpu.memory_space<vmem>>
    %dma_wait3A_44 = arith.constant 0 : i32
    %dma_wait3A_45 = arith.constant 0 : i32
    %dma_wait3A_46 = tpu.memref_slice %arg2[%dma_wait3A_44, %dma_wait3A_45] : memref<6144x2048xf32, #tpu.memory_space<hbm>> -> memref<6144x2048xf32, #tpu.memory_space<hbm>>
    tpu.wait_indirect_dma semaphore(%arg9 : memref<!tpu.dma_semaphore, #tpu.memory_space<semaphore_mem>>) src(%dma_wait3A_46 : memref<6144x2048xf32, #tpu.memory_space<hbm>>) dst(%arg7 : memref<16x2048xf32, #tpu.memory_space<vmem>>)
    %add3A_47 = arith.constant 16 : i32
    %add3A_48 = arith.addi %mul3A_2, %add3A_47 : i32
    %dma_start3A_49 = arith.constant 0 : i32
    %dma_start3A_50 = tpu.memref_slice %arg4[%add3A_48, %dma_start3A_49] : memref<4096x2048xf32, #tpu.memory_space<hbm>> -> memref<16x2048xf32, #tpu.memory_space<hbm>>
    %dma_start3A_51 = arith.constant 0 : i32
    %dma_start3A_52 = tpu.memref_slice %arg4[%add3A_48, %dma_start3A_51] : memref<4096x2048xf32, #tpu.memory_space<hbm>> -> memref<16x2048xf32, #tpu.memory_space<hbm>>
    tpu.enqueue_dma source(%arg7 : memref<16x2048xf32, #tpu.memory_space<vmem>>) target(%dma_start3A_52 : memref<16x2048xf32, #tpu.memory_space<hbm>>) target_semaphore(%arg11 : memref<!tpu.dma_semaphore, #tpu.memory_space<semaphore_mem>>)
    %dma_wait3A_53 = arith.constant 0 : i32
    %dma_wait3A_54 = tpu.memref_slice %arg4[%add3A_48, %dma_wait3A_53] : memref<4096x2048xf32, #tpu.memory_space<hbm>> -> memref<16x2048xf32, #tpu.memory_space<hbm>>
    %dma_wait3A_55 = arith.constant 0 : i32
    %dma_wait3A_56 = tpu.memref_slice %arg4[%add3A_48, %dma_wait3A_55] : memref<4096x2048xf32, #tpu.memory_space<hbm>> -> memref<16x2048xf32, #tpu.memory_space<hbm>>
    tpu.wait_dma2 semaphore(%arg11 : memref<!tpu.dma_semaphore, #tpu.memory_space<semaphore_mem>>) src(%arg7 : memref<16x2048xf32, #tpu.memory_space<vmem>>) dst(%dma_wait3A_56 : memref<16x2048xf32, #tpu.memory_space<hbm>>)
    %add3A_57 = arith.constant 48 : i32
    %add3A_58 = arith.addi %mul3A_2, %add3A_57 : i32
    %dma_start3A_59 = arith.constant 0 : i32
    %dma_start3A_60 = tpu.memref_slice %arg5[%dma_start3A_59, %add3A_58] : memref<1x4096xi32, #tpu.memory_space<vmem>> -> memref<1x16xi32, #tpu.memory_space<vmem>>
    %dma_start3A_61 = tpu.memref_squeeze %dma_start3A_60 : memref<1x16xi32, #tpu.memory_space<vmem>> -> memref<16xi32, #tpu.memory_space<vmem>>
    %dma_start3A_62 = arith.constant 0 : i32
    %dma_start3A_63 = arith.constant 0 : i32
    %dma_start3A_64 = tpu.memref_slice %arg2[%dma_start3A_62, %dma_start3A_63] : memref<6144x2048xf32, #tpu.memory_space<hbm>> -> memref<6144x2048xf32, #tpu.memory_space<hbm>>
    tpu.enqueue_indirect_dma source(%dma_start3A_64 : memref<6144x2048xf32, #tpu.memory_space<hbm>>) target(%arg7 : memref<16x2048xf32, #tpu.memory_space<vmem>>) offsets(%dma_start3A_61 : memref<16xi32, #tpu.memory_space<vmem>>) semaphore(%arg9 : memref<!tpu.dma_semaphore, #tpu.memory_space<semaphore_mem>>)
    %dma_wait3A_65 = arith.constant 0 : i32
    %dma_wait3A_66 = tpu.memref_slice %arg5[%dma_wait3A_65, %add3A_34] : memref<1x4096xi32, #tpu.memory_space<vmem>> -> memref<1x16xi32, #tpu.memory_space<vmem>>
    %dma_wait3A_67 = tpu.memref_squeeze %dma_wait3A_66 : memref<1x16xi32, #tpu.memory_space<vmem>> -> memref<16xi32, #tpu.memory_space<vmem>>
    %dma_wait3A_68 = arith.constant 0 : i32
    %dma_wait3A_69 = arith.constant 0 : i32
    %dma_wait3A_70 = tpu.memref_slice %arg2[%dma_wait3A_68, %dma_wait3A_69] : memref<6144x2048xf32, #tpu.memory_space<hbm>> -> memref<6144x2048xf32, #tpu.memory_space<hbm>>
    tpu.wait_indirect_dma semaphore(%arg8 : memref<!tpu.dma_semaphore, #tpu.memory_space<semaphore_mem>>) src(%dma_wait3A_70 : memref<6144x2048xf32, #tpu.memory_space<hbm>>) dst(%arg6 : memref<16x2048xf32, #tpu.memory_space<vmem>>)
    %add3A_71 = arith.constant 32 : i32
    %add3A_72 = arith.addi %mul3A_2, %add3A_71 : i32
    %dma_start3A_73 = arith.constant 0 : i32
    %dma_start3A_74 = tpu.memref_slice %arg4[%add3A_72, %dma_start3A_73] : memref<4096x2048xf32, #tpu.memory_space<hbm>> -> memref<16x2048xf32, #tpu.memory_space<hbm>>
    %dma_start3A_75 = arith.constant 0 : i32
    %dma_start3A_76 = tpu.memref_slice %arg4[%add3A_72, %dma_start3A_75] : memref<4096x2048xf32, #tpu.memory_space<hbm>> -> memref<16x2048xf32, #tpu.memory_space<hbm>>
    tpu.enqueue_dma source(%arg6 : memref<16x2048xf32, #tpu.memory_space<vmem>>) target(%dma_start3A_76 : memref<16x2048xf32, #tpu.memory_space<hbm>>) target_semaphore(%arg10 : memref<!tpu.dma_semaphore, #tpu.memory_space<semaphore_mem>>)
    %dma_wait3A_77 = arith.constant 0 : i32
    %dma_wait3A_78 = tpu.memref_slice %arg4[%add3A_72, %dma_wait3A_77] : memref<4096x2048xf32, #tpu.memory_space<hbm>> -> memref<16x2048xf32, #tpu.memory_space<hbm>>
    %dma_wait3A_79 = arith.constant 0 : i32
    %dma_wait3A_80 = tpu.memref_slice %arg4[%add3A_72, %dma_wait3A_79] : memref<4096x2048xf32, #tpu.memory_space<hbm>> -> memref<16x2048xf32, #tpu.memory_space<hbm>>
    tpu.wait_dma2 semaphore(%arg10 : memref<!tpu.dma_semaphore, #tpu.memory_space<semaphore_mem>>) src(%arg6 : memref<16x2048xf32, #tpu.memory_space<vmem>>) dst(%dma_wait3A_80 : memref<16x2048xf32, #tpu.memory_space<hbm>>)
    %add3A_81 = arith.constant 64 : i32
    %add3A_82 = arith.addi %mul3A_2, %add3A_81 : i32
    %dma_start3A_83 = arith.constant 0 : i32
    %dma_start3A_84 = tpu.memref_slice %arg5[%dma_start3A_83, %add3A_82] : memref<1x4096xi32, #tpu.memory_space<vmem>> -> memref<1x16xi32, #tpu.memory_space<vmem>>
    %dma_start3A_85 = tpu.memref_squeeze %dma_start3A_84 : memref<1x16xi32, #tpu.memory_space<vmem>> -> memref<16xi32, #tpu.memory_space<vmem>>
    %dma_start3A_86 = arith.constant 0 : i32
    %dma_start3A_87 = arith.constant 0 : i32
    %dma_start3A_88 = tpu.memref_slice %arg2[%dma_start3A_86, %dma_start3A_87] : memref<6144x2048xf32, #tpu.memory_space<hbm>> -> memref<6144x2048xf32, #tpu.memory_space<hbm>>
    tpu.enqueue_indirect_dma source(%dma_start3A_88 : memref<6144x2048xf32, #tpu.memory_space<hbm>>) target(%arg6 : memref<16x2048xf32, #tpu.memory_space<vmem>>) offsets(%dma_start3A_85 : memref<16xi32, #tpu.memory_space<vmem>>) semaphore(%arg8 : memref<!tpu.dma_semaphore, #tpu.memory_space<semaphore_mem>>)
    %dma_wait3A_89 = arith.constant 0 : i32
    %dma_wait3A_90 = tpu.memref_slice %arg5[%dma_wait3A_89, %add3A_58] : memref<1x4096xi32, #tpu.memory_space<vmem>> -> memref<1x16xi32, #tpu.memory_space<vmem>>
    %dma_wait3A_91 = tpu.memref_squeeze %dma_wait3A_90 : memref<1x16xi32, #tpu.memory_space<vmem>> -> memref<16xi32, #tpu.memory_space<vmem>>
    %dma_wait3A_92 = arith.constant 0 : i32
    %dma_wait3A_93 = arith.constant 0 : i32
    %dma_wait3A_94 = tpu.memref_slice %arg2[%dma_wait3A_92, %dma_wait3A_93] : memref<6144x2048xf32, #tpu.memory_space<hbm>> -> memref<6144x2048xf32, #tpu.memory_space<hbm>>
    tpu.wait_indirect_dma semaphore(%arg9 : memref<!tpu.dma_semaphore, #tpu.memory_space<semaphore_mem>>) src(%dma_wait3A_94 : memref<6144x2048xf32, #tpu.memory_space<hbm>>) dst(%arg7 : memref<16x2048xf32, #tpu.memory_space<vmem>>)
    %add3A_95 = arith.constant 48 : i32
    %add3A_96 = arith.addi %mul3A_2, %add3A_95 : i32
    %dma_start3A_97 = arith.constant 0 : i32
    %dma_start3A_98 = tpu.memref_slice %arg4[%add3A_96, %dma_start3A_97] : memref<4096x2048xf32, #tpu.memory_space<hbm>> -> memref<16x2048xf32, #tpu.memory_space<hbm>>
    %dma_start3A_99 = arith.constant 0 : i32
    %dma_start3A_100 = tpu.memref_slice %arg4[%add3A_96, %dma_start3A_99] : memref<4096x2048xf32, #tpu.memory_space<hbm>> -> memref<16x2048xf32, #tpu.memory_space<hbm>>
    tpu.enqueue_dma source(%arg7 : memref<16x2048xf32, #tpu.memory_space<vmem>>) target(%dma_start3A_100 : memref<16x2048xf32, #tpu.memory_space<hbm>>) target_semaphore(%arg11 : memref<!tpu.dma_semaphore, #tpu.memory_space<semaphore_mem>>)
    %dma_wait3A_101 = arith.constant 0 : i32
    %dma_wait3A_102 = tpu.memref_slice %arg4[%add3A_96, %dma_wait3A_101] : memref<4096x2048xf32, #tpu.memory_space<hbm>> -> memref<16x2048xf32, #tpu.memory_space<hbm>>
    %dma_wait3A_103 = arith.constant 0 : i32
    %dma_wait3A_104 = tpu.memref_slice %arg4[%add3A_96, %dma_wait3A_103] : memref<4096x2048xf32, #tpu.memory_space<hbm>> -> memref<16x2048xf32, #tpu.memory_space<hbm>>
    tpu.wait_dma2 semaphore(%arg11 : memref<!tpu.dma_semaphore, #tpu.memory_space<semaphore_mem>>) src(%arg7 : memref<16x2048xf32, #tpu.memory_space<vmem>>) dst(%dma_wait3A_104 : memref<16x2048xf32, #tpu.memory_space<hbm>>)
    %add3A_105 = arith.constant 80 : i32
    %add3A_106 = arith.addi %mul3A_2, %add3A_105 : i32
    %dma_start3A_107 = arith.constant 0 : i32
    %dma_start3A_108 = tpu.memref_slice %arg5[%dma_start3A_107, %add3A_106] : memref<1x4096xi32, #tpu.memory_space<vmem>> -> memref<1x16xi32, #tpu.memory_space<vmem>>
    %dma_start3A_109 = tpu.memref_squeeze %dma_start3A_108 : memref<1x16xi32, #tpu.memory_space<vmem>> -> memref<16xi32, #tpu.memory_space<vmem>>
    %dma_start3A_110 = arith.constant 0 : i32
    %dma_start3A_111 = arith.constant 0 : i32
    %dma_start3A_112 = tpu.memref_slice %arg2[%dma_start3A_110, %dma_start3A_111] : memref<6144x2048xf32, #tpu.memory_space<hbm>> -> memref<6144x2048xf32, #tpu.memory_space<hbm>>
    tpu.enqueue_indirect_dma source(%dma_start3A_112 : memref<6144x2048xf32, #tpu.memory_space<hbm>>) target(%arg7 : memref<16x2048xf32, #tpu.memory_space<vmem>>) offsets(%dma_start3A_109 : memref<16xi32, #tpu.memory_space<vmem>>) semaphore(%arg9 : memref<!tpu.dma_semaphore, #tpu.memory_space<semaphore_mem>>)
    %dma_wait3A_113 = arith.constant 0 : i32
    %dma_wait3A_114 = tpu.memref_slice %arg5[%dma_wait3A_113, %add3A_82] : memref<1x4096xi32, #tpu.memory_space<vmem>> -> memref<1x16xi32, #tpu.memory_space<vmem>>
    %dma_wait3A_115 = tpu.memref_squeeze %dma_wait3A_114 : memref<1x16xi32, #tpu.memory_space<vmem>> -> memref<16xi32, #tpu.memory_space<vmem>>
    %dma_wait3A_116 = arith.constant 0 : i32
    %dma_wait3A_117 = arith.constant 0 : i32
    %dma_wait3A_118 = tpu.memref_slice %arg2[%dma_wait3A_116, %dma_wait3A_117] : memref<6144x2048xf32, #tpu.memory_space<hbm>> -> memref<6144x2048xf32, #tpu.memory_space<hbm>>
    tpu.wait_indirect_dma semaphore(%arg8 : memref<!tpu.dma_semaphore, #tpu.memory_space<semaphore_mem>>) src(%dma_wait3A_118 : memref<6144x2048xf32, #tpu.memory_space<hbm>>) dst(%arg6 : memref<16x2048xf32, #tpu.memory_space<vmem>>)
    %add3A_119 = arith.constant 64 : i32
    %add3A_120 = arith.addi %mul3A_2, %add3A_119 : i32
    %dma_start3A_121 = arith.constant 0 : i32
    %dma_start3A_122 = tpu.memref_slice %arg4[%add3A_120, %dma_start3A_121] : memref<4096x2048xf32, #tpu.memory_space<hbm>> -> memref<16x2048xf32, #tpu.memory_space<hbm>>
    %dma_start3A_123 = arith.constant 0 : i32
    %dma_start3A_124 = tpu.memref_slice %arg4[%add3A_120, %dma_start3A_123] : memref<4096x2048xf32, #tpu.memory_space<hbm>> -> memref<16x2048xf32, #tpu.memory_space<hbm>>
    tpu.enqueue_dma source(%arg6 : memref<16x2048xf32, #tpu.memory_space<vmem>>) target(%dma_start3A_124 : memref<16x2048xf32, #tpu.memory_space<hbm>>) target_semaphore(%arg10 : memref<!tpu.dma_semaphore, #tpu.memory_space<semaphore_mem>>)
    %dma_wait3A_125 = arith.constant 0 : i32
    %dma_wait3A_126 = tpu.memref_slice %arg4[%add3A_120, %dma_wait3A_125] : memref<4096x2048xf32, #tpu.memory_space<hbm>> -> memref<16x2048xf32, #tpu.memory_space<hbm>>
    %dma_wait3A_127 = arith.constant 0 : i32
    %dma_wait3A_128 = tpu.memref_slice %arg4[%add3A_120, %dma_wait3A_127] : memref<4096x2048xf32, #tpu.memory_space<hbm>> -> memref<16x2048xf32, #tpu.memory_space<hbm>>
    tpu.wait_dma2 semaphore(%arg10 : memref<!tpu.dma_semaphore, #tpu.memory_space<semaphore_mem>>) src(%arg6 : memref<16x2048xf32, #tpu.memory_space<vmem>>) dst(%dma_wait3A_128 : memref<16x2048xf32, #tpu.memory_space<hbm>>)
    %add3A_129 = arith.constant 96 : i32
    %add3A_130 = arith.addi %mul3A_2, %add3A_129 : i32
    %dma_start3A_131 = arith.constant 0 : i32
    %dma_start3A_132 = tpu.memref_slice %arg5[%dma_start3A_131, %add3A_130] : memref<1x4096xi32, #tpu.memory_space<vmem>> -> memref<1x16xi32, #tpu.memory_space<vmem>>
    %dma_start3A_133 = tpu.memref_squeeze %dma_start3A_132 : memref<1x16xi32, #tpu.memory_space<vmem>> -> memref<16xi32, #tpu.memory_space<vmem>>
    %dma_start3A_134 = arith.constant 0 : i32
    %dma_start3A_135 = arith.constant 0 : i32
    %dma_start3A_136 = tpu.memref_slice %arg2[%dma_start3A_134, %dma_start3A_135] : memref<6144x2048xf32, #tpu.memory_space<hbm>> -> memref<6144x2048xf32, #tpu.memory_space<hbm>>
    tpu.enqueue_indirect_dma source(%dma_start3A_136 : memref<6144x2048xf32, #tpu.memory_space<hbm>>) target(%arg6 : memref<16x2048xf32, #tpu.memory_space<vmem>>) offsets(%dma_start3A_133 : memref<16xi32, #tpu.memory_space<vmem>>) semaphore(%arg8 : memref<!tpu.dma_semaphore, #tpu.memory_space<semaphore_mem>>)
    %dma_wait3A_137 = arith.constant 0 : i32
    %dma_wait3A_138 = tpu.memref_slice %arg5[%dma_wait3A_137, %add3A_106] : memref<1x4096xi32, #tpu.memory_space<vmem>> -> memref<1x16xi32, #tpu.memory_space<vmem>>
    %dma_wait3A_139 = tpu.memref_squeeze %dma_wait3A_138 : memref<1x16xi32, #tpu.memory_space<vmem>> -> memref<16xi32, #tpu.memory_space<vmem>>
    %dma_wait3A_140 = arith.constant 0 : i32
    %dma_wait3A_141 = arith.constant 0 : i32
    %dma_wait3A_142 = tpu.memref_slice %arg2[%dma_wait3A_140, %dma_wait3A_141] : memref<6144x2048xf32, #tpu.memory_space<hbm>> -> memref<6144x2048xf32, #tpu.memory_space<hbm>>
    tpu.wait_indirect_dma semaphore(%arg9 : memref<!tpu.dma_semaphore, #tpu.memory_space<semaphore_mem>>) src(%dma_wait3A_142 : memref<6144x2048xf32, #tpu.memory_space<hbm>>) dst(%arg7 : memref<16x2048xf32, #tpu.memory_space<vmem>>)
    %add3A_143 = arith.constant 80 : i32
    %add3A_144 = arith.addi %mul3A_2, %add3A_143 : i32
    %dma_start3A_145 = arith.constant 0 : i32
    %dma_start3A_146 = tpu.memref_slice %arg4[%add3A_144, %dma_start3A_145] : memref<4096x2048xf32, #tpu.memory_space<hbm>> -> memref<16x2048xf32, #tpu.memory_space<hbm>>
    %dma_start3A_147 = arith.constant 0 : i32
    %dma_start3A_148 = tpu.memref_slice %arg4[%add3A_144, %dma_start3A_147] : memref<4096x2048xf32, #tpu.memory_space<hbm>> -> memref<16x2048xf32, #tpu.memory_space<hbm>>
    tpu.enqueue_dma source(%arg7 : memref<16x2048xf32, #tpu.memory_space<vmem>>) target(%dma_start3A_148 : memref<16x2048xf32, #tpu.memory_space<hbm>>) target_semaphore(%arg11 : memref<!tpu.dma_semaphore, #tpu.memory_space<semaphore_mem>>)
    %dma_wait3A_149 = arith.constant 0 : i32
    %dma_wait3A_150 = tpu.memref_slice %arg4[%add3A_144, %dma_wait3A_149] : memref<4096x2048xf32, #tpu.memory_space<hbm>> -> memref<16x2048xf32, #tpu.memory_space<hbm>>
    %dma_wait3A_151 = arith.constant 0 : i32
    %dma_wait3A_152 = tpu.memref_slice %arg4[%add3A_144, %dma_wait3A_151] : memref<4096x2048xf32, #tpu.memory_space<hbm>> -> memref<16x2048xf32, #tpu.memory_space<hbm>>
    tpu.wait_dma2 semaphore(%arg11 : memref<!tpu.dma_semaphore, #tpu.memory_space<semaphore_mem>>) src(%arg7 : memref<16x2048xf32, #tpu.memory_space<vmem>>) dst(%dma_wait3A_152 : memref<16x2048xf32, #tpu.memory_space<hbm>>)
    %add3A_153 = arith.constant 112 : i32
    %add3A_154 = arith.addi %mul3A_2, %add3A_153 : i32
    %dma_start3A_155 = arith.constant 0 : i32
    %dma_start3A_156 = tpu.memref_slice %arg5[%dma_start3A_155, %add3A_154] : memref<1x4096xi32, #tpu.memory_space<vmem>> -> memref<1x16xi32, #tpu.memory_space<vmem>>
    %dma_start3A_157 = tpu.memref_squeeze %dma_start3A_156 : memref<1x16xi32, #tpu.memory_space<vmem>> -> memref<16xi32, #tpu.memory_space<vmem>>
    %dma_start3A_158 = arith.constant 0 : i32
    %dma_start3A_159 = arith.constant 0 : i32
    %dma_start3A_160 = tpu.memref_slice %arg2[%dma_start3A_158, %dma_start3A_159] : memref<6144x2048xf32, #tpu.memory_space<hbm>> -> memref<6144x2048xf32, #tpu.memory_space<hbm>>
    tpu.enqueue_indirect_dma source(%dma_start3A_160 : memref<6144x2048xf32, #tpu.memory_space<hbm>>) target(%arg7 : memref<16x2048xf32, #tpu.memory_space<vmem>>) offsets(%dma_start3A_157 : memref<16xi32, #tpu.memory_space<vmem>>) semaphore(%arg9 : memref<!tpu.dma_semaphore, #tpu.memory_space<semaphore_mem>>)
    %dma_wait3A_161 = arith.constant 0 : i32
    %dma_wait3A_162 = tpu.memref_slice %arg5[%dma_wait3A_161, %add3A_130] : memref<1x4096xi32, #tpu.memory_space<vmem>> -> memref<1x16xi32, #tpu.memory_space<vmem>>
    %dma_wait3A_163 = tpu.memref_squeeze %dma_wait3A_162 : memref<1x16xi32, #tpu.memory_space<vmem>> -> memref<16xi32, #tpu.memory_space<vmem>>
    %dma_wait3A_164 = arith.constant 0 : i32
    %dma_wait3A_165 = arith.constant 0 : i32
    %dma_wait3A_166 = tpu.memref_slice %arg2[%dma_wait3A_164, %dma_wait3A_165] : memref<6144x2048xf32, #tpu.memory_space<hbm>> -> memref<6144x2048xf32, #tpu.memory_space<hbm>>
    tpu.wait_indirect_dma semaphore(%arg8 : memref<!tpu.dma_semaphore, #tpu.memory_space<semaphore_mem>>) src(%dma_wait3A_166 : memref<6144x2048xf32, #tpu.memory_space<hbm>>) dst(%arg6 : memref<16x2048xf32, #tpu.memory_space<vmem>>)
    %add3A_167 = arith.constant 96 : i32
    %add3A_168 = arith.addi %mul3A_2, %add3A_167 : i32
    %dma_start3A_169 = arith.constant 0 : i32
    %dma_start3A_170 = tpu.memref_slice %arg4[%add3A_168, %dma_start3A_169] : memref<4096x2048xf32, #tpu.memory_space<hbm>> -> memref<16x2048xf32, #tpu.memory_space<hbm>>
    %dma_start3A_171 = arith.constant 0 : i32
    %dma_start3A_172 = tpu.memref_slice %arg4[%add3A_168, %dma_start3A_171] : memref<4096x2048xf32, #tpu.memory_space<hbm>> -> memref<16x2048xf32, #tpu.memory_space<hbm>>
    tpu.enqueue_dma source(%arg6 : memref<16x2048xf32, #tpu.memory_space<vmem>>) target(%dma_start3A_172 : memref<16x2048xf32, #tpu.memory_space<hbm>>) target_semaphore(%arg10 : memref<!tpu.dma_semaphore, #tpu.memory_space<semaphore_mem>>)
    %dma_wait3A_173 = arith.constant 0 : i32
    %dma_wait3A_174 = tpu.memref_slice %arg5[%dma_wait3A_173, %add3A_154] : memref<1x4096xi32, #tpu.memory_space<vmem>> -> memref<1x16xi32, #tpu.memory_space<vmem>>
    %dma_wait3A_175 = tpu.memref_squeeze %dma_wait3A_174 : memref<1x16xi32, #tpu.memory_space<vmem>> -> memref<16xi32, #tpu.memory_space<vmem>>
    %dma_wait3A_176 = arith.constant 0 : i32
    %dma_wait3A_177 = arith.constant 0 : i32
    %dma_wait3A_178 = tpu.memref_slice %arg2[%dma_wait3A_176, %dma_wait3A_177] : memref<6144x2048xf32, #tpu.memory_space<hbm>> -> memref<6144x2048xf32, #tpu.memory_space<hbm>>
    tpu.wait_indirect_dma semaphore(%arg9 : memref<!tpu.dma_semaphore, #tpu.memory_space<semaphore_mem>>) src(%dma_wait3A_178 : memref<6144x2048xf32, #tpu.memory_space<hbm>>) dst(%arg7 : memref<16x2048xf32, #tpu.memory_space<vmem>>)
    %add3A_179 = arith.constant 112 : i32
    %add3A_180 = arith.addi %mul3A_2, %add3A_179 : i32
    %dma_start3A_181 = arith.constant 0 : i32
    %dma_start3A_182 = tpu.memref_slice %arg4[%add3A_180, %dma_start3A_181] : memref<4096x2048xf32, #tpu.memory_space<hbm>> -> memref<16x2048xf32, #tpu.memory_space<hbm>>
    %dma_start3A_183 = arith.constant 0 : i32
    %dma_start3A_184 = tpu.memref_slice %arg4[%add3A_180, %dma_start3A_183] : memref<4096x2048xf32, #tpu.memory_space<hbm>> -> memref<16x2048xf32, #tpu.memory_space<hbm>>
    tpu.enqueue_dma source(%arg7 : memref<16x2048xf32, #tpu.memory_space<vmem>>) target(%dma_start3A_184 : memref<16x2048xf32, #tpu.memory_space<hbm>>) target_semaphore(%arg11 : memref<!tpu.dma_semaphore, #tpu.memory_space<semaphore_mem>>)
    %dma_wait3A_185 = arith.constant 0 : i32
    %dma_wait3A_186 = tpu.memref_slice %arg4[%add3A_180, %dma_wait3A_185] : memref<4096x2048xf32, #tpu.memory_space<hbm>> -> memref<16x2048xf32, #tpu.memory_space<hbm>>
    %dma_wait3A_187 = arith.constant 0 : i32
    %dma_wait3A_188 = tpu.memref_slice %arg4[%add3A_180, %dma_wait3A_187] : memref<4096x2048xf32, #tpu.memory_space<hbm>> -> memref<16x2048xf32, #tpu.memory_space<hbm>>
    tpu.wait_dma2 semaphore(%arg11 : memref<!tpu.dma_semaphore, #tpu.memory_space<semaphore_mem>>) src(%arg7 : memref<16x2048xf32, #tpu.memory_space<vmem>>) dst(%dma_wait3A_188 : memref<16x2048xf32, #tpu.memory_space<hbm>>)
    %dma_wait3A_189 = arith.constant 0 : i32
    %dma_wait3A_190 = tpu.memref_slice %arg4[%add3A_168, %dma_wait3A_189] : memref<4096x2048xf32, #tpu.memory_space<hbm>> -> memref<16x2048xf32, #tpu.memory_space<hbm>>
    %dma_wait3A_191 = arith.constant 0 : i32
    %dma_wait3A_192 = tpu.memref_slice %arg4[%add3A_168, %dma_wait3A_191] : memref<4096x2048xf32, #tpu.memory_space<hbm>> -> memref<16x2048xf32, #tpu.memory_space<hbm>>
    tpu.wait_dma2 semaphore(%arg10 : memref<!tpu.dma_semaphore, #tpu.memory_space<semaphore_mem>>) src(%arg6 : memref<16x2048xf32, #tpu.memory_space<vmem>>) dst(%dma_wait3A_192 : memref<16x2048xf32, #tpu.memory_space<hbm>>)
    return
  }
}

#map = affine_map<(d0, d1) -> (0, 0)>
module attributes {stable_mosaic.version = 14 : i64} {
  func.func @k(%arg0: i32, %arg1: i32, %arg2: memref<6144x1024xf32, #tpu.memory_space<hbm>>, %arg3: memref<1x4096xi32, #tpu.memory_space<hbm>>, %arg4: memref<4096x1024xf32, #tpu.memory_space<hbm>>, %arg5: memref<1x4096xi32, #tpu.memory_space<vmem>>, %arg6: memref<32x1024xf32, #tpu.memory_space<vmem>>, %arg7: memref<32x1024xf32, #tpu.memory_space<vmem>>, %arg8: memref<!tpu.dma_semaphore, #tpu.memory_space<semaphore_mem>>, %arg9: memref<!tpu.dma_semaphore, #tpu.memory_space<semaphore_mem>>, %arg10: memref<!tpu.dma_semaphore, #tpu.memory_space<semaphore_mem>>, %arg11: memref<!tpu.dma_semaphore, #tpu.memory_space<semaphore_mem>>) attributes {dimension_semantics = [#tpu.dimension_semantics<core_parallel>, #tpu.dimension_semantics<subcore_parallel>], iteration_bounds = array<i64: 2, 16>, scalar_prefetch = 0 : i64, scratch_operands = 7 : i64, tpu.core_type = #tpu.core_type<sc_vector_subcore>, window_params = [{transform_indices = #map}, {transform_indices = #map}, {transform_indices = #map}]} {
    %mul3A = arith.constant 16 : i32
    %mul3A_0 = arith.muli %arg0, %mul3A : i32
    %add3A = arith.addi %mul3A_0, %arg1 : i32
    "tpu.region"() ({
      %run_scoped3A = tpu.sem_alloc : memref<!tpu.dma_semaphore, #tpu.memory_space<semaphore_mem>>
      tpu.enqueue_dma source(%arg3 : memref<1x4096xi32, #tpu.memory_space<hbm>>) target(%arg5 : memref<1x4096xi32, #tpu.memory_space<vmem>>) target_semaphore(%run_scoped3A : memref<!tpu.dma_semaphore, #tpu.memory_space<semaphore_mem>>)
      tpu.wait_dma2 semaphore(%run_scoped3A : memref<!tpu.dma_semaphore, #tpu.memory_space<semaphore_mem>>) src(%arg3 : memref<1x4096xi32, #tpu.memory_space<hbm>>) dst(%arg5 : memref<1x4096xi32, #tpu.memory_space<vmem>>)
      tpu.yield
    }) : () -> ()
    %mul3A_1 = arith.constant 128 : i32
    %mul3A_2 = arith.muli %add3A, %mul3A_1 : i32
    %add3A_3 = arith.constant 0 : i32
    %add3A_4 = arith.addi %mul3A_2, %add3A_3 : i32
    %dma_start3A = arith.constant 0 : i32
    %dma_start3A_5 = tpu.memref_slice %arg5[%dma_start3A, %add3A_4] : memref<1x4096xi32, #tpu.memory_space<vmem>> -> memref<1x32xi32, #tpu.memory_space<vmem>>
    %dma_start3A_6 = tpu.memref_squeeze %dma_start3A_5 : memref<1x32xi32, #tpu.memory_space<vmem>> -> memref<32xi32, #tpu.memory_space<vmem>>
    %dma_start3A_7 = arith.constant 0 : i32
    %dma_start3A_8 = arith.constant 0 : i32
    %dma_start3A_9 = tpu.memref_slice %arg2[%dma_start3A_7, %dma_start3A_8] : memref<6144x1024xf32, #tpu.memory_space<hbm>> -> memref<6144x1024xf32, #tpu.memory_space<hbm>>
    tpu.enqueue_indirect_dma source(%dma_start3A_9 : memref<6144x1024xf32, #tpu.memory_space<hbm>>) target(%arg6 : memref<32x1024xf32, #tpu.memory_space<vmem>>) offsets(%dma_start3A_6 : memref<32xi32, #tpu.memory_space<vmem>>) semaphore(%arg8 : memref<!tpu.dma_semaphore, #tpu.memory_space<semaphore_mem>>)
    %add3A_10 = arith.constant 32 : i32
    %add3A_11 = arith.addi %mul3A_2, %add3A_10 : i32
    %dma_start3A_12 = arith.constant 0 : i32
    %dma_start3A_13 = tpu.memref_slice %arg5[%dma_start3A_12, %add3A_11] : memref<1x4096xi32, #tpu.memory_space<vmem>> -> memref<1x32xi32, #tpu.memory_space<vmem>>
    %dma_start3A_14 = tpu.memref_squeeze %dma_start3A_13 : memref<1x32xi32, #tpu.memory_space<vmem>> -> memref<32xi32, #tpu.memory_space<vmem>>
    %dma_start3A_15 = arith.constant 0 : i32
    %dma_start3A_16 = arith.constant 0 : i32
    %dma_start3A_17 = tpu.memref_slice %arg2[%dma_start3A_15, %dma_start3A_16] : memref<6144x1024xf32, #tpu.memory_space<hbm>> -> memref<6144x1024xf32, #tpu.memory_space<hbm>>
    tpu.enqueue_indirect_dma source(%dma_start3A_17 : memref<6144x1024xf32, #tpu.memory_space<hbm>>) target(%arg7 : memref<32x1024xf32, #tpu.memory_space<vmem>>) offsets(%dma_start3A_14 : memref<32xi32, #tpu.memory_space<vmem>>) semaphore(%arg9 : memref<!tpu.dma_semaphore, #tpu.memory_space<semaphore_mem>>)
    %dma_wait3A = arith.constant 0 : i32
    %dma_wait3A_18 = tpu.memref_slice %arg5[%dma_wait3A, %add3A_4] : memref<1x4096xi32, #tpu.memory_space<vmem>> -> memref<1x32xi32, #tpu.memory_space<vmem>>
    %dma_wait3A_19 = tpu.memref_squeeze %dma_wait3A_18 : memref<1x32xi32, #tpu.memory_space<vmem>> -> memref<32xi32, #tpu.memory_space<vmem>>
    %dma_wait3A_20 = arith.constant 0 : i32
    %dma_wait3A_21 = arith.constant 0 : i32
    %dma_wait3A_22 = tpu.memref_slice %arg2[%dma_wait3A_20, %dma_wait3A_21] : memref<6144x1024xf32, #tpu.memory_space<hbm>> -> memref<6144x1024xf32, #tpu.memory_space<hbm>>
    tpu.wait_indirect_dma semaphore(%arg8 : memref<!tpu.dma_semaphore, #tpu.memory_space<semaphore_mem>>) src(%dma_wait3A_22 : memref<6144x1024xf32, #tpu.memory_space<hbm>>) dst(%arg6 : memref<32x1024xf32, #tpu.memory_space<vmem>>)
    %add3A_23 = arith.constant 0 : i32
    %add3A_24 = arith.addi %mul3A_2, %add3A_23 : i32
    %dma_start3A_25 = arith.constant 0 : i32
    %dma_start3A_26 = tpu.memref_slice %arg4[%add3A_24, %dma_start3A_25] : memref<4096x1024xf32, #tpu.memory_space<hbm>> -> memref<32x1024xf32, #tpu.memory_space<hbm>>
    %dma_start3A_27 = arith.constant 0 : i32
    %dma_start3A_28 = tpu.memref_slice %arg4[%add3A_24, %dma_start3A_27] : memref<4096x1024xf32, #tpu.memory_space<hbm>> -> memref<32x1024xf32, #tpu.memory_space<hbm>>
    tpu.enqueue_dma source(%arg6 : memref<32x1024xf32, #tpu.memory_space<vmem>>) target(%dma_start3A_28 : memref<32x1024xf32, #tpu.memory_space<hbm>>) target_semaphore(%arg10 : memref<!tpu.dma_semaphore, #tpu.memory_space<semaphore_mem>>)
    %dma_wait3A_29 = arith.constant 0 : i32
    %dma_wait3A_30 = tpu.memref_slice %arg4[%add3A_24, %dma_wait3A_29] : memref<4096x1024xf32, #tpu.memory_space<hbm>> -> memref<32x1024xf32, #tpu.memory_space<hbm>>
    %dma_wait3A_31 = arith.constant 0 : i32
    %dma_wait3A_32 = tpu.memref_slice %arg4[%add3A_24, %dma_wait3A_31] : memref<4096x1024xf32, #tpu.memory_space<hbm>> -> memref<32x1024xf32, #tpu.memory_space<hbm>>
    tpu.wait_dma2 semaphore(%arg10 : memref<!tpu.dma_semaphore, #tpu.memory_space<semaphore_mem>>) src(%arg6 : memref<32x1024xf32, #tpu.memory_space<vmem>>) dst(%dma_wait3A_32 : memref<32x1024xf32, #tpu.memory_space<hbm>>)
    %add3A_33 = arith.constant 64 : i32
    %add3A_34 = arith.addi %mul3A_2, %add3A_33 : i32
    %dma_start3A_35 = arith.constant 0 : i32
    %dma_start3A_36 = tpu.memref_slice %arg5[%dma_start3A_35, %add3A_34] : memref<1x4096xi32, #tpu.memory_space<vmem>> -> memref<1x32xi32, #tpu.memory_space<vmem>>
    %dma_start3A_37 = tpu.memref_squeeze %dma_start3A_36 : memref<1x32xi32, #tpu.memory_space<vmem>> -> memref<32xi32, #tpu.memory_space<vmem>>
    %dma_start3A_38 = arith.constant 0 : i32
    %dma_start3A_39 = arith.constant 0 : i32
    %dma_start3A_40 = tpu.memref_slice %arg2[%dma_start3A_38, %dma_start3A_39] : memref<6144x1024xf32, #tpu.memory_space<hbm>> -> memref<6144x1024xf32, #tpu.memory_space<hbm>>
    tpu.enqueue_indirect_dma source(%dma_start3A_40 : memref<6144x1024xf32, #tpu.memory_space<hbm>>) target(%arg6 : memref<32x1024xf32, #tpu.memory_space<vmem>>) offsets(%dma_start3A_37 : memref<32xi32, #tpu.memory_space<vmem>>) semaphore(%arg8 : memref<!tpu.dma_semaphore, #tpu.memory_space<semaphore_mem>>)
    %dma_wait3A_41 = arith.constant 0 : i32
    %dma_wait3A_42 = tpu.memref_slice %arg5[%dma_wait3A_41, %add3A_11] : memref<1x4096xi32, #tpu.memory_space<vmem>> -> memref<1x32xi32, #tpu.memory_space<vmem>>
    %dma_wait3A_43 = tpu.memref_squeeze %dma_wait3A_42 : memref<1x32xi32, #tpu.memory_space<vmem>> -> memref<32xi32, #tpu.memory_space<vmem>>
    %dma_wait3A_44 = arith.constant 0 : i32
    %dma_wait3A_45 = arith.constant 0 : i32
    %dma_wait3A_46 = tpu.memref_slice %arg2[%dma_wait3A_44, %dma_wait3A_45] : memref<6144x1024xf32, #tpu.memory_space<hbm>> -> memref<6144x1024xf32, #tpu.memory_space<hbm>>
    tpu.wait_indirect_dma semaphore(%arg9 : memref<!tpu.dma_semaphore, #tpu.memory_space<semaphore_mem>>) src(%dma_wait3A_46 : memref<6144x1024xf32, #tpu.memory_space<hbm>>) dst(%arg7 : memref<32x1024xf32, #tpu.memory_space<vmem>>)
    %add3A_47 = arith.constant 32 : i32
    %add3A_48 = arith.addi %mul3A_2, %add3A_47 : i32
    %dma_start3A_49 = arith.constant 0 : i32
    %dma_start3A_50 = tpu.memref_slice %arg4[%add3A_48, %dma_start3A_49] : memref<4096x1024xf32, #tpu.memory_space<hbm>> -> memref<32x1024xf32, #tpu.memory_space<hbm>>
    %dma_start3A_51 = arith.constant 0 : i32
    %dma_start3A_52 = tpu.memref_slice %arg4[%add3A_48, %dma_start3A_51] : memref<4096x1024xf32, #tpu.memory_space<hbm>> -> memref<32x1024xf32, #tpu.memory_space<hbm>>
    tpu.enqueue_dma source(%arg7 : memref<32x1024xf32, #tpu.memory_space<vmem>>) target(%dma_start3A_52 : memref<32x1024xf32, #tpu.memory_space<hbm>>) target_semaphore(%arg11 : memref<!tpu.dma_semaphore, #tpu.memory_space<semaphore_mem>>)
    %dma_wait3A_53 = arith.constant 0 : i32
    %dma_wait3A_54 = tpu.memref_slice %arg4[%add3A_48, %dma_wait3A_53] : memref<4096x1024xf32, #tpu.memory_space<hbm>> -> memref<32x1024xf32, #tpu.memory_space<hbm>>
    %dma_wait3A_55 = arith.constant 0 : i32
    %dma_wait3A_56 = tpu.memref_slice %arg4[%add3A_48, %dma_wait3A_55] : memref<4096x1024xf32, #tpu.memory_space<hbm>> -> memref<32x1024xf32, #tpu.memory_space<hbm>>
    tpu.wait_dma2 semaphore(%arg11 : memref<!tpu.dma_semaphore, #tpu.memory_space<semaphore_mem>>) src(%arg7 : memref<32x1024xf32, #tpu.memory_space<vmem>>) dst(%dma_wait3A_56 : memref<32x1024xf32, #tpu.memory_space<hbm>>)
    %add3A_57 = arith.constant 96 : i32
    %add3A_58 = arith.addi %mul3A_2, %add3A_57 : i32
    %dma_start3A_59 = arith.constant 0 : i32
    %dma_start3A_60 = tpu.memref_slice %arg5[%dma_start3A_59, %add3A_58] : memref<1x4096xi32, #tpu.memory_space<vmem>> -> memref<1x32xi32, #tpu.memory_space<vmem>>
    %dma_start3A_61 = tpu.memref_squeeze %dma_start3A_60 : memref<1x32xi32, #tpu.memory_space<vmem>> -> memref<32xi32, #tpu.memory_space<vmem>>
    %dma_start3A_62 = arith.constant 0 : i32
    %dma_start3A_63 = arith.constant 0 : i32
    %dma_start3A_64 = tpu.memref_slice %arg2[%dma_start3A_62, %dma_start3A_63] : memref<6144x1024xf32, #tpu.memory_space<hbm>> -> memref<6144x1024xf32, #tpu.memory_space<hbm>>
    tpu.enqueue_indirect_dma source(%dma_start3A_64 : memref<6144x1024xf32, #tpu.memory_space<hbm>>) target(%arg7 : memref<32x1024xf32, #tpu.memory_space<vmem>>) offsets(%dma_start3A_61 : memref<32xi32, #tpu.memory_space<vmem>>) semaphore(%arg9 : memref<!tpu.dma_semaphore, #tpu.memory_space<semaphore_mem>>)
    %dma_wait3A_65 = arith.constant 0 : i32
    %dma_wait3A_66 = tpu.memref_slice %arg5[%dma_wait3A_65, %add3A_34] : memref<1x4096xi32, #tpu.memory_space<vmem>> -> memref<1x32xi32, #tpu.memory_space<vmem>>
    %dma_wait3A_67 = tpu.memref_squeeze %dma_wait3A_66 : memref<1x32xi32, #tpu.memory_space<vmem>> -> memref<32xi32, #tpu.memory_space<vmem>>
    %dma_wait3A_68 = arith.constant 0 : i32
    %dma_wait3A_69 = arith.constant 0 : i32
    %dma_wait3A_70 = tpu.memref_slice %arg2[%dma_wait3A_68, %dma_wait3A_69] : memref<6144x1024xf32, #tpu.memory_space<hbm>> -> memref<6144x1024xf32, #tpu.memory_space<hbm>>
    tpu.wait_indirect_dma semaphore(%arg8 : memref<!tpu.dma_semaphore, #tpu.memory_space<semaphore_mem>>) src(%dma_wait3A_70 : memref<6144x1024xf32, #tpu.memory_space<hbm>>) dst(%arg6 : memref<32x1024xf32, #tpu.memory_space<vmem>>)
    %add3A_71 = arith.constant 64 : i32
    %add3A_72 = arith.addi %mul3A_2, %add3A_71 : i32
    %dma_start3A_73 = arith.constant 0 : i32
    %dma_start3A_74 = tpu.memref_slice %arg4[%add3A_72, %dma_start3A_73] : memref<4096x1024xf32, #tpu.memory_space<hbm>> -> memref<32x1024xf32, #tpu.memory_space<hbm>>
    %dma_start3A_75 = arith.constant 0 : i32
    %dma_start3A_76 = tpu.memref_slice %arg4[%add3A_72, %dma_start3A_75] : memref<4096x1024xf32, #tpu.memory_space<hbm>> -> memref<32x1024xf32, #tpu.memory_space<hbm>>
    tpu.enqueue_dma source(%arg6 : memref<32x1024xf32, #tpu.memory_space<vmem>>) target(%dma_start3A_76 : memref<32x1024xf32, #tpu.memory_space<hbm>>) target_semaphore(%arg10 : memref<!tpu.dma_semaphore, #tpu.memory_space<semaphore_mem>>)
    %dma_wait3A_77 = arith.constant 0 : i32
    %dma_wait3A_78 = tpu.memref_slice %arg5[%dma_wait3A_77, %add3A_58] : memref<1x4096xi32, #tpu.memory_space<vmem>> -> memref<1x32xi32, #tpu.memory_space<vmem>>
    %dma_wait3A_79 = tpu.memref_squeeze %dma_wait3A_78 : memref<1x32xi32, #tpu.memory_space<vmem>> -> memref<32xi32, #tpu.memory_space<vmem>>
    %dma_wait3A_80 = arith.constant 0 : i32
    %dma_wait3A_81 = arith.constant 0 : i32
    %dma_wait3A_82 = tpu.memref_slice %arg2[%dma_wait3A_80, %dma_wait3A_81] : memref<6144x1024xf32, #tpu.memory_space<hbm>> -> memref<6144x1024xf32, #tpu.memory_space<hbm>>
    tpu.wait_indirect_dma semaphore(%arg9 : memref<!tpu.dma_semaphore, #tpu.memory_space<semaphore_mem>>) src(%dma_wait3A_82 : memref<6144x1024xf32, #tpu.memory_space<hbm>>) dst(%arg7 : memref<32x1024xf32, #tpu.memory_space<vmem>>)
    %add3A_83 = arith.constant 96 : i32
    %add3A_84 = arith.addi %mul3A_2, %add3A_83 : i32
    %dma_start3A_85 = arith.constant 0 : i32
    %dma_start3A_86 = tpu.memref_slice %arg4[%add3A_84, %dma_start3A_85] : memref<4096x1024xf32, #tpu.memory_space<hbm>> -> memref<32x1024xf32, #tpu.memory_space<hbm>>
    %dma_start3A_87 = arith.constant 0 : i32
    %dma_start3A_88 = tpu.memref_slice %arg4[%add3A_84, %dma_start3A_87] : memref<4096x1024xf32, #tpu.memory_space<hbm>> -> memref<32x1024xf32, #tpu.memory_space<hbm>>
    tpu.enqueue_dma source(%arg7 : memref<32x1024xf32, #tpu.memory_space<vmem>>) target(%dma_start3A_88 : memref<32x1024xf32, #tpu.memory_space<hbm>>) target_semaphore(%arg11 : memref<!tpu.dma_semaphore, #tpu.memory_space<semaphore_mem>>)
    %dma_wait3A_89 = arith.constant 0 : i32
    %dma_wait3A_90 = tpu.memref_slice %arg4[%add3A_84, %dma_wait3A_89] : memref<4096x1024xf32, #tpu.memory_space<hbm>> -> memref<32x1024xf32, #tpu.memory_space<hbm>>
    %dma_wait3A_91 = arith.constant 0 : i32
    %dma_wait3A_92 = tpu.memref_slice %arg4[%add3A_84, %dma_wait3A_91] : memref<4096x1024xf32, #tpu.memory_space<hbm>> -> memref<32x1024xf32, #tpu.memory_space<hbm>>
    tpu.wait_dma2 semaphore(%arg11 : memref<!tpu.dma_semaphore, #tpu.memory_space<semaphore_mem>>) src(%arg7 : memref<32x1024xf32, #tpu.memory_space<vmem>>) dst(%dma_wait3A_92 : memref<32x1024xf32, #tpu.memory_space<hbm>>)
    %dma_wait3A_93 = arith.constant 0 : i32
    %dma_wait3A_94 = tpu.memref_slice %arg4[%add3A_72, %dma_wait3A_93] : memref<4096x1024xf32, #tpu.memory_space<hbm>> -> memref<32x1024xf32, #tpu.memory_space<hbm>>
    %dma_wait3A_95 = arith.constant 0 : i32
    %dma_wait3A_96 = tpu.memref_slice %arg4[%add3A_72, %dma_wait3A_95] : memref<4096x1024xf32, #tpu.memory_space<hbm>> -> memref<32x1024xf32, #tpu.memory_space<hbm>>
    tpu.wait_dma2 semaphore(%arg10 : memref<!tpu.dma_semaphore, #tpu.memory_space<semaphore_mem>>) src(%arg6 : memref<32x1024xf32, #tpu.memory_space<vmem>>) dst(%dma_wait3A_96 : memref<32x1024xf32, #tpu.memory_space<hbm>>)
    return
  }
}

#map = affine_map<(d0, d1) -> (0, 0)>
module attributes {stable_mosaic.version = 14 : i64} {
  func.func @k(%arg0: i32, %arg1: i32, %arg2: memref<2048x1024xf32, #tpu.memory_space<hbm>>, %arg3: memref<1x6144xi32, #tpu.memory_space<hbm>>, %arg4: memref<6144x1024xf32, #tpu.memory_space<hbm>>, %arg5: memref<1x6144xi32, #tpu.memory_space<vmem>>, %arg6: memref<32x1024xf32, #tpu.memory_space<vmem>>, %arg7: memref<32x1024xf32, #tpu.memory_space<vmem>>, %arg8: memref<!tpu.dma_semaphore, #tpu.memory_space<semaphore_mem>>, %arg9: memref<!tpu.dma_semaphore, #tpu.memory_space<semaphore_mem>>, %arg10: memref<!tpu.dma_semaphore, #tpu.memory_space<semaphore_mem>>, %arg11: memref<!tpu.dma_semaphore, #tpu.memory_space<semaphore_mem>>) attributes {dimension_semantics = [#tpu.dimension_semantics<core_parallel>, #tpu.dimension_semantics<subcore_parallel>], iteration_bounds = array<i64: 2, 16>, scalar_prefetch = 0 : i64, scratch_operands = 7 : i64, tpu.core_type = #tpu.core_type<sc_vector_subcore>, window_params = [{transform_indices = #map}, {transform_indices = #map}, {transform_indices = #map}]} {
    %mul3A = arith.constant 16 : i32
    %mul3A_0 = arith.muli %arg0, %mul3A : i32
    %add3A = arith.addi %mul3A_0, %arg1 : i32
    "tpu.region"() ({
      %run_scoped3A = tpu.sem_alloc : memref<!tpu.dma_semaphore, #tpu.memory_space<semaphore_mem>>
      tpu.enqueue_dma source(%arg3 : memref<1x6144xi32, #tpu.memory_space<hbm>>) target(%arg5 : memref<1x6144xi32, #tpu.memory_space<vmem>>) target_semaphore(%run_scoped3A : memref<!tpu.dma_semaphore, #tpu.memory_space<semaphore_mem>>)
      tpu.wait_dma2 semaphore(%run_scoped3A : memref<!tpu.dma_semaphore, #tpu.memory_space<semaphore_mem>>) src(%arg3 : memref<1x6144xi32, #tpu.memory_space<hbm>>) dst(%arg5 : memref<1x6144xi32, #tpu.memory_space<vmem>>)
      tpu.yield
    }) : () -> ()
    %mul3A_1 = arith.constant 192 : i32
    %mul3A_2 = arith.muli %add3A, %mul3A_1 : i32
    %add3A_3 = arith.constant 0 : i32
    %add3A_4 = arith.addi %mul3A_2, %add3A_3 : i32
    %dma_start3A = arith.constant 0 : i32
    %dma_start3A_5 = tpu.memref_slice %arg5[%dma_start3A, %add3A_4] : memref<1x6144xi32, #tpu.memory_space<vmem>> -> memref<1x32xi32, #tpu.memory_space<vmem>>
    %dma_start3A_6 = tpu.memref_squeeze %dma_start3A_5 : memref<1x32xi32, #tpu.memory_space<vmem>> -> memref<32xi32, #tpu.memory_space<vmem>>
    %dma_start3A_7 = arith.constant 0 : i32
    %dma_start3A_8 = arith.constant 0 : i32
    %dma_start3A_9 = tpu.memref_slice %arg2[%dma_start3A_7, %dma_start3A_8] : memref<2048x1024xf32, #tpu.memory_space<hbm>> -> memref<2048x1024xf32, #tpu.memory_space<hbm>>
    tpu.enqueue_indirect_dma source(%dma_start3A_9 : memref<2048x1024xf32, #tpu.memory_space<hbm>>) target(%arg6 : memref<32x1024xf32, #tpu.memory_space<vmem>>) offsets(%dma_start3A_6 : memref<32xi32, #tpu.memory_space<vmem>>) semaphore(%arg8 : memref<!tpu.dma_semaphore, #tpu.memory_space<semaphore_mem>>)
    %add3A_10 = arith.constant 32 : i32
    %add3A_11 = arith.addi %mul3A_2, %add3A_10 : i32
    %dma_start3A_12 = arith.constant 0 : i32
    %dma_start3A_13 = tpu.memref_slice %arg5[%dma_start3A_12, %add3A_11] : memref<1x6144xi32, #tpu.memory_space<vmem>> -> memref<1x32xi32, #tpu.memory_space<vmem>>
    %dma_start3A_14 = tpu.memref_squeeze %dma_start3A_13 : memref<1x32xi32, #tpu.memory_space<vmem>> -> memref<32xi32, #tpu.memory_space<vmem>>
    %dma_start3A_15 = arith.constant 0 : i32
    %dma_start3A_16 = arith.constant 0 : i32
    %dma_start3A_17 = tpu.memref_slice %arg2[%dma_start3A_15, %dma_start3A_16] : memref<2048x1024xf32, #tpu.memory_space<hbm>> -> memref<2048x1024xf32, #tpu.memory_space<hbm>>
    tpu.enqueue_indirect_dma source(%dma_start3A_17 : memref<2048x1024xf32, #tpu.memory_space<hbm>>) target(%arg7 : memref<32x1024xf32, #tpu.memory_space<vmem>>) offsets(%dma_start3A_14 : memref<32xi32, #tpu.memory_space<vmem>>) semaphore(%arg9 : memref<!tpu.dma_semaphore, #tpu.memory_space<semaphore_mem>>)
    %dma_wait3A = arith.constant 0 : i32
    %dma_wait3A_18 = tpu.memref_slice %arg5[%dma_wait3A, %add3A_4] : memref<1x6144xi32, #tpu.memory_space<vmem>> -> memref<1x32xi32, #tpu.memory_space<vmem>>
    %dma_wait3A_19 = tpu.memref_squeeze %dma_wait3A_18 : memref<1x32xi32, #tpu.memory_space<vmem>> -> memref<32xi32, #tpu.memory_space<vmem>>
    %dma_wait3A_20 = arith.constant 0 : i32
    %dma_wait3A_21 = arith.constant 0 : i32
    %dma_wait3A_22 = tpu.memref_slice %arg2[%dma_wait3A_20, %dma_wait3A_21] : memref<2048x1024xf32, #tpu.memory_space<hbm>> -> memref<2048x1024xf32, #tpu.memory_space<hbm>>
    tpu.wait_indirect_dma semaphore(%arg8 : memref<!tpu.dma_semaphore, #tpu.memory_space<semaphore_mem>>) src(%dma_wait3A_22 : memref<2048x1024xf32, #tpu.memory_space<hbm>>) dst(%arg6 : memref<32x1024xf32, #tpu.memory_space<vmem>>)
    %add3A_23 = arith.constant 0 : i32
    %add3A_24 = arith.addi %mul3A_2, %add3A_23 : i32
    %dma_start3A_25 = arith.constant 0 : i32
    %dma_start3A_26 = tpu.memref_slice %arg4[%add3A_24, %dma_start3A_25] : memref<6144x1024xf32, #tpu.memory_space<hbm>> -> memref<32x1024xf32, #tpu.memory_space<hbm>>
    %dma_start3A_27 = arith.constant 0 : i32
    %dma_start3A_28 = tpu.memref_slice %arg4[%add3A_24, %dma_start3A_27] : memref<6144x1024xf32, #tpu.memory_space<hbm>> -> memref<32x1024xf32, #tpu.memory_space<hbm>>
    tpu.enqueue_dma source(%arg6 : memref<32x1024xf32, #tpu.memory_space<vmem>>) target(%dma_start3A_28 : memref<32x1024xf32, #tpu.memory_space<hbm>>) target_semaphore(%arg10 : memref<!tpu.dma_semaphore, #tpu.memory_space<semaphore_mem>>)
    %dma_wait3A_29 = arith.constant 0 : i32
    %dma_wait3A_30 = tpu.memref_slice %arg4[%add3A_24, %dma_wait3A_29] : memref<6144x1024xf32, #tpu.memory_space<hbm>> -> memref<32x1024xf32, #tpu.memory_space<hbm>>
    %dma_wait3A_31 = arith.constant 0 : i32
    %dma_wait3A_32 = tpu.memref_slice %arg4[%add3A_24, %dma_wait3A_31] : memref<6144x1024xf32, #tpu.memory_space<hbm>> -> memref<32x1024xf32, #tpu.memory_space<hbm>>
    tpu.wait_dma2 semaphore(%arg10 : memref<!tpu.dma_semaphore, #tpu.memory_space<semaphore_mem>>) src(%arg6 : memref<32x1024xf32, #tpu.memory_space<vmem>>) dst(%dma_wait3A_32 : memref<32x1024xf32, #tpu.memory_space<hbm>>)
    %add3A_33 = arith.constant 64 : i32
    %add3A_34 = arith.addi %mul3A_2, %add3A_33 : i32
    %dma_start3A_35 = arith.constant 0 : i32
    %dma_start3A_36 = tpu.memref_slice %arg5[%dma_start3A_35, %add3A_34] : memref<1x6144xi32, #tpu.memory_space<vmem>> -> memref<1x32xi32, #tpu.memory_space<vmem>>
    %dma_start3A_37 = tpu.memref_squeeze %dma_start3A_36 : memref<1x32xi32, #tpu.memory_space<vmem>> -> memref<32xi32, #tpu.memory_space<vmem>>
    %dma_start3A_38 = arith.constant 0 : i32
    %dma_start3A_39 = arith.constant 0 : i32
    %dma_start3A_40 = tpu.memref_slice %arg2[%dma_start3A_38, %dma_start3A_39] : memref<2048x1024xf32, #tpu.memory_space<hbm>> -> memref<2048x1024xf32, #tpu.memory_space<hbm>>
    tpu.enqueue_indirect_dma source(%dma_start3A_40 : memref<2048x1024xf32, #tpu.memory_space<hbm>>) target(%arg6 : memref<32x1024xf32, #tpu.memory_space<vmem>>) offsets(%dma_start3A_37 : memref<32xi32, #tpu.memory_space<vmem>>) semaphore(%arg8 : memref<!tpu.dma_semaphore, #tpu.memory_space<semaphore_mem>>)
    %dma_wait3A_41 = arith.constant 0 : i32
    %dma_wait3A_42 = tpu.memref_slice %arg5[%dma_wait3A_41, %add3A_11] : memref<1x6144xi32, #tpu.memory_space<vmem>> -> memref<1x32xi32, #tpu.memory_space<vmem>>
    %dma_wait3A_43 = tpu.memref_squeeze %dma_wait3A_42 : memref<1x32xi32, #tpu.memory_space<vmem>> -> memref<32xi32, #tpu.memory_space<vmem>>
    %dma_wait3A_44 = arith.constant 0 : i32
    %dma_wait3A_45 = arith.constant 0 : i32
    %dma_wait3A_46 = tpu.memref_slice %arg2[%dma_wait3A_44, %dma_wait3A_45] : memref<2048x1024xf32, #tpu.memory_space<hbm>> -> memref<2048x1024xf32, #tpu.memory_space<hbm>>
    tpu.wait_indirect_dma semaphore(%arg9 : memref<!tpu.dma_semaphore, #tpu.memory_space<semaphore_mem>>) src(%dma_wait3A_46 : memref<2048x1024xf32, #tpu.memory_space<hbm>>) dst(%arg7 : memref<32x1024xf32, #tpu.memory_space<vmem>>)
    %add3A_47 = arith.constant 32 : i32
    %add3A_48 = arith.addi %mul3A_2, %add3A_47 : i32
    %dma_start3A_49 = arith.constant 0 : i32
    %dma_start3A_50 = tpu.memref_slice %arg4[%add3A_48, %dma_start3A_49] : memref<6144x1024xf32, #tpu.memory_space<hbm>> -> memref<32x1024xf32, #tpu.memory_space<hbm>>
    %dma_start3A_51 = arith.constant 0 : i32
    %dma_start3A_52 = tpu.memref_slice %arg4[%add3A_48, %dma_start3A_51] : memref<6144x1024xf32, #tpu.memory_space<hbm>> -> memref<32x1024xf32, #tpu.memory_space<hbm>>
    tpu.enqueue_dma source(%arg7 : memref<32x1024xf32, #tpu.memory_space<vmem>>) target(%dma_start3A_52 : memref<32x1024xf32, #tpu.memory_space<hbm>>) target_semaphore(%arg11 : memref<!tpu.dma_semaphore, #tpu.memory_space<semaphore_mem>>)
    %dma_wait3A_53 = arith.constant 0 : i32
    %dma_wait3A_54 = tpu.memref_slice %arg4[%add3A_48, %dma_wait3A_53] : memref<6144x1024xf32, #tpu.memory_space<hbm>> -> memref<32x1024xf32, #tpu.memory_space<hbm>>
    %dma_wait3A_55 = arith.constant 0 : i32
    %dma_wait3A_56 = tpu.memref_slice %arg4[%add3A_48, %dma_wait3A_55] : memref<6144x1024xf32, #tpu.memory_space<hbm>> -> memref<32x1024xf32, #tpu.memory_space<hbm>>
    tpu.wait_dma2 semaphore(%arg11 : memref<!tpu.dma_semaphore, #tpu.memory_space<semaphore_mem>>) src(%arg7 : memref<32x1024xf32, #tpu.memory_space<vmem>>) dst(%dma_wait3A_56 : memref<32x1024xf32, #tpu.memory_space<hbm>>)
    %add3A_57 = arith.constant 96 : i32
    %add3A_58 = arith.addi %mul3A_2, %add3A_57 : i32
    %dma_start3A_59 = arith.constant 0 : i32
    %dma_start3A_60 = tpu.memref_slice %arg5[%dma_start3A_59, %add3A_58] : memref<1x6144xi32, #tpu.memory_space<vmem>> -> memref<1x32xi32, #tpu.memory_space<vmem>>
    %dma_start3A_61 = tpu.memref_squeeze %dma_start3A_60 : memref<1x32xi32, #tpu.memory_space<vmem>> -> memref<32xi32, #tpu.memory_space<vmem>>
    %dma_start3A_62 = arith.constant 0 : i32
    %dma_start3A_63 = arith.constant 0 : i32
    %dma_start3A_64 = tpu.memref_slice %arg2[%dma_start3A_62, %dma_start3A_63] : memref<2048x1024xf32, #tpu.memory_space<hbm>> -> memref<2048x1024xf32, #tpu.memory_space<hbm>>
    tpu.enqueue_indirect_dma source(%dma_start3A_64 : memref<2048x1024xf32, #tpu.memory_space<hbm>>) target(%arg7 : memref<32x1024xf32, #tpu.memory_space<vmem>>) offsets(%dma_start3A_61 : memref<32xi32, #tpu.memory_space<vmem>>) semaphore(%arg9 : memref<!tpu.dma_semaphore, #tpu.memory_space<semaphore_mem>>)
    %dma_wait3A_65 = arith.constant 0 : i32
    %dma_wait3A_66 = tpu.memref_slice %arg5[%dma_wait3A_65, %add3A_34] : memref<1x6144xi32, #tpu.memory_space<vmem>> -> memref<1x32xi32, #tpu.memory_space<vmem>>
    %dma_wait3A_67 = tpu.memref_squeeze %dma_wait3A_66 : memref<1x32xi32, #tpu.memory_space<vmem>> -> memref<32xi32, #tpu.memory_space<vmem>>
    %dma_wait3A_68 = arith.constant 0 : i32
    %dma_wait3A_69 = arith.constant 0 : i32
    %dma_wait3A_70 = tpu.memref_slice %arg2[%dma_wait3A_68, %dma_wait3A_69] : memref<2048x1024xf32, #tpu.memory_space<hbm>> -> memref<2048x1024xf32, #tpu.memory_space<hbm>>
    tpu.wait_indirect_dma semaphore(%arg8 : memref<!tpu.dma_semaphore, #tpu.memory_space<semaphore_mem>>) src(%dma_wait3A_70 : memref<2048x1024xf32, #tpu.memory_space<hbm>>) dst(%arg6 : memref<32x1024xf32, #tpu.memory_space<vmem>>)
    %add3A_71 = arith.constant 64 : i32
    %add3A_72 = arith.addi %mul3A_2, %add3A_71 : i32
    %dma_start3A_73 = arith.constant 0 : i32
    %dma_start3A_74 = tpu.memref_slice %arg4[%add3A_72, %dma_start3A_73] : memref<6144x1024xf32, #tpu.memory_space<hbm>> -> memref<32x1024xf32, #tpu.memory_space<hbm>>
    %dma_start3A_75 = arith.constant 0 : i32
    %dma_start3A_76 = tpu.memref_slice %arg4[%add3A_72, %dma_start3A_75] : memref<6144x1024xf32, #tpu.memory_space<hbm>> -> memref<32x1024xf32, #tpu.memory_space<hbm>>
    tpu.enqueue_dma source(%arg6 : memref<32x1024xf32, #tpu.memory_space<vmem>>) target(%dma_start3A_76 : memref<32x1024xf32, #tpu.memory_space<hbm>>) target_semaphore(%arg10 : memref<!tpu.dma_semaphore, #tpu.memory_space<semaphore_mem>>)
    %dma_wait3A_77 = arith.constant 0 : i32
    %dma_wait3A_78 = tpu.memref_slice %arg4[%add3A_72, %dma_wait3A_77] : memref<6144x1024xf32, #tpu.memory_space<hbm>> -> memref<32x1024xf32, #tpu.memory_space<hbm>>
    %dma_wait3A_79 = arith.constant 0 : i32
    %dma_wait3A_80 = tpu.memref_slice %arg4[%add3A_72, %dma_wait3A_79] : memref<6144x1024xf32, #tpu.memory_space<hbm>> -> memref<32x1024xf32, #tpu.memory_space<hbm>>
    tpu.wait_dma2 semaphore(%arg10 : memref<!tpu.dma_semaphore, #tpu.memory_space<semaphore_mem>>) src(%arg6 : memref<32x1024xf32, #tpu.memory_space<vmem>>) dst(%dma_wait3A_80 : memref<32x1024xf32, #tpu.memory_space<hbm>>)
    %add3A_81 = arith.constant 128 : i32
    %add3A_82 = arith.addi %mul3A_2, %add3A_81 : i32
    %dma_start3A_83 = arith.constant 0 : i32
    %dma_start3A_84 = tpu.memref_slice %arg5[%dma_start3A_83, %add3A_82] : memref<1x6144xi32, #tpu.memory_space<vmem>> -> memref<1x32xi32, #tpu.memory_space<vmem>>
    %dma_start3A_85 = tpu.memref_squeeze %dma_start3A_84 : memref<1x32xi32, #tpu.memory_space<vmem>> -> memref<32xi32, #tpu.memory_space<vmem>>
    %dma_start3A_86 = arith.constant 0 : i32
    %dma_start3A_87 = arith.constant 0 : i32
    %dma_start3A_88 = tpu.memref_slice %arg2[%dma_start3A_86, %dma_start3A_87] : memref<2048x1024xf32, #tpu.memory_space<hbm>> -> memref<2048x1024xf32, #tpu.memory_space<hbm>>
    tpu.enqueue_indirect_dma source(%dma_start3A_88 : memref<2048x1024xf32, #tpu.memory_space<hbm>>) target(%arg6 : memref<32x1024xf32, #tpu.memory_space<vmem>>) offsets(%dma_start3A_85 : memref<32xi32, #tpu.memory_space<vmem>>) semaphore(%arg8 : memref<!tpu.dma_semaphore, #tpu.memory_space<semaphore_mem>>)
    %dma_wait3A_89 = arith.constant 0 : i32
    %dma_wait3A_90 = tpu.memref_slice %arg5[%dma_wait3A_89, %add3A_58] : memref<1x6144xi32, #tpu.memory_space<vmem>> -> memref<1x32xi32, #tpu.memory_space<vmem>>
    %dma_wait3A_91 = tpu.memref_squeeze %dma_wait3A_90 : memref<1x32xi32, #tpu.memory_space<vmem>> -> memref<32xi32, #tpu.memory_space<vmem>>
    %dma_wait3A_92 = arith.constant 0 : i32
    %dma_wait3A_93 = arith.constant 0 : i32
    %dma_wait3A_94 = tpu.memref_slice %arg2[%dma_wait3A_92, %dma_wait3A_93] : memref<2048x1024xf32, #tpu.memory_space<hbm>> -> memref<2048x1024xf32, #tpu.memory_space<hbm>>
    tpu.wait_indirect_dma semaphore(%arg9 : memref<!tpu.dma_semaphore, #tpu.memory_space<semaphore_mem>>) src(%dma_wait3A_94 : memref<2048x1024xf32, #tpu.memory_space<hbm>>) dst(%arg7 : memref<32x1024xf32, #tpu.memory_space<vmem>>)
    %add3A_95 = arith.constant 96 : i32
    %add3A_96 = arith.addi %mul3A_2, %add3A_95 : i32
    %dma_start3A_97 = arith.constant 0 : i32
    %dma_start3A_98 = tpu.memref_slice %arg4[%add3A_96, %dma_start3A_97] : memref<6144x1024xf32, #tpu.memory_space<hbm>> -> memref<32x1024xf32, #tpu.memory_space<hbm>>
    %dma_start3A_99 = arith.constant 0 : i32
    %dma_start3A_100 = tpu.memref_slice %arg4[%add3A_96, %dma_start3A_99] : memref<6144x1024xf32, #tpu.memory_space<hbm>> -> memref<32x1024xf32, #tpu.memory_space<hbm>>
    tpu.enqueue_dma source(%arg7 : memref<32x1024xf32, #tpu.memory_space<vmem>>) target(%dma_start3A_100 : memref<32x1024xf32, #tpu.memory_space<hbm>>) target_semaphore(%arg11 : memref<!tpu.dma_semaphore, #tpu.memory_space<semaphore_mem>>)
    %dma_wait3A_101 = arith.constant 0 : i32
    %dma_wait3A_102 = tpu.memref_slice %arg4[%add3A_96, %dma_wait3A_101] : memref<6144x1024xf32, #tpu.memory_space<hbm>> -> memref<32x1024xf32, #tpu.memory_space<hbm>>
    %dma_wait3A_103 = arith.constant 0 : i32
    %dma_wait3A_104 = tpu.memref_slice %arg4[%add3A_96, %dma_wait3A_103] : memref<6144x1024xf32, #tpu.memory_space<hbm>> -> memref<32x1024xf32, #tpu.memory_space<hbm>>
    tpu.wait_dma2 semaphore(%arg11 : memref<!tpu.dma_semaphore, #tpu.memory_space<semaphore_mem>>) src(%arg7 : memref<32x1024xf32, #tpu.memory_space<vmem>>) dst(%dma_wait3A_104 : memref<32x1024xf32, #tpu.memory_space<hbm>>)
    %add3A_105 = arith.constant 160 : i32
    %add3A_106 = arith.addi %mul3A_2, %add3A_105 : i32
    %dma_start3A_107 = arith.constant 0 : i32
    %dma_start3A_108 = tpu.memref_slice %arg5[%dma_start3A_107, %add3A_106] : memref<1x6144xi32, #tpu.memory_space<vmem>> -> memref<1x32xi32, #tpu.memory_space<vmem>>
    %dma_start3A_109 = tpu.memref_squeeze %dma_start3A_108 : memref<1x32xi32, #tpu.memory_space<vmem>> -> memref<32xi32, #tpu.memory_space<vmem>>
    %dma_start3A_110 = arith.constant 0 : i32
    %dma_start3A_111 = arith.constant 0 : i32
    %dma_start3A_112 = tpu.memref_slice %arg2[%dma_start3A_110, %dma_start3A_111] : memref<2048x1024xf32, #tpu.memory_space<hbm>> -> memref<2048x1024xf32, #tpu.memory_space<hbm>>
    tpu.enqueue_indirect_dma source(%dma_start3A_112 : memref<2048x1024xf32, #tpu.memory_space<hbm>>) target(%arg7 : memref<32x1024xf32, #tpu.memory_space<vmem>>) offsets(%dma_start3A_109 : memref<32xi32, #tpu.memory_space<vmem>>) semaphore(%arg9 : memref<!tpu.dma_semaphore, #tpu.memory_space<semaphore_mem>>)
    %dma_wait3A_113 = arith.constant 0 : i32
    %dma_wait3A_114 = tpu.memref_slice %arg5[%dma_wait3A_113, %add3A_82] : memref<1x6144xi32, #tpu.memory_space<vmem>> -> memref<1x32xi32, #tpu.memory_space<vmem>>
    %dma_wait3A_115 = tpu.memref_squeeze %dma_wait3A_114 : memref<1x32xi32, #tpu.memory_space<vmem>> -> memref<32xi32, #tpu.memory_space<vmem>>
    %dma_wait3A_116 = arith.constant 0 : i32
    %dma_wait3A_117 = arith.constant 0 : i32
    %dma_wait3A_118 = tpu.memref_slice %arg2[%dma_wait3A_116, %dma_wait3A_117] : memref<2048x1024xf32, #tpu.memory_space<hbm>> -> memref<2048x1024xf32, #tpu.memory_space<hbm>>
    tpu.wait_indirect_dma semaphore(%arg8 : memref<!tpu.dma_semaphore, #tpu.memory_space<semaphore_mem>>) src(%dma_wait3A_118 : memref<2048x1024xf32, #tpu.memory_space<hbm>>) dst(%arg6 : memref<32x1024xf32, #tpu.memory_space<vmem>>)
    %add3A_119 = arith.constant 128 : i32
    %add3A_120 = arith.addi %mul3A_2, %add3A_119 : i32
    %dma_start3A_121 = arith.constant 0 : i32
    %dma_start3A_122 = tpu.memref_slice %arg4[%add3A_120, %dma_start3A_121] : memref<6144x1024xf32, #tpu.memory_space<hbm>> -> memref<32x1024xf32, #tpu.memory_space<hbm>>
    %dma_start3A_123 = arith.constant 0 : i32
    %dma_start3A_124 = tpu.memref_slice %arg4[%add3A_120, %dma_start3A_123] : memref<6144x1024xf32, #tpu.memory_space<hbm>> -> memref<32x1024xf32, #tpu.memory_space<hbm>>
    tpu.enqueue_dma source(%arg6 : memref<32x1024xf32, #tpu.memory_space<vmem>>) target(%dma_start3A_124 : memref<32x1024xf32, #tpu.memory_space<hbm>>) target_semaphore(%arg10 : memref<!tpu.dma_semaphore, #tpu.memory_space<semaphore_mem>>)
    %dma_wait3A_125 = arith.constant 0 : i32
    %dma_wait3A_126 = tpu.memref_slice %arg5[%dma_wait3A_125, %add3A_106] : memref<1x6144xi32, #tpu.memory_space<vmem>> -> memref<1x32xi32, #tpu.memory_space<vmem>>
    %dma_wait3A_127 = tpu.memref_squeeze %dma_wait3A_126 : memref<1x32xi32, #tpu.memory_space<vmem>> -> memref<32xi32, #tpu.memory_space<vmem>>
    %dma_wait3A_128 = arith.constant 0 : i32
    %dma_wait3A_129 = arith.constant 0 : i32
    %dma_wait3A_130 = tpu.memref_slice %arg2[%dma_wait3A_128, %dma_wait3A_129] : memref<2048x1024xf32, #tpu.memory_space<hbm>> -> memref<2048x1024xf32, #tpu.memory_space<hbm>>
    tpu.wait_indirect_dma semaphore(%arg9 : memref<!tpu.dma_semaphore, #tpu.memory_space<semaphore_mem>>) src(%dma_wait3A_130 : memref<2048x1024xf32, #tpu.memory_space<hbm>>) dst(%arg7 : memref<32x1024xf32, #tpu.memory_space<vmem>>)
    %add3A_131 = arith.constant 160 : i32
    %add3A_132 = arith.addi %mul3A_2, %add3A_131 : i32
    %dma_start3A_133 = arith.constant 0 : i32
    %dma_start3A_134 = tpu.memref_slice %arg4[%add3A_132, %dma_start3A_133] : memref<6144x1024xf32, #tpu.memory_space<hbm>> -> memref<32x1024xf32, #tpu.memory_space<hbm>>
    %dma_start3A_135 = arith.constant 0 : i32
    %dma_start3A_136 = tpu.memref_slice %arg4[%add3A_132, %dma_start3A_135] : memref<6144x1024xf32, #tpu.memory_space<hbm>> -> memref<32x1024xf32, #tpu.memory_space<hbm>>
    tpu.enqueue_dma source(%arg7 : memref<32x1024xf32, #tpu.memory_space<vmem>>) target(%dma_start3A_136 : memref<32x1024xf32, #tpu.memory_space<hbm>>) target_semaphore(%arg11 : memref<!tpu.dma_semaphore, #tpu.memory_space<semaphore_mem>>)
    %dma_wait3A_137 = arith.constant 0 : i32
    %dma_wait3A_138 = tpu.memref_slice %arg4[%add3A_132, %dma_wait3A_137] : memref<6144x1024xf32, #tpu.memory_space<hbm>> -> memref<32x1024xf32, #tpu.memory_space<hbm>>
    %dma_wait3A_139 = arith.constant 0 : i32
    %dma_wait3A_140 = tpu.memref_slice %arg4[%add3A_132, %dma_wait3A_139] : memref<6144x1024xf32, #tpu.memory_space<hbm>> -> memref<32x1024xf32, #tpu.memory_space<hbm>>
    tpu.wait_dma2 semaphore(%arg11 : memref<!tpu.dma_semaphore, #tpu.memory_space<semaphore_mem>>) src(%arg7 : memref<32x1024xf32, #tpu.memory_space<vmem>>) dst(%dma_wait3A_140 : memref<32x1024xf32, #tpu.memory_space<hbm>>)
    %dma_wait3A_141 = arith.constant 0 : i32
    %dma_wait3A_142 = tpu.memref_slice %arg4[%add3A_120, %dma_wait3A_141] : memref<6144x1024xf32, #tpu.memory_space<hbm>> -> memref<32x1024xf32, #tpu.memory_space<hbm>>
    %dma_wait3A_143 = arith.constant 0 : i32
    %dma_wait3A_144 = tpu.memref_slice %arg4[%add3A_120, %dma_wait3A_143] : memref<6144x1024xf32, #tpu.memory_space<hbm>> -> memref<32x1024xf32, #tpu.memory_space<hbm>>
    tpu.wait_dma2 semaphore(%arg10 : memref<!tpu.dma_semaphore, #tpu.memory_space<semaphore_mem>>) src(%arg6 : memref<32x1024xf32, #tpu.memory_space<vmem>>) dst(%dma_wait3A_144 : memref<32x1024xf32, #tpu.memory_space<hbm>>)
    return
  }
}

module attributes {stable_mosaic.version = 14 : i64} {
  func.func @_gate_kernel(%arg0: i32, %arg1: memref<256x1024xf32, #tpu.memory_space<vmem>>, %arg2: memref<16x1024xf32, #tpu.memory_space<vmem>>, %arg3: memref<1x16xf32, #tpu.memory_space<vmem>>, %arg4: memref<1x1024xf32, #tpu.memory_space<vmem>>, %arg5: memref<256x1xi32, #tpu.memory_space<vmem>>, %arg6: memref<256x1xi32, #tpu.memory_space<vmem>>, %arg7: memref<256x1xf32, #tpu.memory_space<vmem>>, %arg8: memref<256x1xf32, #tpu.memory_space<vmem>>) attributes {dimension_semantics = [#tpu.dimension_semantics<arbitrary>], iteration_bounds = array<i64: 8>, scalar_prefetch = 0 : i64, scratch_operands = 0 : i64, tpu.core_type = #tpu.core_type<tc>, window_params = [{transform_indices = @transform_0, window_bounds = array<i64: 256, 1024>}, {pipeline_mode = #tpu.pipeline_mode<synchronous>, transform_indices = @transform_1, window_bounds = array<i64: 16, 1024>}, {pipeline_mode = #tpu.pipeline_mode<synchronous>, transform_indices = @transform_2, window_bounds = array<i64: 1, 16>}, {pipeline_mode = #tpu.pipeline_mode<synchronous>, transform_indices = @transform_3, window_bounds = array<i64: 1, 1024>}, {transform_indices = @transform_4, window_bounds = array<i64: 256, 1>}, {transform_indices = @transform_5, window_bounds = array<i64: 256, 1>}, {transform_indices = @transform_6, window_bounds = array<i64: 256, 1>}, {transform_indices = @transform_7, window_bounds = array<i64: 256, 1>}]} {
    %get3A = arith.constant 0 : index
    %get3A_0 = arith.constant 0 : index
    %get3A_1 = vector.load %arg1[%get3A, %get3A_0] : memref<256x1024xf32, #tpu.memory_space<vmem>>, vector<256x1024xf32>
    %get3A_2 = arith.constant 0 : index
    %get3A_3 = arith.constant 0 : index
    %get3A_4 = vector.load %arg4[%get3A_2, %get3A_3] : memref<1x1024xf32, #tpu.memory_space<vmem>>, vector<1x1024xf32>
    %sub3A = vector.broadcast %get3A_4 : vector<1x1024xf32> to vector<256x1024xf32>
    %sub3A_5 = arith.subf %get3A_1, %sub3A : vector<256x1024xf32>
    %get3A_6 = arith.constant 0 : index
    %get3A_7 = arith.constant 0 : index
    %get3A_8 = vector.load %arg2[%get3A_6, %get3A_7] : memref<16x1024xf32, #tpu.memory_space<vmem>>, vector<16x1024xf32>
    %dot_general3A = arith.constant dense<0.000000e+00> : vector<256x16xf32>
    %dot_general3A_9 = tpu.matmul %sub3A_5, %get3A_8, %dot_general3A {dimension_numbers = #tpu.dot_dimension_numbers<[1], [1], [0], [0], [0, 0, 1, 0], [], []>, transpose_lhs_hint = false} : vector<256x1024xf32>, vector<16x1024xf32>, vector<256x16xf32> -> vector<256x16xf32>
    %get3A_10 = arith.constant 0 : index
    %get3A_11 = arith.constant 0 : index
    %get3A_12 = vector.load %arg3[%get3A_10, %get3A_11] : memref<1x16xf32, #tpu.memory_space<vmem>>, vector<1x16xf32>
    %add3A = vector.broadcast %get3A_12 : vector<1x16xf32> to vector<256x16xf32>
    %add3A_13 = arith.addf %dot_general3A_9, %add3A : vector<256x16xf32>
    %reduce_max3A = arith.constant dense<0xFF800000> : vector<256xf32>
    %reduce_max3A_14 = vector.multi_reduction <maximumf>, %add3A_13, %reduce_max3A [1] : vector<256x16xf32> to vector<256xf32>
    %broadcast_in_dim3A = vector.shape_cast %reduce_max3A_14 : vector<256xf32> to vector<256x1xf32>
    %sub3A_15 = vector.broadcast %broadcast_in_dim3A : vector<256x1xf32> to vector<256x16xf32>
    %sub3A_16 = arith.subf %add3A_13, %sub3A_15 : vector<256x16xf32>
    %exp3A = math.exp %sub3A_16 : vector<256x16xf32>
    %reduce_sum3A = arith.constant dense<0.000000e+00> : vector<256xf32>
    %reduce_sum3A_17 = vector.multi_reduction <add>, %exp3A, %reduce_sum3A [1] : vector<256x16xf32> to vector<256xf32>
    %broadcast_in_dim3A_18 = vector.shape_cast %reduce_sum3A_17 : vector<256xf32> to vector<256x1xf32>
    %div3A = vector.broadcast %broadcast_in_dim3A_18 : vector<256x1xf32> to vector<256x16xf32>
    %div3A_19 = arith.divf %exp3A, %div3A : vector<256x16xf32>
    %argmax3A = tpu.reduce_index %div3A_19 {axis = 1 : i32, kind = #tpu.reduction_kind<arg_max>} : vector<256x16xf32> -> vector<256xi32>
    %reduce_max3A_20 = arith.constant dense<0xFF800000> : vector<256xf32>
    %reduce_max3A_21 = vector.multi_reduction <maximumf>, %div3A_19, %reduce_max3A_20 [1] : vector<256x16xf32> to vector<256xf32>
    %broadcast_in_dim3A_22 = vector.shape_cast %reduce_max3A_21 : vector<256xf32> to vector<256x1xf32>
    %iota3A = tpu.iota {dimensions = array<i32: 1>} : vector<256x16xi32>
    %broadcast_in_dim3A_23 = vector.shape_cast %argmax3A : vector<256xi32> to vector<256x1xi32>
    %eq3A = vector.broadcast %broadcast_in_dim3A_23 : vector<256x1xi32> to vector<256x16xi32>
    %eq3A_24 = arith.cmpi eq, %iota3A, %eq3A : vector<256x16xi32>
    %jit3A = arith.constant 0xFF800000 : f32
    %broadcast_in_dim3A_25 = vector.broadcast %jit3A : f32 to vector<256x16xf32>
    %select_n3A = arith.select %eq3A_24, %broadcast_in_dim3A_25, %div3A_19 : vector<256x16xi1>, vector<256x16xf32>
    %argmax3A_26 = tpu.reduce_index %select_n3A {axis = 1 : i32, kind = #tpu.reduction_kind<arg_max>} : vector<256x16xf32> -> vector<256xi32>
    %reduce_max3A_27 = arith.constant dense<0xFF800000> : vector<256xf32>
    %reduce_max3A_28 = vector.multi_reduction <maximumf>, %select_n3A, %reduce_max3A_27 [1] : vector<256x16xf32> to vector<256xf32>
    %broadcast_in_dim3A_29 = vector.shape_cast %reduce_max3A_28 : vector<256xf32> to vector<256x1xf32>
    %sub3A_30 = arith.subf %broadcast_in_dim3A_29, %broadcast_in_dim3A_22 : vector<256x1xf32>
    %exp3A_31 = math.exp %sub3A_30 : vector<256x1xf32>
    %add3A_32 = arith.constant 1.000000e+00 : f32
    %add3A_33 = vector.broadcast %add3A_32 : f32 to vector<256x1xf32>
    %add3A_34 = arith.addf %add3A_33, %exp3A_31 : vector<256x1xf32>
    %div3A_35 = arith.constant 1.000000e+00 : f32
    %div3A_36 = vector.broadcast %div3A_35 : f32 to vector<256x1xf32>
    %div3A_37 = arith.divf %div3A_36, %add3A_34 : vector<256x1xf32>
    %broadcast_in_dim3A_38 = vector.shape_cast %argmax3A : vector<256xi32> to vector<256x1xi32>
    %swap3A = arith.constant 0 : index
    %swap3A_39 = arith.constant 0 : index
    %swap3A_40 = vector.load %arg5[%swap3A, %swap3A_39] : memref<256x1xi32, #tpu.memory_space<vmem>>, vector<256x1xi32>
    tpu.vector_store %arg5[%swap3A, %swap3A_39], %broadcast_in_dim3A_38 {strides = array<i32>} : memref<256x1xi32, #tpu.memory_space<vmem>>, vector<256x1xi32>,
    %broadcast_in_dim3A_41 = vector.shape_cast %argmax3A_26 : vector<256xi32> to vector<256x1xi32>
    %swap3A_42 = arith.constant 0 : index
    %swap3A_43 = arith.constant 0 : index
    %swap3A_44 = vector.load %arg6[%swap3A_42, %swap3A_43] : memref<256x1xi32, #tpu.memory_space<vmem>>, vector<256x1xi32>
    tpu.vector_store %arg6[%swap3A_42, %swap3A_43], %broadcast_in_dim3A_41 {strides = array<i32>} : memref<256x1xi32, #tpu.memory_space<vmem>>, vector<256x1xi32>,
    %swap3A_45 = arith.constant 0 : index
    %swap3A_46 = arith.constant 0 : index
    %swap3A_47 = vector.load %arg7[%swap3A_45, %swap3A_46] : memref<256x1xf32, #tpu.memory_space<vmem>>, vector<256x1xf32>
    tpu.vector_store %arg7[%swap3A_45, %swap3A_46], %div3A_37 {strides = array<i32>} : memref<256x1xf32, #tpu.memory_space<vmem>>, vector<256x1xf32>,
    %sub3A_48 = arith.constant 1.000000e+00 : f32
    %sub3A_49 = vector.broadcast %sub3A_48 : f32 to vector<256x1xf32>
    %sub3A_50 = arith.subf %sub3A_49, %div3A_37 : vector<256x1xf32>
    %swap3A_51 = arith.constant 0 : index
    %swap3A_52 = arith.constant 0 : index
    %swap3A_53 = vector.load %arg8[%swap3A_51, %swap3A_52] : memref<256x1xf32, #tpu.memory_space<vmem>>, vector<256x1xf32>
    tpu.vector_store %arg8[%swap3A_51, %swap3A_52], %sub3A_50 {strides = array<i32>} : memref<256x1xf32, #tpu.memory_space<vmem>>, vector<256x1xf32>,
    return
  }
  func.func @transform_0(%arg0: i32) -> (i32, i32) {
    %c0_i32 = arith.constant 0 : i32
    %c0_i32_0 = arith.constant 0 : i32
    return %arg0, %c0_i32 : i32, i32
  }
  func.func @transform_1(%arg0: i32) -> (i32, i32) {
    %c0_i32 = arith.constant 0 : i32
    %c0_i32_0 = arith.constant 0 : i32
    %c0_i32_1 = arith.constant 0 : i32
    return %c0_i32, %c0_i32_0 : i32, i32
  }
  func.func @transform_2(%arg0: i32) -> (i32, i32) {
    %c0_i32 = arith.constant 0 : i32
    %c0_i32_0 = arith.constant 0 : i32
    %c0_i32_1 = arith.constant 0 : i32
    return %c0_i32, %c0_i32_0 : i32, i32
  }
  func.func @transform_3(%arg0: i32) -> (i32, i32) {
    %c0_i32 = arith.constant 0 : i32
    %c0_i32_0 = arith.constant 0 : i32
    %c0_i32_1 = arith.constant 0 : i32
    return %c0_i32, %c0_i32_0 : i32, i32
  }
  func.func @transform_4(%arg0: i32) -> (i32, i32) {
    %c0_i32 = arith.constant 0 : i32
    %c0_i32_0 = arith.constant 0 : i32
    return %arg0, %c0_i32 : i32, i32
  }
  func.func @transform_5(%arg0: i32) -> (i32, i32) {
    %c0_i32 = arith.constant 0 : i32
    %c0_i32_0 = arith.constant 0 : i32
    return %arg0, %c0_i32 : i32, i32
  }
  func.func @transform_6(%arg0: i32) -> (i32, i32) {
    %c0_i32 = arith.constant 0 : i32
    %c0_i32_0 = arith.constant 0 : i32
    return %arg0, %c0_i32 : i32, i32
  }
  func.func @transform_7(%arg0: i32) -> (i32, i32) {
    %c0_i32 = arith.constant 0 : i32
    %c0_i32_0 = arith.constant 0 : i32
    return %arg0, %c0_i32 : i32, i32
  }
}

module attributes {stable_mosaic.version = 14 : i64} {
  func.func @_enc_kernel(%arg0: i32, %arg1: memref<48xi32, #tpu.memory_space<smem>>, %arg2: memref<128x1024xf32, #tpu.memory_space<vmem>>, %arg3: memref<1x2048x1024xf32, #tpu.memory_space<vmem>>, %arg4: memref<1x1x2048xf32, #tpu.memory_space<vmem>>, %arg5: memref<1x1024xf32, #tpu.memory_space<vmem>>, %arg6: memref<128x1xf32, #tpu.memory_space<vmem>>, %arg7: memref<128x2048xf32, #tpu.memory_space<vmem>>) attributes {dimension_semantics = [#tpu.dimension_semantics<arbitrary>], iteration_bounds = array<i64: 48>, scalar_prefetch = 1 : i64, scratch_operands = 0 : i64, tpu.core_type = #tpu.core_type<tc>, window_params = [{transform_indices = @transform_0, window_bounds = array<i64: 128, 1024>}, {transform_indices = @transform_1, window_bounds = array<i64: 1, 2048, 1024>}, {transform_indices = @transform_2, window_bounds = array<i64: 1, 1, 2048>}, {pipeline_mode = #tpu.pipeline_mode<synchronous>, transform_indices = @transform_3, window_bounds = array<i64: 1, 1024>}, {transform_indices = @transform_4, window_bounds = array<i64: 128, 1>}, {transform_indices = @transform_5, window_bounds = array<i64: 128, 2048>}]} {
    %get3A = arith.constant 0 : index
    %get3A_0 = arith.constant 0 : index
    %get3A_1 = vector.load %arg2[%get3A, %get3A_0] : memref<128x1024xf32, #tpu.memory_space<vmem>>, vector<128x1024xf32>
    %get3A_2 = arith.constant 0 : index
    %get3A_3 = arith.constant 0 : index
    %get3A_4 = vector.load %arg5[%get3A_2, %get3A_3] : memref<1x1024xf32, #tpu.memory_space<vmem>>, vector<1x1024xf32>
    %sub3A = vector.broadcast %get3A_4 : vector<1x1024xf32> to vector<128x1024xf32>
    %sub3A_5 = arith.subf %get3A_1, %sub3A : vector<128x1024xf32>
    %get3A_6 = arith.constant 0 : index
    %get3A_7 = arith.constant 0 : index
    %get3A_8 = arith.constant 0 : index
    %get3A_9 = vector.load %arg3[%get3A_6, %get3A_7, %get3A_8] : memref<1x2048x1024xf32, #tpu.memory_space<vmem>>, vector<1x2048x1024xf32>
    %get3A_10 = vector.shape_cast %get3A_9 : vector<1x2048x1024xf32> to vector<2048x1024xf32>
    %dot_general3A = arith.constant dense<0.000000e+00> : vector<128x2048xf32>
    %dot_general3A_11 = tpu.matmul %sub3A_5, %get3A_10, %dot_general3A {dimension_numbers = #tpu.dot_dimension_numbers<[1], [1], [0], [0], [0, 0, 1, 0], [], []>, transpose_lhs_hint = false} : vector<128x1024xf32>, vector<2048x1024xf32>, vector<128x2048xf32> -> vector<128x2048xf32>
    %get3A_12 = arith.constant 0 : index
    %get3A_13 = arith.constant 0 : index
    %get3A_14 = arith.constant 0 : index
    %get3A_15 = vector.load %arg4[%get3A_12, %get3A_13, %get3A_14] : memref<1x1x2048xf32, #tpu.memory_space<vmem>>, vector<1x1x2048xf32>
    %get3A_16 = vector.shape_cast %get3A_15 : vector<1x1x2048xf32> to vector<1x2048xf32>
    %add3A = vector.broadcast %get3A_16 : vector<1x2048xf32> to vector<128x2048xf32>
    %add3A_17 = arith.addf %dot_general3A_11, %add3A : vector<128x2048xf32>
    %max3A = arith.constant 0.000000e+00 : f32
    %max3A_18 = vector.broadcast %max3A : f32 to vector<128x2048xf32>
    %max3A_19 = arith.maximumf %add3A_17, %max3A_18 : vector<128x2048xf32>
    %get3A_20 = arith.constant 0 : index
    %get3A_21 = arith.constant 0 : index
    %get3A_22 = vector.load %arg6[%get3A_20, %get3A_21] : memref<128x1xf32, #tpu.memory_space<vmem>>, vector<128x1xf32>
    %mul3A = vector.broadcast %get3A_22 : vector<128x1xf32> to vector<128x2048xf32>
    %mul3A_23 = arith.mulf %max3A_19, %mul3A : vector<128x2048xf32>
    %swap3A = arith.constant 0 : index
    %swap3A_24 = arith.constant 0 : index
    %swap3A_25 = vector.load %arg7[%swap3A, %swap3A_24] : memref<128x2048xf32, #tpu.memory_space<vmem>>, vector<128x2048xf32>
    tpu.vector_store %arg7[%swap3A, %swap3A_24], %mul3A_23 {strides = array<i32>} : memref<128x2048xf32, #tpu.memory_space<vmem>>, vector<128x2048xf32>,
    return
  }
  func.func @transform_0(%arg0: i32, %arg1: memref<48xi32, #tpu.memory_space<smem>>) -> (i32, i32) {
    %c0_i32 = arith.constant 0 : i32
    %c0_i32_0 = arith.constant 0 : i32
    return %arg0, %c0_i32 : i32, i32
  }
  func.func @transform_1(%arg0: i32, %arg1: memref<48xi32, #tpu.memory_space<smem>>) -> (i32, i32, i32) {
    %get3A = arith.index_cast %arg0 : i32 to index
    %get3A_0 = memref.load %arg1[%get3A] : memref<48xi32, #tpu.memory_space<smem>>
    %c0_i32 = arith.constant 0 : i32
    %c0_i32_1 = arith.constant 0 : i32
    %c0_i32_2 = arith.constant 0 : i32
    return %get3A_0, %c0_i32, %c0_i32_1 : i32, i32, i32
  }
  func.func @transform_2(%arg0: i32, %arg1: memref<48xi32, #tpu.memory_space<smem>>) -> (i32, i32, i32) {
    %get3A = arith.index_cast %arg0 : i32 to index
    %get3A_0 = memref.load %arg1[%get3A] : memref<48xi32, #tpu.memory_space<smem>>
    %c0_i32 = arith.constant 0 : i32
    %c0_i32_1 = arith.constant 0 : i32
    %c0_i32_2 = arith.constant 0 : i32
    return %get3A_0, %c0_i32, %c0_i32_1 : i32, i32, i32
  }
  func.func @transform_3(%arg0: i32, %arg1: memref<48xi32, #tpu.memory_space<smem>>) -> (i32, i32) {
    %c0_i32 = arith.constant 0 : i32
    %c0_i32_0 = arith.constant 0 : i32
    %c0_i32_1 = arith.constant 0 : i32
    return %c0_i32, %c0_i32_0 : i32, i32
  }
  func.func @transform_4(%arg0: i32, %arg1: memref<48xi32, #tpu.memory_space<smem>>) -> (i32, i32) {
    %c0_i32 = arith.constant 0 : i32
    %c0_i32_0 = arith.constant 0 : i32
    return %arg0, %c0_i32 : i32, i32
  }
  func.func @transform_5(%arg0: i32, %arg1: memref<48xi32, #tpu.memory_space<smem>>) -> (i32, i32) {
    %c0_i32 = arith.constant 0 : i32
    %c0_i32_0 = arith.constant 0 : i32
    return %arg0, %c0_i32 : i32, i32
  }
}

module attributes {stable_mosaic.version = 14 : i64} {
  func.func @_thr_kernel(%arg0: i32, %arg1: memref<256x4096xf32, #tpu.memory_space<vmem>>, %arg2: memref<256x1xf32, #tpu.memory_space<vmem>>) attributes {dimension_semantics = [#tpu.dimension_semantics<arbitrary>], iteration_bounds = array<i64: 8>, scalar_prefetch = 0 : i64, scratch_operands = 0 : i64, tpu.core_type = #tpu.core_type<tc>, window_params = [{transform_indices = @transform_0, window_bounds = array<i64: 256, 4096>}, {transform_indices = @transform_1, window_bounds = array<i64: 256, 1>}]} {
    %get3A = arith.constant 0 : index
    %get3A_0 = arith.constant 0 : index
    %get3A_1 = vector.load %arg1[%get3A, %get3A_0] : memref<256x4096xf32, #tpu.memory_space<vmem>>, vector<256x4096xf32>
    %bitcast_convert_type3A = tpu.bitcast %get3A_1 : vector<256x4096xf32> -> vector<256x4096xi32>
    %broadcast_in_dim3A = arith.constant 0 : i32
    %broadcast_in_dim3A_2 = vector.broadcast %broadcast_in_dim3A : i32 to vector<256x1xi32>
    %reduce_max3A = arith.constant dense<-2147483648> : vector<256xi32>
    %reduce_max3A_3 = vector.multi_reduction <maxsi>, %bitcast_convert_type3A, %reduce_max3A [1] : vector<256x4096xi32> to vector<256xi32>
    %broadcast_in_dim3A_4 = vector.shape_cast %reduce_max3A_3 : vector<256xi32> to vector<256x1xi32>
    %broadcast_in_dim3A_5 = arith.constant 1.000000e+00 : f32
    %broadcast_in_dim3A_6 = vector.broadcast %broadcast_in_dim3A_5 : f32 to vector<4096x1xf32>
    %scan3A = arith.constant 0 : i32
    %scan3A_7 = arith.constant 31 : i32
    %scan3A_8 = arith.addi %scan3A, %scan3A_7 : i32
    %scan3A_9 = arith.constant 1 : i32
    %scan3A_10:2 = scf.for %scan3A_14 = %scan3A to %scan3A_8 step %scan3A_9 iter_args(%scan3A_15 = %broadcast_in_dim3A_2, %scan3A_16 = %broadcast_in_dim3A_4) -> (vector<256x1xi32>, vector<256x1xi32>)  : i32 {
      %sub3A = arith.subi %scan3A_16, %scan3A_15 : vector<256x1xi32>
      %add3A = arith.constant 1 : i32
      %add3A_17 = vector.broadcast %add3A : i32 to vector<256x1xi32>
      %add3A_18 = arith.addi %sub3A, %add3A_17 : vector<256x1xi32>
      %jit3A = arith.constant 2 : i32
      %div3A = vector.broadcast %jit3A : i32 to vector<256x1xi32>
      %div3A_19 = arith.divsi %add3A_18, %div3A : vector<256x1xi32>
      %sign3A = arith.constant 0 : i32
      %sign3A_20 = vector.broadcast %sign3A : i32 to vector<256x1xi32>
      %sign3A_21 = arith.cmpi sgt, %add3A_18, %sign3A_20 : vector<256x1xi32>
      %sign3A_22 = arith.extui %sign3A_21 : vector<256x1xi1> to vector<256x1xi32>
      %sign3A_23 = arith.constant 0 : i32
      %sign3A_24 = vector.broadcast %sign3A_23 : i32 to vector<256x1xi32>
      %sign3A_25 = arith.cmpi slt, %add3A_18, %sign3A_24 : vector<256x1xi32>
      %sign3A_26 = arith.extui %sign3A_25 : vector<256x1xi1> to vector<256x1xi32>
      %sign3A_27 = arith.subi %sign3A_22, %sign3A_26 : vector<256x1xi32>
      %sign3A_28 = arith.constant 0 : i32
      %sign3A_29 = arith.cmpi sgt, %jit3A, %sign3A_28 : i32
      %sign3A_30 = arith.extui %sign3A_29 : i1 to i32
      %sign3A_31 = arith.constant 0 : i32
      %sign3A_32 = arith.cmpi slt, %jit3A, %sign3A_31 : i32
      %sign3A_33 = arith.extui %sign3A_32 : i1 to i32
      %sign3A_34 = arith.subi %sign3A_30, %sign3A_33 : i32
      %ne3A = vector.broadcast %sign3A_34 : i32 to vector<256x1xi32>
      %ne3A_35 = arith.cmpi ne, %sign3A_27, %ne3A : vector<256x1xi32>
      %rem3A = vector.broadcast %jit3A : i32 to vector<256x1xi32>
      %rem3A_36 = arith.remsi %add3A_18, %rem3A : vector<256x1xi32>
      %ne3A_37 = arith.constant 0 : i32
      %ne3A_38 = vector.broadcast %ne3A_37 : i32 to vector<256x1xi32>
      %ne3A_39 = arith.cmpi ne, %rem3A_36, %ne3A_38 : vector<256x1xi32>
      %and3A = arith.andi %ne3A_35, %ne3A_39 : vector<256x1xi1>
      %sub3A_40 = arith.constant 1 : i32
      %sub3A_41 = vector.broadcast %sub3A_40 : i32 to vector<256x1xi32>
      %sub3A_42 = arith.subi %div3A_19, %sub3A_41 : vector<256x1xi32>
      %select_n3A = arith.select %and3A, %sub3A_42, %div3A_19 : vector<256x1xi1>, vector<256x1xi32>
      %add3A_43 = arith.addi %scan3A_15, %select_n3A : vector<256x1xi32>
      %ge3A = vector.broadcast %add3A_43 : vector<256x1xi32> to vector<256x4096xi32>
      %ge3A_44 = arith.cmpi sge, %bitcast_convert_type3A, %ge3A : vector<256x4096xi32>
      %jit3A_45 = arith.constant 1.000000e+00 : f32
      %jit3A_46 = arith.constant 0.000000e+00 : f32
      %broadcast_in_dim3A_47 = vector.broadcast %jit3A_45 : f32 to vector<256x4096xf32>
      %broadcast_in_dim3A_48 = vector.broadcast %jit3A_46 : f32 to vector<256x4096xf32>
      %select_n3A_49 = arith.select %ge3A_44, %broadcast_in_dim3A_47, %broadcast_in_dim3A_48 : vector<256x4096xi1>, vector<256x4096xf32>
      %dot_general3A = arith.constant dense<0.000000e+00> : vector<256x1xf32>
      %dot_general3A_50 = tpu.matmul %select_n3A_49, %broadcast_in_dim3A_6, %dot_general3A {dimension_numbers = #tpu.dot_dimension_numbers<[1], [0], [0], [1], [0, 0, 1, 1], [], []>, transpose_lhs_hint = false} : vector<256x4096xf32>, vector<4096x1xf32>, vector<256x1xf32> -> vector<256x1xf32>
      %ge3A_51 = arith.constant 1.000000e+02 : f32
      %ge3A_52 = vector.broadcast %ge3A_51 : f32 to vector<256x1xf32>
      %ge3A_53 = arith.cmpf oge, %dot_general3A_50, %ge3A_52 : vector<256x1xf32>
      %select_n3A_54 = arith.select %ge3A_53, %add3A_43, %scan3A_15 : vector<256x1xi1>, vector<256x1xi32>
      %sub3A_55 = arith.constant 1 : i32
      %sub3A_56 = vector.broadcast %sub3A_55 : i32 to vector<256x1xi32>
      %sub3A_57 = arith.subi %add3A_43, %sub3A_56 : vector<256x1xi32>
      %select_n3A_58 = arith.select %ge3A_53, %scan3A_16, %sub3A_57 : vector<256x1xi1>, vector<256x1xi32>
      scf.yield %select_n3A_54, %select_n3A_58 : vector<256x1xi32>, vector<256x1xi32>
    }
    %bitcast_convert_type3A_11 = tpu.bitcast %scan3A_10#0 : vector<256x1xi32> -> vector<256x1xf32>
    %swap3A = arith.constant 0 : index
    %swap3A_12 = arith.constant 0 : index
    %swap3A_13 = vector.load %arg2[%swap3A, %swap3A_12] : memref<256x1xf32, #tpu.memory_space<vmem>>, vector<256x1xf32>
    tpu.vector_store %arg2[%swap3A, %swap3A_12], %bitcast_convert_type3A_11 {strides = array<i32>} : memref<256x1xf32, #tpu.memory_space<vmem>>, vector<256x1xf32>,
    return
  }
  func.func @transform_0(%arg0: i32) -> (i32, i32) {
    %c0_i32 = arith.constant 0 : i32
    %c0_i32_0 = arith.constant 0 : i32
    return %arg0, %c0_i32 : i32, i32
  }
  func.func @transform_1(%arg0: i32) -> (i32, i32) {
    %c0_i32 = arith.constant 0 : i32
    %c0_i32_0 = arith.constant 0 : i32
    return %arg0, %c0_i32 : i32, i32
  }
}

module attributes {stable_mosaic.version = 14 : i64} {
  func.func @_dec_kernel(%arg0: i32, %arg1: memref<48xi32, #tpu.memory_space<smem>>, %arg2: memref<128x2048xf32, #tpu.memory_space<vmem>>, %arg3: memref<128x1xf32, #tpu.memory_space<vmem>>, %arg4: memref<1x2048x1024xf32, #tpu.memory_space<vmem>>, %arg5: memref<128x1024xf32, #tpu.memory_space<vmem>>) attributes {dimension_semantics = [#tpu.dimension_semantics<arbitrary>], iteration_bounds = array<i64: 48>, scalar_prefetch = 1 : i64, scratch_operands = 0 : i64, tpu.core_type = #tpu.core_type<tc>, window_params = [{transform_indices = @transform_0, window_bounds = array<i64: 128, 2048>}, {transform_indices = @transform_1, window_bounds = array<i64: 128, 1>}, {transform_indices = @transform_2, window_bounds = array<i64: 1, 2048, 1024>}, {transform_indices = @transform_3, window_bounds = array<i64: 128, 1024>}]} {
    %get3A = arith.constant 0 : index
    %get3A_0 = arith.constant 0 : index
    %get3A_1 = vector.load %arg2[%get3A, %get3A_0] : memref<128x2048xf32, #tpu.memory_space<vmem>>, vector<128x2048xf32>
    %get3A_2 = arith.constant 0 : index
    %get3A_3 = arith.constant 0 : index
    %get3A_4 = vector.load %arg3[%get3A_2, %get3A_3] : memref<128x1xf32, #tpu.memory_space<vmem>>, vector<128x1xf32>
    %ge3A = vector.broadcast %get3A_4 : vector<128x1xf32> to vector<128x2048xf32>
    %ge3A_5 = arith.cmpf oge, %get3A_1, %ge3A : vector<128x2048xf32>
    %jit3A = arith.constant 0.000000e+00 : f32
    %broadcast_in_dim3A = vector.broadcast %jit3A : f32 to vector<128x2048xf32>
    %select_n3A = arith.select %ge3A_5, %get3A_1, %broadcast_in_dim3A : vector<128x2048xi1>, vector<128x2048xf32>
    %get3A_6 = arith.constant 0 : index
    %get3A_7 = arith.constant 0 : index
    %get3A_8 = arith.constant 0 : index
    %get3A_9 = vector.load %arg4[%get3A_6, %get3A_7, %get3A_8] : memref<1x2048x1024xf32, #tpu.memory_space<vmem>>, vector<1x2048x1024xf32>
    %get3A_10 = vector.shape_cast %get3A_9 : vector<1x2048x1024xf32> to vector<2048x1024xf32>
    %dot_general3A = arith.constant dense<0.000000e+00> : vector<128x1024xf32>
    %dot_general3A_11 = tpu.matmul %select_n3A, %get3A_10, %dot_general3A {dimension_numbers = #tpu.dot_dimension_numbers<[1], [0], [0], [1], [0, 0, 1, 1], [], []>, transpose_lhs_hint = false} : vector<128x2048xf32>, vector<2048x1024xf32>, vector<128x1024xf32> -> vector<128x1024xf32>
    %swap3A = arith.constant 0 : index
    %swap3A_12 = arith.constant 0 : index
    %swap3A_13 = vector.load %arg5[%swap3A, %swap3A_12] : memref<128x1024xf32, #tpu.memory_space<vmem>>, vector<128x1024xf32>
    tpu.vector_store %arg5[%swap3A, %swap3A_12], %dot_general3A_11 {strides = array<i32>} : memref<128x1024xf32, #tpu.memory_space<vmem>>, vector<128x1024xf32>,
    return
  }
  func.func @transform_0(%arg0: i32, %arg1: memref<48xi32, #tpu.memory_space<smem>>) -> (i32, i32) {
    %c0_i32 = arith.constant 0 : i32
    %c0_i32_0 = arith.constant 0 : i32
    return %arg0, %c0_i32 : i32, i32
  }
  func.func @transform_1(%arg0: i32, %arg1: memref<48xi32, #tpu.memory_space<smem>>) -> (i32, i32) {
    %c0_i32 = arith.constant 0 : i32
    %c0_i32_0 = arith.constant 0 : i32
    return %arg0, %c0_i32 : i32, i32
  }
  func.func @transform_2(%arg0: i32, %arg1: memref<48xi32, #tpu.memory_space<smem>>) -> (i32, i32, i32) {
    %get3A = arith.index_cast %arg0 : i32 to index
    %get3A_0 = memref.load %arg1[%get3A] : memref<48xi32, #tpu.memory_space<smem>>
    %c0_i32 = arith.constant 0 : i32
    %c0_i32_1 = arith.constant 0 : i32
    %c0_i32_2 = arith.constant 0 : i32
    return %get3A_0, %c0_i32, %c0_i32_1 : i32, i32, i32
  }
  func.func @transform_3(%arg0: i32, %arg1: memref<48xi32, #tpu.memory_space<smem>>) -> (i32, i32) {
    %c0_i32 = arith.constant 0 : i32
    %c0_i32_0 = arith.constant 0 : i32
    return %arg0, %c0_i32 : i32, i32
  }
}

module attributes {stable_mosaic.version = 14 : i64} {
  func.func @_comb_kernel(%arg0: i32, %arg1: memref<256x2x1024xf32, #tpu.memory_space<vmem>>, %arg2: memref<1x1024xf32, #tpu.memory_space<vmem>>, %arg3: memref<256x1024xf32, #tpu.memory_space<vmem>>) attributes {dimension_semantics = [#tpu.dimension_semantics<arbitrary>], iteration_bounds = array<i64: 8>, scalar_prefetch = 0 : i64, scratch_operands = 0 : i64, tpu.core_type = #tpu.core_type<tc>, window_params = [{transform_indices = @transform_0, window_bounds = array<i64: 256, 2, 1024>}, {pipeline_mode = #tpu.pipeline_mode<synchronous>, transform_indices = @transform_1, window_bounds = array<i64: 1, 1024>}, {transform_indices = @transform_2, window_bounds = array<i64: 256, 1024>}]} {
    %get3A = arith.constant 0 : index
    %get3A_0 = arith.constant 0 : index
    %get3A_1 = arith.constant 0 : index
    %get3A_2 = vector.load %arg1[%get3A, %get3A_0, %get3A_1] : memref<256x2x1024xf32, #tpu.memory_space<vmem>>, vector<256x2x1024xf32>
    %reduce_sum3A = arith.constant dense<0.000000e+00> : vector<256x1024xf32>
    %reduce_sum3A_3 = vector.multi_reduction <add>, %get3A_2, %reduce_sum3A [1] : vector<256x2x1024xf32> to vector<256x1024xf32>
    %get3A_4 = arith.constant 0 : index
    %get3A_5 = arith.constant 0 : index
    %get3A_6 = vector.load %arg2[%get3A_4, %get3A_5] : memref<1x1024xf32, #tpu.memory_space<vmem>>, vector<1x1024xf32>
    %add3A = vector.broadcast %get3A_6 : vector<1x1024xf32> to vector<256x1024xf32>
    %add3A_7 = arith.addf %reduce_sum3A_3, %add3A : vector<256x1024xf32>
    %swap3A = arith.constant 0 : index
    %swap3A_8 = arith.constant 0 : index
    %swap3A_9 = vector.load %arg3[%swap3A, %swap3A_8] : memref<256x1024xf32, #tpu.memory_space<vmem>>, vector<256x1024xf32>
    tpu.vector_store %arg3[%swap3A, %swap3A_8], %add3A_7 {strides = array<i32>} : memref<256x1024xf32, #tpu.memory_space<vmem>>, vector<256x1024xf32>,
    return
  }
  func.func @transform_0(%arg0: i32) -> (i32, i32, i32) {
    %c0_i32 = arith.constant 0 : i32
    %c0_i32_0 = arith.constant 0 : i32
    %c0_i32_1 = arith.constant 0 : i32
    return %arg0, %c0_i32, %c0_i32_0 : i32, i32, i32
  }
  func.func @transform_1(%arg0: i32) -> (i32, i32) {
    %c0_i32 = arith.constant 0 : i32
    %c0_i32_0 = arith.constant 0 : i32
    %c0_i32_1 = arith.constant 0 : i32
    return %c0_i32, %c0_i32_0 : i32, i32
  }
  func.func @transform_2(%arg0: i32) -> (i32, i32) {
    %c0_i32 = arith.constant 0 : i32
    %c0_i32_0 = arith.constant 0 : i32
    return %arg0, %c0_i32 : i32, i32
  }
}

</mosaic_0001>

<sc_bundles>
// kernel: kernel.10.cloned.1.call-start
scs
__scs_entry_jumppad:
0x0: {  	(pc) =	sbr.rel $0x88, $3  }
0x1: {  	(tag) =	ssettag $0x0;
	lr =	simm.s32 $0x1  }
0x2: {  	[smem:$0x3F99] =	sst lr;
	_ =	strace $0xD0000000  }
0x3: {  	_ = 	snop  }
0x4: {  	_ = 	snop  }
0x5: {  	_ = 	snop  }
0x6: {  	_ = 	snop  }
0x7: {  	_ = 	snop  }
__scs_overlays_trampoline_lowered:
0x8: {  	[smem:$0x3FA8] =	sst s0  }
0x9: {  	[smem:$0x3FA9] =	sst s1  }
0xa: {  	[smem:$0x3FAA] =	sst s2  }
0xb: {  	[smem:$0x3FAB] =	sst s3  }
0xc: {  	[smem:$0x3FAC] =	sst s4  }
0xd: {  	[smem:$0x3FAD] =	sst s5  }
0xe: {  	[smem:$0x3FAE] =	sst s6  }
0xf: {  	[smem:$0x3FAF] =	sst s7  }
0x10: {  	[smem:$0x3FB0] =	sst s8  }
0x11: {  	[smem:$0x3FB1] =	sst s9;
	s0 =	simm.s32 @!p0 $0x0  }
0x12: {  	s1 =	sld [smem:$0x3F97];
	s0 =	simm.s32 @p0 $0x1  }
0x13: {  	[smem:$0x3FB2] =	sst s0;
	s0 =	simm.s32 @!p1 $0x0  }
0x14: {  	s2 =	sld [smem:$0x3F96];
	s0 =	simm.s32 @p1 $0x1  }
0x15: {  	[smem:$0x3FB3] =	sst s0;
	s0 =	simm.s32 @!p2 $0x0  }
0x16: {  	s3 =	sld [smem:$0x3FDB];
	s0 =	simm.s32 @p2 $0x1  }
0x17: {  	s4 =	simm.s32 $0x1BF5;
	[smem:$0x3FB5] =	sst s0  }
0x18: {  	s0 =	sld [smem:$0x3F98];
	_ =	swait.ge [sflag:s4], $0x0  }
0x19: {  	s7 =	sld [smem:$0x3F99]  }
0x1a: {  	s8 =	sadd.s32 $0xFFFFE003, lr  }
0x1b: {  	s9 =	sadd.s32 $0xFFFFFEF7, lr;
	s5 =	simm.s32 $0xFFFFFFFF;
	p2 =	slt.u32 s8, $0xFFFFF086  }
0x1c: {  	p1 =	slt.u32 s9, $0xF7A;
	s5 =	simm.s32 @!p2 $0x0  }
0x1d: {  	s5 =	simm.s32 @p1 $0x1;
	p0 =	seq.s32 s7, s2  }
0x1e: {  	s7 =	smul.u32 @!p0 $0xF7A, s2;
	p2 =	seq.s32 @!p0 s5, $0x0  }
0x1f: {  	s9 =	smul.u32 $0xF7A, s1;
	s8 =	simm.s32 @!p0 $0x1BF5;
	p2 =	por !p2, p0  }
0x20: {  	[sflag:s8] =	ssyncset.s32 @!p0 $0xFFFFF086;
	s6 =	sadd.s32 @!p0 s3, s7;
	s7 =	simm.s32 @!p0 $0x108  }
0x21: {  	s3 =	sadd.s32 s3, s9;
	s6 =	sadd.s32 @!p0 $0x88, s6;
	s7 =	simm.s32 @p2 $0x1082  }
0x22: {  	[simem:s7], [sflag:s8] =	dma.local @!p0 [hbm:s6], $0xF7A  }
0x23: {  	s9 =	sor.u32 $0xD0000000, s2;
	s6 =	simm.s32 $0x108;
	_ =	swait.ge @!p0 [sflag:s8], $0x0  }
0x24: {  	s3 =	sadd.s32 $0x88, s3;
	s6 =	simm.s32 @!p1 $0x1082;
	[sflag:s4] =	ssyncset.s32 $0xFFFFF086  }
0x25: {  	[simem:s6], [sflag:s4] =	dma.local [hbm:s3], $0xF7A  }
0x26: {  	[smem:$0x3F99] =	sst s1;
	(tag) =	ssettag s2;
	_ =	strace s9  }
0x27: {  	s1 =	sld [smem:$0x3FA9]  }
0x28: {  	s2 =	sld [smem:$0x3FAA]  }
0x29: {  	s4 =	sld [smem:$0x3FAC]  }
0x2a: {  	p0 =	seq.s32 s5, $0x0;
	s5 =	sld [smem:$0x3FAD]  }
0x2b: {  	s6 =	sld [smem:$0x3FAE]  }
0x2c: {  	s7 =	sld [smem:$0x3FAF]  }
0x2d: {  	s3 =	simm.s32 $0x108;
	s8 =	sld [smem:$0x3FB0]  }
0x2e: {  	s3 =	simm.s32 @!p0 $0x1082;
	s9 =	sld [smem:$0x3FB1]  }
0x2f: {  	lr =	sadd.s32 s0, s3;
	s0 =	sld [smem:$0x3FA8]  }
0x30: {  	s3 =	sld [smem:$0x3FAB]  }
0x31: {  	[smem:$0x3FB4] =	sst s10  }
0x32: {  	s10 =	sld [smem:$0x3FB2];
	_ =	sdelay $0x3  }
0x33: {  	p0 =	seq.s32 s10, $0x1;
	s10 =	sld [smem:$0x3FB4];
	_ =	sdelay $0x3  }
0x34: {  	[smem:$0x3FB4] =	sst s10  }
0x35: {  	s10 =	sld [smem:$0x3FB3];
	_ =	sdelay $0x3  }
0x36: {  	p1 =	seq.s32 s10, $0x1;
	s10 =	sld [smem:$0x3FB4];
	_ =	sdelay $0x3  }
0x37: {  	[smem:$0x3FB4] =	sst s10  }
0x38: {  	s10 =	sld [smem:$0x3FB5]  }
0x39: {  	_ = 	snop;
	(pc) =	sbr.ind lr, $3  }
0x3a: {  	_ = 	snop  }
0x3b: {  	_ = 	snop  }
0x3c: {  	p2 =	seq.s32 s10, $0x1;
	s10 =	sld [smem:$0x3FB4]  }
0x3d: {  	_ =	shalt  }
0x3e: {  	_ =	shalt  }
0x3f: {  	_ =	shalt  }
0x40: {  	_ =	shalt  }
0x41: {  	_ =	shalt  }
0x42: {  	_ =	shalt  }
0x43: {  	_ =	shalt  }
0x44: {  	_ =	shalt  }
0x45: {  	_ =	shalt  }
0x46: {  	_ =	shalt  }
0x47: {  	_ =	shalt  }
0x48: {  	_ =	shalt  }
0x49: {  	_ =	shalt  }
0x4a: {  	_ =	shalt  }
0x4b: {  	_ =	shalt  }
0x4c: {  	_ =	shalt  }
0x4d: {  	_ =	shalt  }
0x4e: {  	_ =	shalt  }
0x4f: {  	_ =	shalt  }
0x50: {  	_ =	shalt  }
0x51: {  	_ =	shalt  }
0x52: {  	_ =	shalt  }
0x53: {  	_ =	shalt  }
0x54: {  	_ =	shalt  }
0x55: {  	_ =	shalt  }
0x56: {  	_ =	shalt  }
0x57: {  	_ =	shalt  }
0x58: {  	_ =	shalt  }
0x59: {  	_ =	shalt  }
0x5a: {  	_ =	shalt  }
0x5b: {  	_ =	shalt  }
0x5c: {  	_ =	shalt  }
0x5d: {  	_ =	shalt  }
0x5e: {  	_ =	shalt  }
0x5f: {  	_ =	shalt  }
0x60: {  	_ =	shalt  }
0x61: {  	_ =	shalt  }
0x62: {  	_ =	shalt  }
0x63: {  	_ =	shalt  }
0x64: {  	_ =	shalt  }
0x65: {  	_ =	shalt  }
0x66: {  	_ =	shalt  }
0x67: {  	_ =	shalt  }
0x68: {  	_ =	shalt  }
0x69: {  	_ =	shalt  }
0x6a: {  	_ =	shalt  }
0x6b: {  	_ =	shalt  }
0x6c: {  	_ =	shalt  }
0x6d: {  	_ =	shalt  }
0x6e: {  	_ =	shalt  }
0x6f: {  	_ =	shalt  }
0x70: {  	_ =	shalt  }
0x71: {  	_ =	shalt  }
0x72: {  	_ =	shalt  }
0x73: {  	_ =	shalt  }
0x74: {  	_ =	shalt  }
0x75: {  	_ =	shalt  }
0x76: {  	_ =	shalt  }
0x77: {  	_ =	shalt  }
0x78: {  	_ =	shalt  }
0x79: {  	_ =	shalt  }
0x7a: {  	_ =	shalt  }
0x7b: {  	_ =	shalt  }
0x7c: {  	_ =	shalt  }
0x7d: {  	_ =	shalt  }
0x7e: {  	_ =	shalt  }
0x7f: {  	_ =	shalt  }
0x80: {  	_ =	shalt  }
0x81: {  	_ =	shalt  }
0x82: {  	_ =	shalt  }
0x83: {  	_ =	shalt  }
0x84: {  	_ =	shalt  }
0x85: {  	_ =	shalt  }
0x86: {  	_ =	shalt  }
0x87: {  	_ =	shalt  }
.Lfunc_end0:
.L_simem_size_0:
called_computation_lowered:
.L_overlay_start_0:
0x88: {  	s2 =	sld [smem:$0x3FD9]  }
0x89: {  	s3 =	sld [smem:$0x3FFE];
	_ =	sdelay $0x1  }
0x8a: {  	s1 =	srdreg.scid  }
0x8b: {  	s0 =	sand.u32 $0x1, s1  }
0x8c: {  	s17 =	sshll.u32 s0, $0xA;
	s2 =	sadd.s32 s3, s2  }
0x8d: {  	s2 =	sadd.s32 s2, s17  }
0x8e: {  	[smem:$0x3FC0] =	sst s2  }
0x8f: {  	_ = 	snop  }
0x90: {  	s2 =	sld [smem:$0x3FC9]  }
0x91: {  	s18 =	sld [smem:$0x3FD0];
	(tm) =	ssettm $0x1  }
0x92: {  	s4 =	sld [smem:$0x3FFB];
	_ =	sdelay $0x3  }
0x93: {  	_ =	strace s4  }
0x94: {  	s4 =	sld [smem:$0x3FFC];
	_ =	sdelay $0x3  }
0x95: {  	_ =	strace s4  }
0x96: {  	s4 =	sld [smem:$0x3FFD];
	_ =	sdelay $0x3  }
0x97: {  	_ =	strace s4  }
0x98: {  	_ =	strace $0x8FFFFFFF  }
0x99: {  	s19 =	sld [smem:$0x3FDB];
	_ =	sdelay $0x1  }
0x9a: {  	s5 =	simm.s32 $_scs_section_size  }
0x9b: {  	s6 =	simm.s32 $_size__tile_overlayer_lowered;
	s7 =	simm.s32 $_tile_overlayer_lowered  }
0x9c: {  	s22 =	simm.s32 $0x1BFF;
	s21 =	sshll.u32 s7, $0x1;
	s4 =	sadd.s32 s5, s19  }
0x9d: {  	s8 =	simm.s32 $0x0;
	s20 =	sshll.u32 s6, $0x1;
	s6 =	sadd.s32 s21, s4  }
0x9e: {  	[timem:s8], [sflag:s22] =	dma.local [hbm:s6], s20  }
0x9f: {  	_ =	swait.ge [sflag:s22], s20  }
0xa0: {  	s5 =	ssub.s32 $0x0, s20;
	[sflag:s22] =	ssyncset.done $0x0  }
0xa1: {  	[sflag:s22] =	ssyncadd.s32 s5;
	_ =	sdelay $0x1  }
0xa2: {  	s23 =	simm.s32 $0x1B8B  }
0xa3: {  	_ =	swait.ge [sflag:s23], $0x1  }
0xa4: {  	[sflag:s23] =	ssyncset.done $0x0  }
0xa5: {  	s25 =	simm.s32 $0x1B8E;
	s24 =	sld [smem:$0x3FFE];
	[sflag:s23] =	ssyncadd.s32 $0xFFFFFFFF  }
0xa6: {  	s26 =	simm.s32 $execute0_lowered;
	[smem:$0x3FD2] =	sst s25  }
0xa7: {  	s6 =	sshll.u32 s26, $0x1;
	_ =	strace $0x80000046;
	[dreg:$0x1] =	wrdreg $0xFFFFFFFF  }
0xa8: {  	s28 =	simm.s32 $_size_execute0_lowered;
	s4 =	sadd.s32 s4, s6;
	[dreg:$0x0] =	wrdreg $0x0  }
0xa9: {  	s6 =	sshll.u32 s28, $0x1;
	[dreg:$0x2] =	wrdreg s4  }
0xaa: {  	[dreg:$0x3] =	wrdreg s6  }
0xab: {  	[dreg:$0x4] =	wrdreg $0xC0  }
0xac: {  	_ =	task [dreg:s8], $0x5FFFF  }
0xad: {  	[dreg:$0x1] =	wrdreg $0xFFFFFFFF  }
0xae: {  	[dreg:$0x0] =	wrdreg $0x60  }
0xaf: {  	[dreg:$0x2] =	wrdreg s2  }
0xb0: {  	[dreg:$0x3] =	wrdreg s18  }
0xb1: {  	[dreg:$0x4] =	wrdreg s24  }
0xb2: {  	[dreg:$0x5] =	wrdreg $0x9  }
0xb3: {  	_ =	task.clear_ibuf [dreg:s8], $0x6FFFF;
	_ =	strace $0x90000046  }
0xb4: {  	s29 =	simm.s32 $0x9;
	_ =	strace $0x80000048  }
0xb5: {  	_ =	swait.ge [sflag:s29], $0x1  }
0xb6: {  	[sflag:s29] =	ssyncadd.s32 $0xFFFFFFFF  }
0xb7: {  	_ =	strace $0x90000048  }
0xb8: {  	_ =	sfence  }
0xb9: {  	s30 =	sld [smem:$0x0];
	_ =	sdelay $0x2  }
0xba: {  	s31 =	sshll.u32 s1, $0xD;
	s1 =	sshrl.u32 s1, $0x2  }
0xbb: {  	s3 =	sand.u32 $0x4000, s31;
	s1 =	sadd.s32 s1, s30  }
0xbc: {  	s0 =	sor.u32 s3, s0;
	s1 =	sshll.u32 s1, $0x11  }
0xbd: {  	s0 =	sor.u32 s1, s0  }
0xbe: {  	s0 =	sadd.s32 $0x8F2B, s0  }
0xbf: {  	[sflag:s0] =	ssyncadd.remote.s32 $0x1  }
0xc0: {  	_ =	sfence.sel $0xFFFF  }
0xc1: {  	[dreg:$0x0] =	wrdreg $0xFFFFFFFF;
	(pc) =	sbr.abs _section_cstart, $3  }
0xc2: {  	[dreg:$0x1] =	wrdreg $0xFFFFFFFF  }
0xc3: {  	_ =	task.clear_ibuf [dreg:s8], $0x2FFFF;
	_ =	strace $0x9FFFFFFF  }
0xc4: {  	(tm) =	ssettm $0x7FFFFFFF  }
0xc5: {  	_ =	shalt  }
tec
execute0_lowered:
.L_overlay_start_1:
0x0: {  	(tag) =	ssettag $0x1  }
0x1: {  	s1 =	rddreg [dreg:$0x0]  }
0x2: {  	s0 =	rddreg [dreg:$0x1]  }
0x3: {  	s22 =	rddreg [dreg:$0x2];
	s2 =	srdreg.scid  }
0x4: {  	s3 =	simm.s32 $0x0;
	s5 =	stileid.u32;
	s28 =	simm.s32 $0x3  }
0x5: {  	s29 =	simm.s32 $0x2;
	s30 =	simm.s32 $0x4;
	s14 =	simm.s32 $0x4000  }
0x6: {  	s16 =	simm.s32 $0x4800;
	s17 =	simm.s32 $0x5000;
	s18 =	simm.s32 $0x5800  }
0x7: {  	s19 =	simm.s32 $0x6000;
	s20 =	simm.s32 $0x6800;
	s2 =	sand.u32 $0x1, s2  }
0x8: {  	s21 =	simm.s32 $0x7000;
	[dreg:$0x4] =	wrdreg s0;
	s4 =	sshll.u32 s2, $0x4  }
0x9: {  	s15 =	simm.s32 $0xB000;
	[smem:$0x7FF] =	sst s3;
	s5 =	sor.u32 s5, s4  }
0xa: {  	s0 =	sadd.s32 $0x200, s22;
	s2 =	ssub.s32 $0x2, s2;
	s4 =	smul.u32 $0xC0, s5  }
0xb: {  	s22 =	simm.s32 $0x7800;
	s6 =	sshrl.u32 s2, $0x1;
	s8 =	smul.u32 $0x6000, s5  }
0xc: {  	_ =	strace $0x80000047;
	s2 =	ssub.s32 s2, s6;
	s5 =	sadd.s32 $0x100, s1  }
0xd: {  	s6 =	sadd.s32 $0x200, s1;
	s7 =	sor.u32 $0x20, s4;
	s8 =	sadd.s32 s0, s8  }
0xe: {  	s10 =	sadd.s32 $0x40, s4;
	s12 =	sadd.s32 $0x60, s4;
	[dreg:$0xe] =	wrdreg s7  }
0xf: {  	s25 =	sadd.s32 $0x80, s4;
	s11 =	sand.u32 $0x40, s4;
	[dreg:$0x5] =	wrdreg s8  }
0x10: {  	s13 =	sadd.s32 $0xA0, s4;
	s9 =	sshll.u32 s7, $0x7;
	[dreg:$0xb] =	wrdreg s10  }
0x11: {  	s10 =	sshll.u32 s10, $0x7;
	s26 =	sand.u32 $0x3F80, s25;
	[dreg:$0xc] =	wrdreg s12  }
0x12: {  	s12 =	sshll.u32 s12, $0x7;
	s8 =	sshll.u32 s25, $0x7;
	[dreg:$0xd] =	wrdreg s13  }
0x13: {  	s13 =	sshll.u32 s13, $0x7;
	s25 =	simm.s32 $0x9000;
	s23 =	sadd.s32 s0, s9  }
0x14: {  	s9 =	sadd.s32 $0x300, s1;
	s24 =	sadd.s32 s0, s10;
	[dreg:$0x6] =	wrdreg s23  }
0x15: {  	s12 =	sadd.s32 s0, s12;
	s8 =	sadd.s32 s0, s8;
	[dreg:$0x7] =	wrdreg s24  }
0x16: {  	s31 =	sor.u32 s11, s26;
	s0 =	sadd.s32 s0, s13;
	[dreg:$0x8] =	wrdreg s12  }
0x17: {  	s13 =	smax.u32 s2, $0x1;
	s26 =	simm.s32 $0x1;
	[dreg:$0xf] =	wrdreg s31  }
0x18: {  	v2 =	vlaneseq.u32;
	s2 =	simm.s32 $0x1800;
	s10 =	simm.s32 $0x3000;
	[dreg:$0x9] =	wrdreg s8  }
0x19: {  	vm0 =	vmmov $0xffff;
	v1 =	vshrl.u32 v2, $0x3;
	s11 =	simm.s32 $0x3800;
	[dreg:$0xa] =	wrdreg s0;
	s8 =	simm.s32 $0x2800  }
0x1a: {  	v0 =	vand.u32 $0x7, v2;
	v2 =	vor.u32 $0x8, v2;
	v1 =	vmul.u32 $0x8, v1;
	s23 =	simm.s32 $0x8000;
	s24 =	simm.s32 $0x8800;
	s0 =	simm.s32 $0x9800  }
.LBB2_1:
0x1b: {  	s31 =	rddreg [dreg:$0x4];
	s12 =	simm.s32 $0x5  }
0x1c: {  	[tilespmem:s3], [sflag:$0x5] =	stream.linear.gather [hbm4b:s31+s3], $0x1800, $0x38;
	[tilespmem:$0x11800] =	vst v63  }
0x1d: {  	_ =	swait.ge [sflag:s12], $0x1800  }
0x1e: {  	[sflag:s12] =	ssyncset.done $0x0  }
0x1f: {  	[sflag:s12] =	ssyncadd.s32 $0xFFFFE800  }
0x20: {  	v3 =	vld [tilespmem:s4+$0x0];
	_ =	sdelay $0x4  }
0x21: {  	v4 =	vshll.u32 v3, $0x3  }
0x22: {  	v3 =	vand.u32 $0x7, v3;
	v4 =	vand.u32 $0xFFFFFFC0, v4  }
0x23: {  	v3 =	vor.u32 v3, v4  }
0x24: {  	v4 =	vperm.xlane v3, v0;
	_ =	sdelay $0x1  }
0x25: {  	v4 =	vadd.s32 v1, v4;
	_ =	sdelay $0x4  }
0x26: {  	[tilespmem:s2], [sflag:$0x1] =	stream.indirect_vreg.gather [hbm4b:s1+s3], $0x80, v4, vm0, $0xb8;
	[tilespmem:$0x11800] =	vst v63  }
0x27: {  	s7 =	simm.s32 $0x2000;
	v3 =	vperm.xlane v3, v2  }
0x28: {  	[tilespmem:s7], [sflag:$0x1] =	stream.indirect_vreg.gather [hbm4b:s5+s3], $0x80, v4, vm0, $0xb8;
	[tilespmem:$0x11800] =	vst v63  }
0x29: {  	v3 =	vadd.s32 v1, v3  }
0x2a: {  	[tilespmem:s8], [sflag:$0x1] =	stream.indirect_vreg.gather [hbm4b:s6+s3], $0x80, v4, vm0, $0xb8;
	[tilespmem:$0x11800] =	vst v63  }
0x2b: {  	_ = 	snop  }
0x2c: {  	[tilespmem:s10], [sflag:$0x1] =	stream.indirect_vreg.gather [hbm4b:s9+s3], $0x80, v4, vm0, $0xb8;
	[tilespmem:$0x11800] =	vst v63  }
0x2d: {  	_ = 	snop  }
0x2e: {  	[tilespmem:s11], [sflag:$0x1] =	stream.indirect_vreg.gather [hbm4b:s1+s3], $0x80, v3, vm0, $0xb8;
	[tilespmem:$0x11800] =	vst v63  }
0x2f: {  	_ = 	snop  }
0x30: {  	[tilespmem:s14], [sflag:$0x1] =	stream.indirect_vreg.gather [hbm4b:s5+s3], $0x80, v3, vm0, $0xb8;
	[tilespmem:$0x11800] =	vst v63  }
0x31: {  	_ = 	snop  }
0x32: {  	[tilespmem:s16], [sflag:$0x1] =	stream.indirect_vreg.gather [hbm4b:s6+s3], $0x80, v3, vm0, $0xb8;
	[tilespmem:$0x11800] =	vst v63  }
0x33: {  	_ = 	snop  }
0x34: {  	[tilespmem:s17], [sflag:$0x1] =	stream.indirect_vreg.gather [hbm4b:s9+s3], $0x80, v3, vm0, $0xb8;
	[tilespmem:$0x11800] =	vst v63  }
0x35: {  	v3 =	vld [tilespmem:s4+$0x10];
	_ =	sdelay $0x4  }
0x36: {  	v53 =	vshll.u32 v3, $0x3  }
0x37: {  	v3 =	vand.u32 $0x7, v3;
	v4 =	vand.u32 $0xFFFFFFC0, v53  }
0x38: {  	v3 =	vor.u32 v3, v4  }
0x39: {  	v4 =	vperm.xlane v3, v0;
	_ =	sdelay $0x1  }
0x3a: {  	v4 =	vadd.s32 v1, v4;
	_ =	sdelay $0x4  }
0x3b: {  	[tilespmem:s18], [sflag:$0x1] =	stream.indirect_vreg.gather [hbm4b:s1+s3], $0x80, v4, vm0, $0xb8;
	[tilespmem:$0x11800] =	vst v63  }
0x3c: {  	v3 =	vperm.xlane v3, v2  }
0x3d: {  	[tilespmem:s19], [sflag:$0x1] =	stream.indirect_vreg.gather [hbm4b:s5+s3], $0x80, v4, vm0, $0xb8;
	[tilespmem:$0x11800] =	vst v63  }
0x3e: {  	v3 =	vadd.s32 v1, v3  }
0x3f: {  	[tilespmem:s20], [sflag:$0x1] =	stream.indirect_vreg.gather [hbm4b:s6+s3], $0x80, v4, vm0, $0xb8;
	[tilespmem:$0x11800] =	vst v63  }
0x40: {  	_ = 	snop  }
0x41: {  	[tilespmem:s21], [sflag:$0x1] =	stream.indirect_vreg.gather [hbm4b:s9+s3], $0x80, v4, vm0, $0xb8;
	[tilespmem:$0x11800] =	vst v63  }
0x42: {  	_ = 	snop  }
0x43: {  	[tilespmem:s22], [sflag:$0x1] =	stream.indirect_vreg.gather [hbm4b:s1+s3], $0x80, v3, vm0, $0xb8;
	[tilespmem:$0x11800] =	vst v63  }
0x44: {  	_ = 	snop  }
0x45: {  	[tilespmem:s23], [sflag:$0x1] =	stream.indirect_vreg.gather [hbm4b:s5+s3], $0x80, v3, vm0, $0xb8;
	[tilespmem:$0x11800] =	vst v63  }
0x46: {  	_ = 	snop  }
0x47: {  	[tilespmem:s24], [sflag:$0x1] =	stream.indirect_vreg.gather [hbm4b:s6+s3], $0x80, v3, vm0, $0xb8;
	[tilespmem:$0x11800] =	vst v63  }
0x48: {  	s31 =	rddreg [dreg:$0xe]  }
0x49: {  	[tilespmem:s25], [sflag:$0x1] =	stream.indirect_vreg.gather [hbm4b:s9+s3], $0x80, v3, vm0, $0xb8;
	[tilespmem:$0x11800] =	vst v63  }
0x4a: {  	v3 =	vld [tilespmem:s31+$0x0];
	_ =	sdelay $0x4  }
0x4b: {  	v54 =	vshll.u32 v3, $0x3  }
0x4c: {  	v3 =	vand.u32 $0x7, v3;
	v4 =	vand.u32 $0xFFFFFFC0, v54  }
0x4d: {  	v3 =	vor.u32 v3, v4  }
0x4e: {  	v4 =	vperm.xlane v3, v0;
	_ =	sdelay $0x1  }
0x4f: {  	v4 =	vadd.s32 v1, v4;
	_ =	sdelay $0x4  }
0x50: {  	[tilespmem:s0], [sflag:$0x2] =	stream.indirect_vreg.gather [hbm4b:s1+s3], $0x80, v4, vm0, $0xb8;
	[tilespmem:$0x11800] =	vst v63  }
0x51: {  	s12 =	simm.s32 $0xA000;
	v3 =	vperm.xlane v3, v2  }
0x52: {  	[tilespmem:s12], [sflag:$0x2] =	stream.indirect_vreg.gather [hbm4b:s5+s3], $0x80, v4, vm0, $0xb8;
	[tilespmem:$0x11800] =	vst v63  }
0x53: {  	v3 =	vadd.s32 v1, v3;
	s12 =	simm.s32 $0xA800  }
0x54: {  	[tilespmem:s12], [sflag:$0x2] =	stream.indirect_vreg.gather [hbm4b:s6+s3], $0x80, v4, vm0, $0xb8;
	[tilespmem:$0x11800] =	vst v63  }
0x55: {  	_ = 	snop  }
0x56: {  	[tilespmem:s15], [sflag:$0x2] =	stream.indirect_vreg.gather [hbm4b:s9+s3], $0x80, v4, vm0, $0xb8;
	[tilespmem:$0x11800] =	vst v63  }
0x57: {  	s12 =	simm.s32 $0xB800  }
0x58: {  	[tilespmem:s12], [sflag:$0x2] =	stream.indirect_vreg.gather [hbm4b:s1+s3], $0x80, v3, vm0, $0xb8;
	[tilespmem:$0x11800] =	vst v63  }
0x59: {  	s12 =	simm.s32 $0xC000  }
0x5a: {  	[tilespmem:s12], [sflag:$0x2] =	stream.indirect_vreg.gather [hbm4b:s5+s3], $0x80, v3, vm0, $0xb8;
	[tilespmem:$0x11800] =	vst v63  }
0x5b: {  	s12 =	simm.s32 $0xC800  }
0x5c: {  	[tilespmem:s12], [sflag:$0x2] =	stream.indirect_vreg.gather [hbm4b:s6+s3], $0x80, v3, vm0, $0xb8;
	[tilespmem:$0x11800] =	vst v63  }
0x5d: {  	s12 =	simm.s32 $0xD000  }
0x5e: {  	[tilespmem:s12], [sflag:$0x2] =	stream.indirect_vreg.gather [hbm4b:s9+s3], $0x80, v3, vm0, $0xb8;
	[tilespmem:$0x11800] =	vst v63  }
0x5f: {  	v3 =	vld [tilespmem:s31+$0x10];
	_ =	sdelay $0x4  }
0x60: {  	v55 =	vshll.u32 v3, $0x3  }
0x61: {  	v3 =	vand.u32 $0x7, v3;
	v4 =	vand.u32 $0xFFFFFFC0, v55  }
0x62: {  	v3 =	vor.u32 v3, v4  }
0x63: {  	v4 =	vperm.xlane v3, v0;
	_ =	sdelay $0x1  }
0x64: {  	v4 =	vadd.s32 v1, v4;
	_ =	sdelay $0x3  }
0x65: {  	s31 =	simm.s32 $0xD800  }
0x66: {  	[tilespmem:s31], [sflag:$0x2] =	stream.indirect_vreg.gather [hbm4b:s1+s3], $0x80, v4, vm0, $0xb8;
	[tilespmem:$0x11800] =	vst v63  }
0x67: {  	v3 =	vperm.xlane v3, v2;
	s31 =	simm.s32 $0xE000  }
0x68: {  	[tilespmem:s31], [sflag:$0x2] =	stream.indirect_vreg.gather [hbm4b:s5+s3], $0x80, v4, vm0, $0xb8;
	[tilespmem:$0x11800] =	vst v63  }
0x69: {  	v3 =	vadd.s32 v1, v3;
	s31 =	simm.s32 $0xE800  }
0x6a: {  	[tilespmem:s31], [sflag:$0x2] =	stream.indirect_vreg.gather [hbm4b:s6+s3], $0x80, v4, vm0, $0xb8;
	[tilespmem:$0x11800] =	vst v63  }
0x6b: {  	s31 =	simm.s32 $0xF000  }
0x6c: {  	[tilespmem:s31], [sflag:$0x2] =	stream.indirect_vreg.gather [hbm4b:s9+s3], $0x80, v4, vm0, $0xb8;
	[tilespmem:$0x11800] =	vst v63  }
0x6d: {  	s31 =	simm.s32 $0xF800  }
0x6e: {  	[tilespmem:s31], [sflag:$0x2] =	stream.indirect_vreg.gather [hbm4b:s1+s3], $0x80, v3, vm0, $0xb8;
	[tilespmem:$0x11800] =	vst v63  }
0x6f: {  	s31 =	simm.s32 $0x10000  }
0x70: {  	[tilespmem:s31], [sflag:$0x2] =	stream.indirect_vreg.gather [hbm4b:s5+s3], $0x80, v3, vm0, $0xb8;
	[tilespmem:$0x11800] =	vst v63  }
0x71: {  	s31 =	simm.s32 $0x10800  }
0x72: {  	[tilespmem:s31], [sflag:$0x2] =	stream.indirect_vreg.gather [hbm4b:s6+s3], $0x80, v3, vm0, $0xb8;
	[tilespmem:$0x11800] =	vst v63  }
0x73: {  	s31 =	simm.s32 $0x11000  }
0x74: {  	[tilespmem:s31], [sflag:$0x2] =	stream.indirect_vreg.gather [hbm4b:s9+s3], $0x80, v3, vm0, $0xb8;
	[tilespmem:$0x11800] =	vst v63  }
0x75: {  	_ =	swait.ge [sflag:s26], $0x8000  }
0x76: {  	[sflag:s26] =	ssyncset.done $0x0  }
0x77: {  	s31 =	rddreg [dreg:$0x5];
	[sflag:s26] =	ssyncadd.s32 $0xFFFF8000  }
0x78: {  	[hbm4b:s31+s3] =	stream.linear.scatter [tilespmem:s2], [sflag:$0x3], $0x8000, $0x38;
	[tilespmem:$0x11800] =	vst v63  }
0x79: {  	_ =	swait.ge [sflag:s28], $0x8000  }
0x7a: {  	[sflag:s28] =	ssyncset.done $0x0  }
0x7b: {  	[sflag:s28] =	ssyncadd.s32 $0xFFFF8000  }
0x7c: {  	v3 =	vld [tilespmem:s4+$0x40];
	_ =	sdelay $0x4  }
0x7d: {  	v56 =	vshll.u32 v3, $0x3  }
0x7e: {  	v3 =	vand.u32 $0x7, v3;
	v4 =	vand.u32 $0xFFFFFFC0, v56  }
0x7f: {  	v3 =	vor.u32 v3, v4  }
0x80: {  	v4 =	vperm.xlane v3, v0;
	_ =	sdelay $0x1  }
0x81: {  	v4 =	vadd.s32 v1, v4;
	_ =	sdelay $0x4  }
0x82: {  	[tilespmem:s2], [sflag:$0x1] =	stream.indirect_vreg.gather [hbm4b:s1+s3], $0x80, v4, vm0, $0xb8;
	[tilespmem:$0x11800] =	vst v63  }
0x83: {  	v3 =	vperm.xlane v3, v2  }
0x84: {  	[tilespmem:s7], [sflag:$0x1] =	stream.indirect_vreg.gather [hbm4b:s5+s3], $0x80, v4, vm0, $0xb8;
	[tilespmem:$0x11800] =	vst v63  }
0x85: {  	v3 =	vadd.s32 v1, v3  }
0x86: {  	[tilespmem:s8], [sflag:$0x1] =	stream.indirect_vreg.gather [hbm4b:s6+s3], $0x80, v4, vm0, $0xb8;
	[tilespmem:$0x11800] =	vst v63  }
0x87: {  	_ = 	snop  }
0x88: {  	[tilespmem:s10], [sflag:$0x1] =	stream.indirect_vreg.gather [hbm4b:s9+s3], $0x80, v4, vm0, $0xb8;
	[tilespmem:$0x11800] =	vst v63  }
0x89: {  	_ = 	snop  }
0x8a: {  	[tilespmem:s11], [sflag:$0x1] =	stream.indirect_vreg.gather [hbm4b:s1+s3], $0x80, v3, vm0, $0xb8;
	[tilespmem:$0x11800] =	vst v63  }
0x8b: {  	_ = 	snop  }
0x8c: {  	[tilespmem:s14], [sflag:$0x1] =	stream.indirect_vreg.gather [hbm4b:s5+s3], $0x80, v3, vm0, $0xb8;
	[tilespmem:$0x11800] =	vst v63  }
0x8d: {  	_ = 	snop  }
0x8e: {  	[tilespmem:s16], [sflag:$0x1] =	stream.indirect_vreg.gather [hbm4b:s6+s3], $0x80, v3, vm0, $0xb8;
	[tilespmem:$0x11800] =	vst v63  }
0x8f: {  	s31 =	rddreg [dreg:$0xb]  }
0x90: {  	[tilespmem:s17], [sflag:$0x1] =	stream.indirect_vreg.gather [hbm4b:s9+s3], $0x80, v3, vm0, $0xb8;
	[tilespmem:$0x11800] =	vst v63  }
0x91: {  	v3 =	vld [tilespmem:s31+$0x10];
	_ =	sdelay $0x4  }
0x92: {  	v57 =	vshll.u32 v3, $0x3  }
0x93: {  	v3 =	vand.u32 $0x7, v3;
	v4 =	vand.u32 $0xFFFFFFC0, v57  }
0x94: {  	v3 =	vor.u32 v3, v4  }
0x95: {  	v4 =	vperm.xlane v3, v0;
	_ =	sdelay $0x1  }
0x96: {  	v4 =	vadd.s32 v1, v4;
	_ =	sdelay $0x4  }
0x97: {  	[tilespmem:s18], [sflag:$0x1] =	stream.indirect_vreg.gather [hbm4b:s1+s3], $0x80, v4, vm0, $0xb8;
	[tilespmem:$0x11800] =	vst v63  }
0x98: {  	v3 =	vperm.xlane v3, v2  }
0x99: {  	[tilespmem:s19], [sflag:$0x1] =	stream.indirect_vreg.gather [hbm4b:s5+s3], $0x80, v4, vm0, $0xb8;
	[tilespmem:$0x11800] =	vst v63  }
0x9a: {  	v3 =	vadd.s32 v1, v3  }
0x9b: {  	[tilespmem:s20], [sflag:$0x1] =	stream.indirect_vreg.gather [hbm4b:s6+s3], $0x80, v4, vm0, $0xb8;
	[tilespmem:$0x11800] =	vst v63  }
0x9c: {  	_ = 	snop  }
0x9d: {  	[tilespmem:s21], [sflag:$0x1] =	stream.indirect_vreg.gather [hbm4b:s9+s3], $0x80, v4, vm0, $0xb8;
	[tilespmem:$0x11800] =	vst v63  }
0x9e: {  	_ = 	snop  }
0x9f: {  	[tilespmem:s22], [sflag:$0x1] =	stream.indirect_vreg.gather [hbm4b:s1+s3], $0x80, v3, vm0, $0xb8;
	[tilespmem:$0x11800] =	vst v63  }
0xa0: {  	_ = 	snop  }
0xa1: {  	[tilespmem:s23], [sflag:$0x1] =	stream.indirect_vreg.gather [hbm4b:s5+s3], $0x80, v3, vm0, $0xb8;
	[tilespmem:$0x11800] =	vst v63  }
0xa2: {  	_ = 	snop  }
0xa3: {  	[tilespmem:s24], [sflag:$0x1] =	stream.indirect_vreg.gather [hbm4b:s6+s3], $0x80, v3, vm0, $0xb8;
	[tilespmem:$0x11800] =	vst v63  }
0xa4: {  	_ = 	snop  }
0xa5: {  	[tilespmem:s25], [sflag:$0x1] =	stream.indirect_vreg.gather [hbm4b:s9+s3], $0x80, v3, vm0, $0xb8;
	[tilespmem:$0x11800] =	vst v63  }
0xa6: {  	_ =	swait.ge [sflag:s29], $0x8000  }
0xa7: {  	[sflag:s29] =	ssyncset.done $0x0  }
0xa8: {  	s31 =	rddreg [dreg:$0x6];
	[sflag:s29] =	ssyncadd.s32 $0xFFFF8000  }
0xa9: {  	[hbm4b:s31+s3] =	stream.linear.scatter [tilespmem:s0], [sflag:$0x4], $0x8000, $0x38;
	[tilespmem:$0x11800] =	vst v63  }
0xaa: {  	_ =	swait.ge [sflag:s30], $0x8000  }
0xab: {  	[sflag:s30] =	ssyncset.done $0x0  }
0xac: {  	[sflag:s30] =	ssyncadd.s32 $0xFFFF8000  }
0xad: {  	v3 =	vld [tilespmem:s4+$0x60];
	_ =	sdelay $0x4  }
0xae: {  	v58 =	vshll.u32 v3, $0x3  }
0xaf: {  	v3 =	vand.u32 $0x7, v3;
	v4 =	vand.u32 $0xFFFFFFC0, v58  }
0xb0: {  	v3 =	vor.u32 v3, v4  }
0xb1: {  	v4 =	vperm.xlane v3, v0;
	_ =	sdelay $0x1  }
0xb2: {  	v4 =	vadd.s32 v1, v4;
	_ =	sdelay $0x4  }
0xb3: {  	[tilespmem:s0], [sflag:$0x2] =	stream.indirect_vreg.gather [hbm4b:s1+s3], $0x80, v4, vm0, $0xb8;
	[tilespmem:$0x11800] =	vst v63  }
0xb4: {  	s31 =	simm.s32 $0xA000;
	v3 =	vperm.xlane v3, v2  }
0xb5: {  	[tilespmem:s31], [sflag:$0x2] =	stream.indirect_vreg.gather [hbm4b:s5+s3], $0x80, v4, vm0, $0xb8;
	[tilespmem:$0x11800] =	vst v63  }
0xb6: {  	v3 =	vadd.s32 v1, v3;
	s31 =	simm.s32 $0xA800  }
0xb7: {  	[tilespmem:s31], [sflag:$0x2] =	stream.indirect_vreg.gather [hbm4b:s6+s3], $0x80, v4, vm0, $0xb8;
	[tilespmem:$0x11800] =	vst v63  }
0xb8: {  	_ = 	snop  }
0xb9: {  	[tilespmem:s15], [sflag:$0x2] =	stream.indirect_vreg.gather [hbm4b:s9+s3], $0x80, v4, vm0, $0xb8;
	[tilespmem:$0x11800] =	vst v63  }
0xba: {  	s31 =	simm.s32 $0xB800  }
0xbb: {  	[tilespmem:s31], [sflag:$0x2] =	stream.indirect_vreg.gather [hbm4b:s1+s3], $0x80, v3, vm0, $0xb8;
	[tilespmem:$0x11800] =	vst v63  }
0xbc: {  	s31 =	simm.s32 $0xC000  }
0xbd: {  	[tilespmem:s31], [sflag:$0x2] =	stream.indirect_vreg.gather [hbm4b:s5+s3], $0x80, v3, vm0, $0xb8;
	[tilespmem:$0x11800] =	vst v63  }
0xbe: {  	s31 =	simm.s32 $0xC800  }
0xbf: {  	[tilespmem:s31], [sflag:$0x2] =	stream.indirect_vreg.gather [hbm4b:s6+s3], $0x80, v3, vm0, $0xb8;
	[tilespmem:$0x11800] =	vst v63  }
0xc0: {  	s31 =	rddreg [dreg:$0xc]  }
0xc1: {  	[tilespmem:s12], [sflag:$0x2] =	stream.indirect_vreg.gather [hbm4b:s9+s3], $0x80, v3, vm0, $0xb8;
	[tilespmem:$0x11800] =	vst v63  }
0xc2: {  	v3 =	vld [tilespmem:s31+$0x10];
	_ =	sdelay $0x4  }
0xc3: {  	v59 =	vshll.u32 v3, $0x3  }
0xc4: {  	v3 =	vand.u32 $0x7, v3;
	v4 =	vand.u32 $0xFFFFFFC0, v59  }
0xc5: {  	v3 =	vor.u32 v3, v4  }
0xc6: {  	v4 =	vperm.xlane v3, v0;
	_ =	sdelay $0x1  }
0xc7: {  	v4 =	vadd.s32 v1, v4;
	_ =	sdelay $0x3  }
0xc8: {  	s31 =	simm.s32 $0xD800  }
0xc9: {  	[tilespmem:s31], [sflag:$0x2] =	stream.indirect_vreg.gather [hbm4b:s1+s3], $0x80, v4, vm0, $0xb8;
	[tilespmem:$0x11800] =	vst v63  }
0xca: {  	v3 =	vperm.xlane v3, v2;
	s31 =	simm.s32 $0xE000  }
0xcb: {  	[tilespmem:s31], [sflag:$0x2] =	stream.indirect_vreg.gather [hbm4b:s5+s3], $0x80, v4, vm0, $0xb8;
	[tilespmem:$0x11800] =	vst v63  }
0xcc: {  	v3 =	vadd.s32 v1, v3;
	s31 =	simm.s32 $0xE800  }
0xcd: {  	[tilespmem:s31], [sflag:$0x2] =	stream.indirect_vreg.gather [hbm4b:s6+s3], $0x80, v4, vm0, $0xb8;
	[tilespmem:$0x11800] =	vst v63  }
0xce: {  	s31 =	simm.s32 $0xF000  }
0xcf: {  	[tilespmem:s31], [sflag:$0x2] =	stream.indirect_vreg.gather [hbm4b:s9+s3], $0x80, v4, vm0, $0xb8;
	[tilespmem:$0x11800] =	vst v63  }
0xd0: {  	s31 =	simm.s32 $0xF800  }
0xd1: {  	[tilespmem:s31], [sflag:$0x2] =	stream.indirect_vreg.gather [hbm4b:s1+s3], $0x80, v3, vm0, $0xb8;
	[tilespmem:$0x11800] =	vst v63  }
0xd2: {  	s31 =	simm.s32 $0x10000  }
0xd3: {  	[tilespmem:s31], [sflag:$0x2] =	stream.indirect_vreg.gather [hbm4b:s5+s3], $0x80, v3, vm0, $0xb8;
	[tilespmem:$0x11800] =	vst v63  }
0xd4: {  	s31 =	simm.s32 $0x10800  }
0xd5: {  	[tilespmem:s31], [sflag:$0x2] =	stream.indirect_vreg.gather [hbm4b:s6+s3], $0x80, v3, vm0, $0xb8;
	[tilespmem:$0x11800] =	vst v63  }
0xd6: {  	s31 =	simm.s32 $0x11000  }
0xd7: {  	[tilespmem:s31], [sflag:$0x2] =	stream.indirect_vreg.gather [hbm4b:s9+s3], $0x80, v3, vm0, $0xb8;
	[tilespmem:$0x11800] =	vst v63  }
0xd8: {  	_ =	swait.ge [sflag:s26], $0x8000  }
0xd9: {  	[sflag:s26] =	ssyncset.done $0x0  }
0xda: {  	s31 =	rddreg [dreg:$0x7];
	[sflag:s26] =	ssyncadd.s32 $0xFFFF8000  }
0xdb: {  	[hbm4b:s31+s3] =	stream.linear.scatter [tilespmem:s2], [sflag:$0x3], $0x8000, $0x38;
	[tilespmem:$0x11800] =	vst v63  }
0xdc: {  	_ =	swait.ge [sflag:s28], $0x8000  }
0xdd: {  	[sflag:s28] =	ssyncset.done $0x0  }
0xde: {  	s31 =	rddreg [dreg:$0xf];
	[sflag:s28] =	ssyncadd.s32 $0xFFFF8000  }
0xdf: {  	v3 =	vld [tilespmem:s31+$0x0];
	_ =	sdelay $0x4  }
0xe0: {  	v60 =	vshll.u32 v3, $0x3  }
0xe1: {  	v3 =	vand.u32 $0x7, v3;
	v4 =	vand.u32 $0xFFFFFFC0, v60  }
0xe2: {  	v3 =	vor.u32 v3, v4  }
0xe3: {  	v4 =	vperm.xlane v3, v0;
	_ =	sdelay $0x1  }
0xe4: {  	v4 =	vadd.s32 v1, v4;
	_ =	sdelay $0x4  }
0xe5: {  	[tilespmem:s2], [sflag:$0x1] =	stream.indirect_vreg.gather [hbm4b:s1+s3], $0x80, v4, vm0, $0xb8;
	[tilespmem:$0x11800] =	vst v63  }
0xe6: {  	v3 =	vperm.xlane v3, v2  }
0xe7: {  	[tilespmem:s7], [sflag:$0x1] =	stream.indirect_vreg.gather [hbm4b:s5+s3], $0x80, v4, vm0, $0xb8;
	[tilespmem:$0x11800] =	vst v63  }
0xe8: {  	v3 =	vadd.s32 v1, v3  }
0xe9: {  	[tilespmem:s8], [sflag:$0x1] =	stream.indirect_vreg.gather [hbm4b:s6+s3], $0x80, v4, vm0, $0xb8;
	[tilespmem:$0x11800] =	vst v63  }
0xea: {  	_ = 	snop  }
0xeb: {  	[tilespmem:s10], [sflag:$0x1] =	stream.indirect_vreg.gather [hbm4b:s9+s3], $0x80, v4, vm0, $0xb8;
	[tilespmem:$0x11800] =	vst v63  }
0xec: {  	_ = 	snop  }
0xed: {  	[tilespmem:s11], [sflag:$0x1] =	stream.indirect_vreg.gather [hbm4b:s1+s3], $0x80, v3, vm0, $0xb8;
	[tilespmem:$0x11800] =	vst v63  }
0xee: {  	_ = 	snop  }
0xef: {  	[tilespmem:s14], [sflag:$0x1] =	stream.indirect_vreg.gather [hbm4b:s5+s3], $0x80, v3, vm0, $0xb8;
	[tilespmem:$0x11800] =	vst v63  }
0xf0: {  	_ = 	snop  }
0xf1: {  	[tilespmem:s16], [sflag:$0x1] =	stream.indirect_vreg.gather [hbm4b:s6+s3], $0x80, v3, vm0, $0xb8;
	[tilespmem:$0x11800] =	vst v63  }
0xf2: {  	_ = 	snop  }
0xf3: {  	[tilespmem:s17], [sflag:$0x1] =	stream.indirect_vreg.gather [hbm4b:s9+s3], $0x80, v3, vm0, $0xb8;
	[tilespmem:$0x11800] =	vst v63  }
0xf4: {  	v3 =	vld [tilespmem:s31+$0x10];
	_ =	sdelay $0x4  }
0xf5: {  	v61 =	vshll.u32 v3, $0x3  }
0xf6: {  	v3 =	vand.u32 $0x7, v3;
	v4 =	vand.u32 $0xFFFFFFC0, v61  }
0xf7: {  	v3 =	vor.u32 v3, v4  }
0xf8: {  	v4 =	vperm.xlane v3, v0;
	_ =	sdelay $0x1  }
0xf9: {  	v4 =	vadd.s32 v1, v4;
	_ =	sdelay $0x4  }
0xfa: {  	[tilespmem:s18], [sflag:$0x1] =	stream.indirect_vreg.gather [hbm4b:s1+s3], $0x80, v4, vm0, $0xb8;
	[tilespmem:$0x11800] =	vst v63  }
0xfb: {  	v3 =	vperm.xlane v3, v2  }
0xfc: {  	[tilespmem:s19], [sflag:$0x1] =	stream.indirect_vreg.gather [hbm4b:s5+s3], $0x80, v4, vm0, $0xb8;
	[tilespmem:$0x11800] =	vst v63  }
0xfd: {  	v3 =	vadd.s32 v1, v3  }
0xfe: {  	[tilespmem:s20], [sflag:$0x1] =	stream.indirect_vreg.gather [hbm4b:s6+s3], $0x80, v4, vm0, $0xb8;
	[tilespmem:$0x11800] =	vst v63  }
0xff: {  	_ = 	snop  }
0x100: {  	[tilespmem:s21], [sflag:$0x1] =	stream.indirect_vreg.gather [hbm4b:s9+s3], $0x80, v4, vm0, $0xb8;
	[tilespmem:$0x11800] =	vst v63  }
0x101: {  	_ = 	snop  }
0x102: {  	[tilespmem:s22], [sflag:$0x1] =	stream.indirect_vreg.gather [hbm4b:s1+s3], $0x80, v3, vm0, $0xb8;
	[tilespmem:$0x11800] =	vst v63  }
0x103: {  	_ = 	snop  }
0x104: {  	[tilespmem:s23], [sflag:$0x1] =	stream.indirect_vreg.gather [hbm4b:s5+s3], $0x80, v3, vm0, $0xb8;
	[tilespmem:$0x11800] =	vst v63  }
0x105: {  	_ = 	snop  }
0x106: {  	[tilespmem:s24], [sflag:$0x1] =	stream.indirect_vreg.gather [hbm4b:s6+s3], $0x80, v3, vm0, $0xb8;
	[tilespmem:$0x11800] =	vst v63  }
0x107: {  	_ = 	snop  }
0x108: {  	[tilespmem:s25], [sflag:$0x1] =	stream.indirect_vreg.gather [hbm4b:s9+s3], $0x80, v3, vm0, $0xb8;
	[tilespmem:$0x11800] =	vst v63  }
0x109: {  	_ =	swait.ge [sflag:s29], $0x8000  }
0x10a: {  	[sflag:s29] =	ssyncset.done $0x0  }
0x10b: {  	s7 =	rddreg [dreg:$0x8];
	[sflag:s29] =	ssyncadd.s32 $0xFFFF8000  }
0x10c: {  	[hbm4b:s7+s3] =	stream.linear.scatter [tilespmem:s0], [sflag:$0x4], $0x8000, $0x38;
	[tilespmem:$0x11800] =	vst v63  }
0x10d: {  	_ =	swait.ge [sflag:s30], $0x8000  }
0x10e: {  	[sflag:s30] =	ssyncset.done $0x0  }
0x10f: {  	[sflag:s30] =	ssyncadd.s32 $0xFFFF8000  }
0x110: {  	v3 =	vld [tilespmem:s4+$0xA0];
	_ =	sdelay $0x4  }
0x111: {  	v62 =	vshll.u32 v3, $0x3  }
0x112: {  	v3 =	vand.u32 $0x7, v3;
	v4 =	vand.u32 $0xFFFFFFC0, v62  }
0x113: {  	v3 =	vor.u32 v3, v4  }
0x114: {  	v4 =	vperm.xlane v3, v0;
	_ =	sdelay $0x1  }
0x115: {  	v4 =	vadd.s32 v1, v4;
	_ =	sdelay $0x4  }
0x116: {  	[tilespmem:s0], [sflag:$0x2] =	stream.indirect_vreg.gather [hbm4b:s1+s3], $0x80, v4, vm0, $0xb8;
	[tilespmem:$0x11800] =	vst v63  }
0x117: {  	s31 =	simm.s32 $0xA000;
	v3 =	vperm.xlane v3, v2  }
0x118: {  	[tilespmem:s31], [sflag:$0x2] =	stream.indirect_vreg.gather [hbm4b:s5+s3], $0x80, v4, vm0, $0xb8;
	[tilespmem:$0x11800] =	vst v63  }
0x119: {  	v3 =	vadd.s32 v1, v3;
	s31 =	simm.s32 $0xA800  }
0x11a: {  	[tilespmem:s31], [sflag:$0x2] =	stream.indirect_vreg.gather [hbm4b:s6+s3], $0x80, v4, vm0, $0xb8;
	[tilespmem:$0x11800] =	vst v63  }
0x11b: {  	_ = 	snop  }
0x11c: {  	[tilespmem:s15], [sflag:$0x2] =	stream.indirect_vreg.gather [hbm4b:s9+s3], $0x80, v4, vm0, $0xb8;
	[tilespmem:$0x11800] =	vst v63  }
0x11d: {  	s31 =	simm.s32 $0xB800  }
0x11e: {  	[tilespmem:s31], [sflag:$0x2] =	stream.indirect_vreg.gather [hbm4b:s1+s3], $0x80, v3, vm0, $0xb8;
	[tilespmem:$0x11800] =	vst v63  }
0x11f: {  	s31 =	simm.s32 $0xC000  }
0x120: {  	[tilespmem:s31], [sflag:$0x2] =	stream.indirect_vreg.gather [hbm4b:s5+s3], $0x80, v3, vm0, $0xb8;
	[tilespmem:$0x11800] =	vst v63  }
0x121: {  	s31 =	simm.s32 $0xC800  }
0x122: {  	[tilespmem:s31], [sflag:$0x2] =	stream.indirect_vreg.gather [hbm4b:s6+s3], $0x80, v3, vm0, $0xb8;
	[tilespmem:$0x11800] =	vst v63  }
0x123: {  	s7 =	rddreg [dreg:$0xd]  }
0x124: {  	[tilespmem:s12], [sflag:$0x2] =	stream.indirect_vreg.gather [hbm4b:s9+s3], $0x80, v3, vm0, $0xb8;
	[tilespmem:$0x11800] =	vst v63  }
0x125: {  	v3 =	vld [tilespmem:s7+$0x10];
	_ =	sdelay $0x4  }
0x126: {  	v63 =	vshll.u32 v3, $0x3  }
0x127: {  	v3 =	vand.u32 $0x7, v3;
	v4 =	vand.u32 $0xFFFFFFC0, v63  }
0x128: {  	v3 =	vor.u32 v3, v4  }
0x129: {  	v4 =	vperm.xlane v3, v0;
	_ =	sdelay $0x1  }
0x12a: {  	v4 =	vadd.s32 v1, v4;
	_ =	sdelay $0x3  }
0x12b: {  	s12 =	simm.s32 $0xD800  }
0x12c: {  	[tilespmem:s12], [sflag:$0x2] =	stream.indirect_vreg.gather [hbm4b:s1+s3], $0x80, v4, vm0, $0xb8;
	[tilespmem:$0x11800] =	vst v63  }
0x12d: {  	s31 =	simm.s32 $0xE000;
	v3 =	vperm.xlane v3, v2  }
0x12e: {  	[tilespmem:s31], [sflag:$0x2] =	stream.indirect_vreg.gather [hbm4b:s5+s3], $0x80, v4, vm0, $0xb8;
	[tilespmem:$0x11800] =	vst v63  }
0x12f: {  	v3 =	vadd.s32 v1, v3;
	s12 =	simm.s32 $0xE800  }
0x130: {  	[tilespmem:s12], [sflag:$0x2] =	stream.indirect_vreg.gather [hbm4b:s6+s3], $0x80, v4, vm0, $0xb8;
	[tilespmem:$0x11800] =	vst v63  }
0x131: {  	s31 =	simm.s32 $0xF000  }
0x132: {  	[tilespmem:s31], [sflag:$0x2] =	stream.indirect_vreg.gather [hbm4b:s9+s3], $0x80, v4, vm0, $0xb8;
	[tilespmem:$0x11800] =	vst v63  }
0x133: {  	s12 =	simm.s32 $0xF800  }
0x134: {  	[tilespmem:s12], [sflag:$0x2] =	stream.indirect_vreg.gather [hbm4b:s1+s3], $0x80, v3, vm0, $0xb8;
	[tilespmem:$0x11800] =	vst v63  }
0x135: {  	s31 =	simm.s32 $0x10000  }
0x136: {  	[tilespmem:s31], [sflag:$0x2] =	stream.indirect_vreg.gather [hbm4b:s5+s3], $0x80, v3, vm0, $0xb8;
	[tilespmem:$0x11800] =	vst v63  }
0x137: {  	s12 =	simm.s32 $0x10800  }
0x138: {  	[tilespmem:s12], [sflag:$0x2] =	stream.indirect_vreg.gather [hbm4b:s6+s3], $0x80, v3, vm0, $0xb8;
	[tilespmem:$0x11800] =	vst v63  }
0x139: {  	s31 =	simm.s32 $0x11000  }
0x13a: {  	[tilespmem:s31], [sflag:$0x2] =	stream.indirect_vreg.gather [hbm4b:s9+s3], $0x80, v3, vm0, $0xb8;
	[tilespmem:$0x11800] =	vst v63  }
0x13b: {  	_ =	swait.ge [sflag:s26], $0x8000  }
0x13c: {  	[sflag:s26] =	ssyncset.done $0x0  }
0x13d: {  	s7 =	rddreg [dreg:$0x9];
	[sflag:s26] =	ssyncadd.s32 $0xFFFF8000  }
0x13e: {  	[hbm4b:s7+s3] =	stream.linear.scatter [tilespmem:s2], [sflag:$0x3], $0x8000, $0x38;
	[tilespmem:$0x11800] =	vst v63  }
0x13f: {  	_ =	swait.ge [sflag:s29], $0x8000  }
0x140: {  	[sflag:s29] =	ssyncset.done $0x0  }
0x141: {  	s12 =	rddreg [dreg:$0xa];
	[sflag:s29] =	ssyncadd.s32 $0xFFFF8000  }
0x142: {  	[hbm4b:s12+s3] =	stream.linear.scatter [tilespmem:s0], [sflag:$0x4], $0x8000, $0x38;
	[tilespmem:$0x11800] =	vst v63  }
0x143: {  	p0 =	sne.s32 s13, $0x1;
	_ =	swait.ge [sflag:s30], $0x8000  }
.Ltmp0:
0x144: {  	[sflag:s30] =	ssyncset.done $0x0;
	(pc) =	sbr.rel @p0 .LBB2_1-.Ltmp0, $4  }
0x145: {  	[sflag:s30] =	ssyncadd.s32 $0xFFFF8000  }
0x146: {  	_ =	swait.ge [sflag:s28], $0x8000  }
0x147: {  	[sflag:s28] =	ssyncset.done $0x0  }
0x148: {  	s13 =	sadd.s32 $0xFFFFFFFF, s13;
	[sflag:s28] =	ssyncadd.s32 $0xFFFF8000  }
0x149: {  	_ =	sfence.sel $0x180000  }
0x14a: {  	[bflag:$0x0] =	sbarrier.arrive $0xFFFF  }
0x14b: {  	_ =	strace $0x90000047  }
0x14c: {  	s0 =	stileid.u32;
	[bflag:$0x2] =	sbarrier.arrive $0xFFFF  }
0x14d: {  	p0 =	sne.s32 s0, $0x0;
	s0 =	rddreg [dreg:$0x3]  }
0x14e: {  	s0 =	sadd.s32 @!p0 $0x100000, s0  }
0x14f: {  	[sflag:s0] =	ssyncadd.tile.s32 @!p0 $0x1;
	_ =	shalt  }
.Lfunc_end2:
_tile_overlayer_lowered:
.L_overlay_start_2:
0x150: {  	(tag) =	ssettag $0x2  }
0x151: {  	s0 =	rddreg [dreg:$0x0];
	s2 =	stileid.u32  }
0x152: {  	s1 =	rddreg [dreg:$0x1];
	p0 =	sne.s32 s2, $0x0  }
0x153: {  	s3 =	rddreg [dreg:$0x2];
	[bflag:$0x3] =	sbarrier.arrive $0xFFFF;
	s2 =	simm.s32 @!p0 $0x1C05  }
0x154: {  	[timem:s3], [sflag:s2] =	dma.local @!p0 [hbm:s0], s1  }
0x155: {  	s0 =	simm.s32 @!p0 $0x5  }
0x156: {  	_ =	swait.ge @!p0 [sflag:s0], s1  }
0x157: {  	s1 =	ssub.s32 @!p0 $0x0, s1;
	[sflag:s0] =	ssyncset.done @!p0 $0x0  }
0x158: {  	[sflag:s0] =	ssyncadd.s32 @!p0 s1  }
0x159: {  	[bflag:$0x3] =	sbarrier.arrive $0xFFFF  }
0x15a: {  	_ =	shalt  }

// kernel: kernel.13.cloned.1.call-start
scs
__scs_entry_jumppad:
0x0: {  	(pc) =	sbr.rel $0x88, $3  }
0x1: {  	(tag) =	ssettag $0x0;
	lr =	simm.s32 $0x1  }
0x2: {  	[smem:$0x3F99] =	sst lr;
	_ =	strace $0xD0000000  }
0x3: {  	_ = 	snop  }
0x4: {  	_ = 	snop  }
0x5: {  	_ = 	snop  }
0x6: {  	_ = 	snop  }
0x7: {  	_ = 	snop  }
__scs_overlays_trampoline_lowered:
0x8: {  	[smem:$0x3FA8] =	sst s0  }
0x9: {  	[smem:$0x3FA9] =	sst s1  }
0xa: {  	[smem:$0x3FAA] =	sst s2  }
0xb: {  	[smem:$0x3FAB] =	sst s3  }
0xc: {  	[smem:$0x3FAC] =	sst s4  }
0xd: {  	[smem:$0x3FAD] =	sst s5  }
0xe: {  	[smem:$0x3FAE] =	sst s6  }
0xf: {  	[smem:$0x3FAF] =	sst s7  }
0x10: {  	[smem:$0x3FB0] =	sst s8  }
0x11: {  	[smem:$0x3FB1] =	sst s9;
	s0 =	simm.s32 @!p0 $0x0  }
0x12: {  	s1 =	sld [smem:$0x3F97];
	s0 =	simm.s32 @p0 $0x1  }
0x13: {  	[smem:$0x3FB2] =	sst s0;
	s0 =	simm.s32 @!p1 $0x0  }
0x14: {  	s2 =	sld [smem:$0x3F96];
	s0 =	simm.s32 @p1 $0x1  }
0x15: {  	[smem:$0x3FB3] =	sst s0;
	s0 =	simm.s32 @!p2 $0x0  }
0x16: {  	s3 =	sld [smem:$0x3FDB];
	s0 =	simm.s32 @p2 $0x1  }
0x17: {  	s4 =	simm.s32 $0x1BF5;
	[smem:$0x3FB5] =	sst s0  }
0x18: {  	s0 =	sld [smem:$0x3F98];
	_ =	swait.ge [sflag:s4], $0x0  }
0x19: {  	s7 =	sld [smem:$0x3F99]  }
0x1a: {  	s8 =	sadd.s32 $0xFFFFE003, lr  }
0x1b: {  	s9 =	sadd.s32 $0xFFFFFEF7, lr;
	s5 =	simm.s32 $0xFFFFFFFF;
	p2 =	slt.u32 s8, $0xFFFFF086  }
0x1c: {  	p1 =	slt.u32 s9, $0xF7A;
	s5 =	simm.s32 @!p2 $0x0  }
0x1d: {  	s5 =	simm.s32 @p1 $0x1;
	p0 =	seq.s32 s7, s2  }
0x1e: {  	s7 =	smul.u32 @!p0 $0xF7A, s2;
	p2 =	seq.s32 @!p0 s5, $0x0  }
0x1f: {  	s9 =	smul.u32 $0xF7A, s1;
	s8 =	simm.s32 @!p0 $0x1BF5;
	p2 =	por !p2, p0  }
0x20: {  	[sflag:s8] =	ssyncset.s32 @!p0 $0xFFFFF086;
	s6 =	sadd.s32 @!p0 s3, s7;
	s7 =	simm.s32 @!p0 $0x108  }
0x21: {  	s3 =	sadd.s32 s3, s9;
	s6 =	sadd.s32 @!p0 $0x88, s6;
	s7 =	simm.s32 @p2 $0x1082  }
0x22: {  	[simem:s7], [sflag:s8] =	dma.local @!p0 [hbm:s6], $0xF7A  }
0x23: {  	s9 =	sor.u32 $0xD0000000, s2;
	s6 =	simm.s32 $0x108;
	_ =	swait.ge @!p0 [sflag:s8], $0x0  }
0x24: {  	s3 =	sadd.s32 $0x88, s3;
	s6 =	simm.s32 @!p1 $0x1082;
	[sflag:s4] =	ssyncset.s32 $0xFFFFF086  }
0x25: {  	[simem:s6], [sflag:s4] =	dma.local [hbm:s3], $0xF7A  }
0x26: {  	[smem:$0x3F99] =	sst s1;
	(tag) =	ssettag s2;
	_ =	strace s9  }
0x27: {  	s1 =	sld [smem:$0x3FA9]  }
0x28: {  	s2 =	sld [smem:$0x3FAA]  }
0x29: {  	s4 =	sld [smem:$0x3FAC]  }
0x2a: {  	p0 =	seq.s32 s5, $0x0;
	s5 =	sld [smem:$0x3FAD]  }
0x2b: {  	s6 =	sld [smem:$0x3FAE]  }
0x2c: {  	s7 =	sld [smem:$0x3FAF]  }
0x2d: {  	s3 =	simm.s32 $0x108;
	s8 =	sld [smem:$0x3FB0]  }
0x2e: {  	s3 =	simm.s32 @!p0 $0x1082;
	s9 =	sld [smem:$0x3FB1]  }
0x2f: {  	lr =	sadd.s32 s0, s3;
	s0 =	sld [smem:$0x3FA8]  }
0x30: {  	s3 =	sld [smem:$0x3FAB]  }
0x31: {  	[smem:$0x3FB4] =	sst s10  }
0x32: {  	s10 =	sld [smem:$0x3FB2];
	_ =	sdelay $0x3  }
0x33: {  	p0 =	seq.s32 s10, $0x1;
	s10 =	sld [smem:$0x3FB4];
	_ =	sdelay $0x3  }
0x34: {  	[smem:$0x3FB4] =	sst s10  }
0x35: {  	s10 =	sld [smem:$0x3FB3];
	_ =	sdelay $0x3  }
0x36: {  	p1 =	seq.s32 s10, $0x1;
	s10 =	sld [smem:$0x3FB4];
	_ =	sdelay $0x3  }
0x37: {  	[smem:$0x3FB4] =	sst s10  }
0x38: {  	s10 =	sld [smem:$0x3FB5]  }
0x39: {  	_ = 	snop;
	(pc) =	sbr.ind lr, $3  }
0x3a: {  	_ = 	snop  }
0x3b: {  	_ = 	snop  }
0x3c: {  	p2 =	seq.s32 s10, $0x1;
	s10 =	sld [smem:$0x3FB4]  }
0x3d: {  	_ =	shalt  }
0x3e: {  	_ =	shalt  }
0x3f: {  	_ =	shalt  }
0x40: {  	_ =	shalt  }
0x41: {  	_ =	shalt  }
0x42: {  	_ =	shalt  }
0x43: {  	_ =	shalt  }
0x44: {  	_ =	shalt  }
0x45: {  	_ =	shalt  }
0x46: {  	_ =	shalt  }
0x47: {  	_ =	shalt  }
0x48: {  	_ =	shalt  }
0x49: {  	_ =	shalt  }
0x4a: {  	_ =	shalt  }
0x4b: {  	_ =	shalt  }
0x4c: {  	_ =	shalt  }
0x4d: {  	_ =	shalt  }
0x4e: {  	_ =	shalt  }
0x4f: {  	_ =	shalt  }
0x50: {  	_ =	shalt  }
0x51: {  	_ =	shalt  }
0x52: {  	_ =	shalt  }
0x53: {  	_ =	shalt  }
0x54: {  	_ =	shalt  }
0x55: {  	_ =	shalt  }
0x56: {  	_ =	shalt  }
0x57: {  	_ =	shalt  }
0x58: {  	_ =	shalt  }
0x59: {  	_ =	shalt  }
0x5a: {  	_ =	shalt  }
0x5b: {  	_ =	shalt  }
0x5c: {  	_ =	shalt  }
0x5d: {  	_ =	shalt  }
0x5e: {  	_ =	shalt  }
0x5f: {  	_ =	shalt  }
0x60: {  	_ =	shalt  }
0x61: {  	_ =	shalt  }
0x62: {  	_ =	shalt  }
0x63: {  	_ =	shalt  }
0x64: {  	_ =	shalt  }
0x65: {  	_ =	shalt  }
0x66: {  	_ =	shalt  }
0x67: {  	_ =	shalt  }
0x68: {  	_ =	shalt  }
0x69: {  	_ =	shalt  }
0x6a: {  	_ =	shalt  }
0x6b: {  	_ =	shalt  }
0x6c: {  	_ =	shalt  }
0x6d: {  	_ =	shalt  }
0x6e: {  	_ =	shalt  }
0x6f: {  	_ =	shalt  }
0x70: {  	_ =	shalt  }
0x71: {  	_ =	shalt  }
0x72: {  	_ =	shalt  }
0x73: {  	_ =	shalt  }
0x74: {  	_ =	shalt  }
0x75: {  	_ =	shalt  }
0x76: {  	_ =	shalt  }
0x77: {  	_ =	shalt  }
0x78: {  	_ =	shalt  }
0x79: {  	_ =	shalt  }
0x7a: {  	_ =	shalt  }
0x7b: {  	_ =	shalt  }
0x7c: {  	_ =	shalt  }
0x7d: {  	_ =	shalt  }
0x7e: {  	_ =	shalt  }
0x7f: {  	_ =	shalt  }
0x80: {  	_ =	shalt  }
0x81: {  	_ =	shalt  }
0x82: {  	_ =	shalt  }
0x83: {  	_ =	shalt  }
0x84: {  	_ =	shalt  }
0x85: {  	_ =	shalt  }
0x86: {  	_ =	shalt  }
0x87: {  	_ =	shalt  }
.Lfunc_end0:
.L_simem_size_0:
called_computation.1_lowered:
.L_overlay_start_0:
0x88: {  	s2 =	sld [smem:$0x3FD9]  }
0x89: {  	s3 =	sld [smem:$0x3FFE];
	_ =	sdelay $0x1  }
0x8a: {  	s1 =	srdreg.scid  }
0x8b: {  	s0 =	sand.u32 $0x1, s1  }
0x8c: {  	s16 =	sshll.u32 s0, $0xA;
	s2 =	sadd.s32 s3, s2  }
0x8d: {  	s2 =	sadd.s32 s2, s16  }
0x8e: {  	[smem:$0x3FC0] =	sst s2  }
0x8f: {  	_ = 	snop  }
0x90: {  	(tm) =	ssettm $0x1  }
0x91: {  	s17 =	sld [smem:$0x3FFB];
	_ =	sdelay $0x3  }
0x92: {  	_ =	strace s17  }
0x93: {  	s2 =	sld [smem:$0x3FFC];
	_ =	sdelay $0x3  }
0x94: {  	_ =	strace s2  }
0x95: {  	s2 =	sld [smem:$0x3FFD];
	_ =	sdelay $0x3  }
0x96: {  	_ =	strace s2  }
0x97: {  	_ =	strace $0x8FFFFFFF  }
0x98: {  	s18 =	sld [smem:$0x3FDB];
	_ =	sdelay $0x1  }
0x99: {  	s19 =	simm.s32 $_scs_section_size  }
0x9a: {  	s4 =	simm.s32 $_size__tile_overlayer_lowered;
	s5 =	simm.s32 $_tile_overlayer_lowered  }
0x9b: {  	s22 =	simm.s32 $0x1BFF;
	s21 =	sshll.u32 s5, $0x1;
	s2 =	sadd.s32 s19, s18  }
0x9c: {  	s6 =	simm.s32 $0x0;
	s20 =	sshll.u32 s4, $0x1;
	s4 =	sadd.s32 s21, s2  }
0x9d: {  	[timem:s6], [sflag:s22] =	dma.local [hbm:s4], s20  }
0x9e: {  	_ =	swait.ge [sflag:s22], s20  }
0x9f: {  	s3 =	ssub.s32 $0x0, s20;
	[sflag:s22] =	ssyncset.done $0x0  }
0xa0: {  	[sflag:s22] =	ssyncadd.s32 s3;
	_ =	sdelay $0x1  }
0xa1: {  	s23 =	simm.s32 $0x1B8B  }
0xa2: {  	_ =	swait.ge [sflag:s23], $0x1  }
0xa3: {  	[sflag:s23] =	ssyncset.done $0x0  }
0xa4: {  	s25 =	simm.s32 $0x1B8E;
	s24 =	sld [smem:$0x3FFE];
	[sflag:s23] =	ssyncadd.s32 $0xFFFFFFFF  }
0xa5: {  	s26 =	simm.s32 $execute0_lowered;
	[smem:$0x3FD2] =	sst s25  }
0xa6: {  	s4 =	sshll.u32 s26, $0x1;
	_ =	strace $0x80000049;
	[dreg:$0x1] =	wrdreg $0xFFFFFFFF  }
0xa7: {  	s28 =	simm.s32 $_size_execute0_lowered;
	s2 =	sadd.s32 s2, s4;
	[dreg:$0x0] =	wrdreg $0x0  }
0xa8: {  	s4 =	sshll.u32 s28, $0x1;
	[dreg:$0x2] =	wrdreg s2  }
0xa9: {  	[dreg:$0x3] =	wrdreg s4  }
0xaa: {  	[dreg:$0x4] =	wrdreg $0xC0  }
0xab: {  	_ =	task [dreg:s6], $0x5FFFF  }
0xac: {  	[dreg:$0x1] =	wrdreg $0xFFFFFFFF  }
0xad: {  	[dreg:$0x0] =	wrdreg $0x60  }
0xae: {  	[dreg:$0x2] =	wrdreg s24  }
0xaf: {  	[dreg:$0x3] =	wrdreg $0x9  }
0xb0: {  	_ =	task.clear_ibuf [dreg:s6], $0x4FFFF;
	_ =	strace $0x90000049  }
0xb1: {  	s29 =	simm.s32 $0x9;
	_ =	strace $0x8000004B  }
0xb2: {  	_ =	swait.ge [sflag:s29], $0x1  }
0xb3: {  	[sflag:s29] =	ssyncadd.s32 $0xFFFFFFFF  }
0xb4: {  	_ =	strace $0x9000004B  }
0xb5: {  	_ =	sfence  }
0xb6: {  	s30 =	sld [smem:$0x0];
	_ =	sdelay $0x2  }
0xb7: {  	s31 =	sshll.u32 s1, $0xD;
	s1 =	sshrl.u32 s1, $0x2  }
0xb8: {  	s3 =	sand.u32 $0x4000, s31;
	s1 =	sadd.s32 s1, s30  }
0xb9: {  	s0 =	sor.u32 s3, s0;
	s1 =	sshll.u32 s1, $0x11  }
0xba: {  	s0 =	sor.u32 s1, s0  }
0xbb: {  	s0 =	sadd.s32 $0x8F2B, s0  }
0xbc: {  	[sflag:s0] =	ssyncadd.remote.s32 $0x1  }
0xbd: {  	_ =	sfence.sel $0xFFFF  }
0xbe: {  	[dreg:$0x0] =	wrdreg $0xFFFFFFFF;
	(pc) =	sbr.abs _section_cstart, $3  }
0xbf: {  	[dreg:$0x1] =	wrdreg $0xFFFFFFFF  }
0xc0: {  	_ =	task.clear_ibuf [dreg:s6], $0x2FFFF;
	_ =	strace $0x9FFFFFFF  }
0xc1: {  	(tm) =	ssettm $0x7FFFFFFF  }
tec
execute0_lowered:
.L_overlay_start_1:
0x0: {  	(tag) =	ssettag $0x1  }
0x1: {  	s0 =	srdreg.scid  }
0x2: {  	s2 =	stileid.u32;
	s12 =	rddreg [dreg:$0x0];
	s3 =	simm.s32 $0x0  }
0x3: {  	s14 =	simm.s32 $0x9000;
	s29 =	simm.s32 $0x1;
	s0 =	sand.u32 $0x1, s0  }
0x4: {  	s30 =	simm.s32 $0x3;
	s2 =	sshll.u32 s2, $0x7;
	s1 =	sshll.u32 s0, $0xB  }
0x5: {  	s31 =	simm.s32 $0x2;
	[smem:$0x7FF] =	sst s3;
	s4 =	sor.u32 s2, s1  }
0x6: {  	s5 =	sadd.s32 $0xC0200, s12;
	s6 =	sadd.s32 $0xC0300, s12;
	s1 =	sshll.u32 s4, $0x8  }
0x7: {  	s7 =	sadd.s32 $0xC0400, s12;
	s8 =	sadd.s32 $0xC0500, s12;
	s1 =	sadd.s32 s1, s12  }
0x8: {  	s9 =	sadd.s32 $0xC0600, s12;
	s10 =	sadd.s32 $0xC0700, s12;
	s21 =	sadd.s32 $0x240200, s1  }
0x9: {  	_ =	strace $0x8000004A;
	s22 =	sadd.s32 $0x241200, s1;
	[dreg:$0x2] =	wrdreg s21  }
0xa: {  	s11 =	sadd.s32 $0xC0800, s12;
	s23 =	sadd.s32 $0x242200, s1;
	[dreg:$0x3] =	wrdreg s22  }
0xb: {  	s0 =	ssub.s32 $0x2, s0;
	s24 =	sadd.s32 $0x243200, s1;
	[dreg:$0x4] =	wrdreg s23  }
0xc: {  	s20 =	sshrl.u32 s0, $0x1;
	s25 =	sadd.s32 $0x244200, s1;
	[dreg:$0x5] =	wrdreg s24  }
0xd: {  	s0 =	ssub.s32 s0, s20;
	s26 =	sadd.s32 $0x245200, s1;
	[dreg:$0x6] =	wrdreg s25  }
0xe: {  	v2 =	vlaneseq.u32;
	s12 =	sadd.s32 $0xC0900, s12;
	s28 =	sadd.s32 $0x246200, s1;
	[dreg:$0x7] =	wrdreg s26  }
0xf: {  	vm0 =	vmmov $0xffff;
	v1 =	vshrl.u32 v2, $0x3;
	s13 =	smax.u32 s0, $0x1;
	s1 =	sadd.s32 $0x247200, s1;
	[dreg:$0x8] =	wrdreg s28  }
0x10: {  	v0 =	vand.u32 $0x7, v2;
	v2 =	vor.u32 $0x8, v2;
	v1 =	vmul.u32 $0x8, v1;
	s0 =	simm.s32 $0x4;
	[dreg:$0x9] =	wrdreg s1;
	s1 =	simm.s32 $0x1000  }
.LBB2_1:
0x11: {  	s2 =	rddreg [dreg:$0x0];
	s24 =	simm.s32 $0x5  }
0x12: {  	[tilespmem:s3], [sflag:$0x5] =	stream.linear.gather [hbm4b:s2+s3], $0x1000, $0x38;
	[tilespmem:$0x11000] =	vst v63  }
0x13: {  	_ =	swait.ge [sflag:s24], $0x1000  }
0x14: {  	[sflag:s24] =	ssyncset.done $0x0  }
0x15: {  	[sflag:s24] =	ssyncadd.s32 $0xFFFFF000  }
0x16: {  	v3 =	vld [tilespmem:s4+$0x0];
	_ =	sdelay $0x4  }
0x17: {  	v4 =	vshll.u32 v3, $0x4  }
0x18: {  	v3 =	vand.u32 $0x7, v3;
	v4 =	vand.u32 $0xFFFFFF80, v4  }
0x19: {  	v3 =	vor.u32 v3, v4  }
0x1a: {  	v4 =	vperm.xlane v3, v0;
	_ =	sdelay $0x1  }
0x1b: {  	v4 =	vadd.s32 v1, v4;
	_ =	sdelay $0x4  }
0x1c: {  	[tilespmem:s1], [sflag:$0x1] =	stream.indirect_vreg.gather [hbm4b:s5+s3], $0x80, v4, vm0, $0xb8;
	[tilespmem:$0x11000] =	vst v63  }
0x1d: {  	s25 =	simm.s32 $0x1800  }
0x1e: {  	[tilespmem:s25], [sflag:$0x1] =	stream.indirect_vreg.gather [hbm4b:s6+s3], $0x80, v4, vm0, $0xb8;
	[tilespmem:$0x11000] =	vst v63  }
0x1f: {  	s26 =	simm.s32 $0x2000  }
0x20: {  	[tilespmem:s26], [sflag:$0x1] =	stream.indirect_vreg.gather [hbm4b:s7+s3], $0x80, v4, vm0, $0xb8;
	[tilespmem:$0x11000] =	vst v63  }
0x21: {  	s28 =	simm.s32 $0x2800  }
0x22: {  	[tilespmem:s28], [sflag:$0x1] =	stream.indirect_vreg.gather [hbm4b:s8+s3], $0x80, v4, vm0, $0xb8;
	[tilespmem:$0x11000] =	vst v63  }
0x23: {  	s15 =	simm.s32 $0x3000  }
0x24: {  	[tilespmem:s15], [sflag:$0x1] =	stream.indirect_vreg.gather [hbm4b:s9+s3], $0x80, v4, vm0, $0xb8;
	[tilespmem:$0x11000] =	vst v63  }
0x25: {  	s18 =	simm.s32 $0x3800;
	v3 =	vperm.xlane v3, v2  }
0x26: {  	[tilespmem:s18], [sflag:$0x1] =	stream.indirect_vreg.gather [hbm4b:s10+s3], $0x80, v4, vm0, $0xb8;
	[tilespmem:$0x11000] =	vst v63  }
0x27: {  	s20 =	simm.s32 $0x4000;
	v3 =	vadd.s32 v1, v3  }
0x28: {  	[tilespmem:s20], [sflag:$0x1] =	stream.indirect_vreg.gather [hbm4b:s11+s3], $0x80, v4, vm0, $0xb8;
	[tilespmem:$0x11000] =	vst v63  }
0x29: {  	s21 =	simm.s32 $0x4800  }
0x2a: {  	[tilespmem:s21], [sflag:$0x1] =	stream.indirect_vreg.gather [hbm4b:s12+s3], $0x80, v4, vm0, $0xb8;
	[tilespmem:$0x11000] =	vst v63  }
0x2b: {  	s22 =	simm.s32 $0x5000  }
0x2c: {  	[tilespmem:s22], [sflag:$0x1] =	stream.indirect_vreg.gather [hbm4b:s5+s3], $0x80, v3, vm0, $0xb8;
	[tilespmem:$0x11000] =	vst v63  }
0x2d: {  	s23 =	simm.s32 $0x5800  }
0x2e: {  	[tilespmem:s23], [sflag:$0x1] =	stream.indirect_vreg.gather [hbm4b:s6+s3], $0x80, v3, vm0, $0xb8;
	[tilespmem:$0x11000] =	vst v63  }
0x2f: {  	s24 =	simm.s32 $0x6000  }
0x30: {  	[tilespmem:s24], [sflag:$0x1] =	stream.indirect_vreg.gather [hbm4b:s7+s3], $0x80, v3, vm0, $0xb8;
	[tilespmem:$0x11000] =	vst v63  }
0x31: {  	s25 =	simm.s32 $0x6800  }
0x32: {  	[tilespmem:s25], [sflag:$0x1] =	stream.indirect_vreg.gather [hbm4b:s8+s3], $0x80, v3, vm0, $0xb8;
	[tilespmem:$0x11000] =	vst v63  }
0x33: {  	s26 =	simm.s32 $0x7000  }
0x34: {  	[tilespmem:s26], [sflag:$0x1] =	stream.indirect_vreg.gather [hbm4b:s9+s3], $0x80, v3, vm0, $0xb8;
	[tilespmem:$0x11000] =	vst v63  }
0x35: {  	s28 =	simm.s32 $0x7800  }
0x36: {  	[tilespmem:s28], [sflag:$0x1] =	stream.indirect_vreg.gather [hbm4b:s10+s3], $0x80, v3, vm0, $0xb8;
	[tilespmem:$0x11000] =	vst v63  }
0x37: {  	s18 =	simm.s32 $0x8000  }
0x38: {  	[tilespmem:s18], [sflag:$0x1] =	stream.indirect_vreg.gather [hbm4b:s11+s3], $0x80, v3, vm0, $0xb8;
	[tilespmem:$0x11000] =	vst v63  }
0x39: {  	s18 =	simm.s32 $0x8800  }
0x3a: {  	[tilespmem:s18], [sflag:$0x1] =	stream.indirect_vreg.gather [hbm4b:s12+s3], $0x80, v3, vm0, $0xb8;
	[tilespmem:$0x11000] =	vst v63  }
0x3b: {  	v3 =	vld [tilespmem:s4+$0x10];
	_ =	sdelay $0x4  }
0x3c: {  	v57 =	vshll.u32 v3, $0x4  }
0x3d: {  	v3 =	vand.u32 $0x7, v3;
	v4 =	vand.u32 $0xFFFFFF80, v57  }
0x3e: {  	v3 =	vor.u32 v3, v4  }
0x3f: {  	v4 =	vperm.xlane v3, v0;
	_ =	sdelay $0x1  }
0x40: {  	v4 =	vadd.s32 v1, v4;
	_ =	sdelay $0x4  }
0x41: {  	[tilespmem:s14], [sflag:$0x2] =	stream.indirect_vreg.gather [hbm4b:s5+s3], $0x80, v4, vm0, $0xb8;
	[tilespmem:$0x11000] =	vst v63  }
0x42: {  	s2 =	simm.s32 $0x9800  }
0x43: {  	[tilespmem:s2], [sflag:$0x2] =	stream.indirect_vreg.gather [hbm4b:s6+s3], $0x80, v4, vm0, $0xb8;
	[tilespmem:$0x11000] =	vst v63  }
0x44: {  	s2 =	simm.s32 $0xA000  }
0x45: {  	[tilespmem:s2], [sflag:$0x2] =	stream.indirect_vreg.gather [hbm4b:s7+s3], $0x80, v4, vm0, $0xb8;
	[tilespmem:$0x11000] =	vst v63  }
0x46: {  	s2 =	simm.s32 $0xA800  }
0x47: {  	[tilespmem:s2], [sflag:$0x2] =	stream.indirect_vreg.gather [hbm4b:s8+s3], $0x80, v4, vm0, $0xb8;
	[tilespmem:$0x11000] =	vst v63  }
0x48: {  	s2 =	simm.s32 $0xB000  }
0x49: {  	[tilespmem:s2], [sflag:$0x2] =	stream.indirect_vreg.gather [hbm4b:s9+s3], $0x80, v4, vm0, $0xb8;
	[tilespmem:$0x11000] =	vst v63  }
0x4a: {  	v3 =	vperm.xlane v3, v2;
	s2 =	simm.s32 $0xB800  }
0x4b: {  	[tilespmem:s2], [sflag:$0x2] =	stream.indirect_vreg.gather [hbm4b:s10+s3], $0x80, v4, vm0, $0xb8;
	[tilespmem:$0x11000] =	vst v63  }
0x4c: {  	v3 =	vadd.s32 v1, v3;
	s2 =	simm.s32 $0xC000  }
0x4d: {  	[tilespmem:s2], [sflag:$0x2] =	stream.indirect_vreg.gather [hbm4b:s11+s3], $0x80, v4, vm0, $0xb8;
	[tilespmem:$0x11000] =	vst v63  }
0x4e: {  	s2 =	simm.s32 $0xC800  }
0x4f: {  	[tilespmem:s2], [sflag:$0x2] =	stream.indirect_vreg.gather [hbm4b:s12+s3], $0x80, v4, vm0, $0xb8;
	[tilespmem:$0x11000] =	vst v63  }
0x50: {  	s2 =	simm.s32 $0xD000  }
0x51: {  	[tilespmem:s2], [sflag:$0x2] =	stream.indirect_vreg.gather [hbm4b:s5+s3], $0x80, v3, vm0, $0xb8;
	[tilespmem:$0x11000] =	vst v63  }
0x52: {  	s2 =	simm.s32 $0xD800  }
0x53: {  	[tilespmem:s2], [sflag:$0x2] =	stream.indirect_vreg.gather [hbm4b:s6+s3], $0x80, v3, vm0, $0xb8;
	[tilespmem:$0x11000] =	vst v63  }
0x54: {  	s2 =	simm.s32 $0xE000  }
0x55: {  	[tilespmem:s2], [sflag:$0x2] =	stream.indirect_vreg.gather [hbm4b:s7+s3], $0x80, v3, vm0, $0xb8;
	[tilespmem:$0x11000] =	vst v63  }
0x56: {  	s2 =	simm.s32 $0xE800  }
0x57: {  	[tilespmem:s2], [sflag:$0x2] =	stream.indirect_vreg.gather [hbm4b:s8+s3], $0x80, v3, vm0, $0xb8;
	[tilespmem:$0x11000] =	vst v63  }
0x58: {  	s2 =	simm.s32 $0xF000  }
0x59: {  	[tilespmem:s2], [sflag:$0x2] =	stream.indirect_vreg.gather [hbm4b:s9+s3], $0x80, v3, vm0, $0xb8;
	[tilespmem:$0x11000] =	vst v63  }
0x5a: {  	s2 =	simm.s32 $0xF800  }
0x5b: {  	[tilespmem:s2], [sflag:$0x2] =	stream.indirect_vreg.gather [hbm4b:s10+s3], $0x80, v3, vm0, $0xb8;
	[tilespmem:$0x11000] =	vst v63  }
0x5c: {  	s2 =	simm.s32 $0x10000  }
0x5d: {  	[tilespmem:s2], [sflag:$0x2] =	stream.indirect_vreg.gather [hbm4b:s11+s3], $0x80, v3, vm0, $0xb8;
	[tilespmem:$0x11000] =	vst v63  }
0x5e: {  	s2 =	simm.s32 $0x10800  }
0x5f: {  	[tilespmem:s2], [sflag:$0x2] =	stream.indirect_vreg.gather [hbm4b:s12+s3], $0x80, v3, vm0, $0xb8;
	[tilespmem:$0x11000] =	vst v63  }
0x60: {  	_ =	swait.ge [sflag:s29], $0x8000  }
0x61: {  	[sflag:s29] =	ssyncset.done $0x0  }
0x62: {  	s2 =	rddreg [dreg:$0x2];
	[sflag:s29] =	ssyncadd.s32 $0xFFFF8000  }
0x63: {  	[hbm4b:s2+s3] =	stream.linear.scatter [tilespmem:s1], [sflag:$0x3], $0x8000, $0x38;
	[tilespmem:$0x11000] =	vst v63  }
0x64: {  	_ =	swait.ge [sflag:s30], $0x8000  }
0x65: {  	[sflag:s30] =	ssyncset.done $0x0  }
0x66: {  	[sflag:s30] =	ssyncadd.s32 $0xFFFF8000  }
0x67: {  	v3 =	vld [tilespmem:s4+$0x20];
	_ =	sdelay $0x4  }
0x68: {  	v58 =	vshll.u32 v3, $0x4  }
0x69: {  	v3 =	vand.u32 $0x7, v3;
	v4 =	vand.u32 $0xFFFFFF80, v58  }
0x6a: {  	v3 =	vor.u32 v3, v4  }
0x6b: {  	v4 =	vperm.xlane v3, v0;
	_ =	sdelay $0x1  }
0x6c: {  	v4 =	vadd.s32 v1, v4;
	_ =	sdelay $0x4  }
0x6d: {  	[tilespmem:s1], [sflag:$0x1] =	stream.indirect_vreg.gather [hbm4b:s5+s3], $0x80, v4, vm0, $0xb8;
	[tilespmem:$0x11000] =	vst v63  }
0x6e: {  	s2 =	simm.s32 $0x1800  }
0x6f: {  	[tilespmem:s2], [sflag:$0x1] =	stream.indirect_vreg.gather [hbm4b:s6+s3], $0x80, v4, vm0, $0xb8;
	[tilespmem:$0x11000] =	vst v63  }
0x70: {  	s16 =	simm.s32 $0x2000  }
0x71: {  	[tilespmem:s16], [sflag:$0x1] =	stream.indirect_vreg.gather [hbm4b:s7+s3], $0x80, v4, vm0, $0xb8;
	[tilespmem:$0x11000] =	vst v63  }
0x72: {  	s17 =	simm.s32 $0x2800  }
0x73: {  	[tilespmem:s17], [sflag:$0x1] =	stream.indirect_vreg.gather [hbm4b:s8+s3], $0x80, v4, vm0, $0xb8;
	[tilespmem:$0x11000] =	vst v63  }
0x74: {  	s19 =	simm.s32 $0x3000  }
0x75: {  	[tilespmem:s19], [sflag:$0x1] =	stream.indirect_vreg.gather [hbm4b:s9+s3], $0x80, v4, vm0, $0xb8;
	[tilespmem:$0x11000] =	vst v63  }
0x76: {  	s15 =	simm.s32 $0x3800;
	v3 =	vperm.xlane v3, v2  }
0x77: {  	[tilespmem:s15], [sflag:$0x1] =	stream.indirect_vreg.gather [hbm4b:s10+s3], $0x80, v4, vm0, $0xb8;
	[tilespmem:$0x11000] =	vst v63  }
0x78: {  	s20 =	simm.s32 $0x4000;
	v3 =	vadd.s32 v1, v3  }
0x79: {  	[tilespmem:s20], [sflag:$0x1] =	stream.indirect_vreg.gather [hbm4b:s11+s3], $0x80, v4, vm0, $0xb8;
	[tilespmem:$0x11000] =	vst v63  }
0x7a: {  	s21 =	simm.s32 $0x4800  }
0x7b: {  	[tilespmem:s21], [sflag:$0x1] =	stream.indirect_vreg.gather [hbm4b:s12+s3], $0x80, v4, vm0, $0xb8;
	[tilespmem:$0x11000] =	vst v63  }
0x7c: {  	s22 =	simm.s32 $0x5000  }
0x7d: {  	[tilespmem:s22], [sflag:$0x1] =	stream.indirect_vreg.gather [hbm4b:s5+s3], $0x80, v3, vm0, $0xb8;
	[tilespmem:$0x11000] =	vst v63  }
0x7e: {  	s23 =	simm.s32 $0x5800  }
0x7f: {  	[tilespmem:s23], [sflag:$0x1] =	stream.indirect_vreg.gather [hbm4b:s6+s3], $0x80, v3, vm0, $0xb8;
	[tilespmem:$0x11000] =	vst v63  }
0x80: {  	s24 =	simm.s32 $0x6000  }
0x81: {  	[tilespmem:s24], [sflag:$0x1] =	stream.indirect_vreg.gather [hbm4b:s7+s3], $0x80, v3, vm0, $0xb8;
	[tilespmem:$0x11000] =	vst v63  }
0x82: {  	s25 =	simm.s32 $0x6800  }
0x83: {  	[tilespmem:s25], [sflag:$0x1] =	stream.indirect_vreg.gather [hbm4b:s8+s3], $0x80, v3, vm0, $0xb8;
	[tilespmem:$0x11000] =	vst v63  }
0x84: {  	s26 =	simm.s32 $0x7000  }
0x85: {  	[tilespmem:s26], [sflag:$0x1] =	stream.indirect_vreg.gather [hbm4b:s9+s3], $0x80, v3, vm0, $0xb8;
	[tilespmem:$0x11000] =	vst v63  }
0x86: {  	s28 =	simm.s32 $0x7800  }
0x87: {  	[tilespmem:s28], [sflag:$0x1] =	stream.indirect_vreg.gather [hbm4b:s10+s3], $0x80, v3, vm0, $0xb8;
	[tilespmem:$0x11000] =	vst v63  }
0x88: {  	s21 =	simm.s32 $0x8000  }
0x89: {  	[tilespmem:s21], [sflag:$0x1] =	stream.indirect_vreg.gather [hbm4b:s11+s3], $0x80, v3, vm0, $0xb8;
	[tilespmem:$0x11000] =	vst v63  }
0x8a: {  	s18 =	simm.s32 $0x8800  }
0x8b: {  	[tilespmem:s18], [sflag:$0x1] =	stream.indirect_vreg.gather [hbm4b:s12+s3], $0x80, v3, vm0, $0xb8;
	[tilespmem:$0x11000] =	vst v63  }
0x8c: {  	_ =	swait.ge [sflag:s31], $0x8000  }
0x8d: {  	[sflag:s31] =	ssyncset.done $0x0  }
0x8e: {  	s22 =	rddreg [dreg:$0x3];
	[sflag:s31] =	ssyncadd.s32 $0xFFFF8000  }
0x8f: {  	[hbm4b:s22+s3] =	stream.linear.scatter [tilespmem:s14], [sflag:$0x4], $0x8000, $0x38;
	[tilespmem:$0x11000] =	vst v63  }
0x90: {  	_ =	swait.ge [sflag:s0], $0x8000  }
0x91: {  	[sflag:s0] =	ssyncset.done $0x0  }
0x92: {  	[sflag:s0] =	ssyncadd.s32 $0xFFFF8000  }
0x93: {  	v3 =	vld [tilespmem:s4+$0x30];
	_ =	sdelay $0x4  }
0x94: {  	v59 =	vshll.u32 v3, $0x4  }
0x95: {  	v3 =	vand.u32 $0x7, v3;
	v4 =	vand.u32 $0xFFFFFF80, v59  }
0x96: {  	v3 =	vor.u32 v3, v4  }
0x97: {  	v4 =	vperm.xlane v3, v0;
	_ =	sdelay $0x1  }
0x98: {  	v4 =	vadd.s32 v1, v4;
	_ =	sdelay $0x4  }
0x99: {  	[tilespmem:s14], [sflag:$0x2] =	stream.indirect_vreg.gather [hbm4b:s5+s3], $0x80, v4, vm0, $0xb8;
	[tilespmem:$0x11000] =	vst v63  }
0x9a: {  	s23 =	simm.s32 $0x9800  }
0x9b: {  	[tilespmem:s23], [sflag:$0x2] =	stream.indirect_vreg.gather [hbm4b:s6+s3], $0x80, v4, vm0, $0xb8;
	[tilespmem:$0x11000] =	vst v63  }
0x9c: {  	s24 =	simm.s32 $0xA000  }
0x9d: {  	[tilespmem:s24], [sflag:$0x2] =	stream.indirect_vreg.gather [hbm4b:s7+s3], $0x80, v4, vm0, $0xb8;
	[tilespmem:$0x11000] =	vst v63  }
0x9e: {  	s25 =	simm.s32 $0xA800  }
0x9f: {  	[tilespmem:s25], [sflag:$0x2] =	stream.indirect_vreg.gather [hbm4b:s8+s3], $0x80, v4, vm0, $0xb8;
	[tilespmem:$0x11000] =	vst v63  }
0xa0: {  	s26 =	simm.s32 $0xB000  }
0xa1: {  	[tilespmem:s26], [sflag:$0x2] =	stream.indirect_vreg.gather [hbm4b:s9+s3], $0x80, v4, vm0, $0xb8;
	[tilespmem:$0x11000] =	vst v63  }
0xa2: {  	s28 =	simm.s32 $0xB800;
	v3 =	vperm.xlane v3, v2  }
0xa3: {  	[tilespmem:s28], [sflag:$0x2] =	stream.indirect_vreg.gather [hbm4b:s10+s3], $0x80, v4, vm0, $0xb8;
	[tilespmem:$0x11000] =	vst v63  }
0xa4: {  	s17 =	simm.s32 $0xC000;
	v3 =	vadd.s32 v1, v3  }
0xa5: {  	[tilespmem:s17], [sflag:$0x2] =	stream.indirect_vreg.gather [hbm4b:s11+s3], $0x80, v4, vm0, $0xb8;
	[tilespmem:$0x11000] =	vst v63  }
0xa6: {  	s18 =	simm.s32 $0xC800  }
0xa7: {  	[tilespmem:s18], [sflag:$0x2] =	stream.indirect_vreg.gather [hbm4b:s12+s3], $0x80, v4, vm0, $0xb8;
	[tilespmem:$0x11000] =	vst v63  }
0xa8: {  	s19 =	simm.s32 $0xD000  }
0xa9: {  	[tilespmem:s19], [sflag:$0x2] =	stream.indirect_vreg.gather [hbm4b:s5+s3], $0x80, v3, vm0, $0xb8;
	[tilespmem:$0x11000] =	vst v63  }
0xaa: {  	s20 =	simm.s32 $0xD800  }
0xab: {  	[tilespmem:s20], [sflag:$0x2] =	stream.indirect_vreg.gather [hbm4b:s6+s3], $0x80, v3, vm0, $0xb8;
	[tilespmem:$0x11000] =	vst v63  }
0xac: {  	s21 =	simm.s32 $0xE000  }
0xad: {  	[tilespmem:s21], [sflag:$0x2] =	stream.indirect_vreg.gather [hbm4b:s7+s3], $0x80, v3, vm0, $0xb8;
	[tilespmem:$0x11000] =	vst v63  }
0xae: {  	s22 =	simm.s32 $0xE800  }
0xaf: {  	[tilespmem:s22], [sflag:$0x2] =	stream.indirect_vreg.gather [hbm4b:s8+s3], $0x80, v3, vm0, $0xb8;
	[tilespmem:$0x11000] =	vst v63  }
0xb0: {  	s23 =	simm.s32 $0xF000  }
0xb1: {  	[tilespmem:s23], [sflag:$0x2] =	stream.indirect_vreg.gather [hbm4b:s9+s3], $0x80, v3, vm0, $0xb8;
	[tilespmem:$0x11000] =	vst v63  }
0xb2: {  	s24 =	simm.s32 $0xF800  }
0xb3: {  	[tilespmem:s24], [sflag:$0x2] =	stream.indirect_vreg.gather [hbm4b:s10+s3], $0x80, v3, vm0, $0xb8;
	[tilespmem:$0x11000] =	vst v63  }
0xb4: {  	s25 =	simm.s32 $0x10000  }
0xb5: {  	[tilespmem:s25], [sflag:$0x2] =	stream.indirect_vreg.gather [hbm4b:s11+s3], $0x80, v3, vm0, $0xb8;
	[tilespmem:$0x11000] =	vst v63  }
0xb6: {  	s2 =	simm.s32 $0x10800  }
0xb7: {  	[tilespmem:s2], [sflag:$0x2] =	stream.indirect_vreg.gather [hbm4b:s12+s3], $0x80, v3, vm0, $0xb8;
	[tilespmem:$0x11000] =	vst v63  }
0xb8: {  	_ =	swait.ge [sflag:s29], $0x8000  }
0xb9: {  	[sflag:s29] =	ssyncset.done $0x0  }
0xba: {  	s2 =	rddreg [dreg:$0x4];
	[sflag:s29] =	ssyncadd.s32 $0xFFFF8000  }
0xbb: {  	[hbm4b:s2+s3] =	stream.linear.scatter [tilespmem:s1], [sflag:$0x3], $0x8000, $0x38;
	[tilespmem:$0x11000] =	vst v63  }
0xbc: {  	_ =	swait.ge [sflag:s30], $0x8000  }
0xbd: {  	[sflag:s30] =	ssyncset.done $0x0  }
0xbe: {  	[sflag:s30] =	ssyncadd.s32 $0xFFFF8000  }
0xbf: {  	v3 =	vld [tilespmem:s4+$0x40];
	_ =	sdelay $0x4  }
0xc0: {  	v60 =	vshll.u32 v3, $0x4  }
0xc1: {  	v3 =	vand.u32 $0x7, v3;
	v4 =	vand.u32 $0xFFFFFF80, v60  }
0xc2: {  	v3 =	vor.u32 v3, v4  }
0xc3: {  	v4 =	vperm.xlane v3, v0;
	_ =	sdelay $0x1  }
0xc4: {  	v4 =	vadd.s32 v1, v4;
	_ =	sdelay $0x4  }
0xc5: {  	[tilespmem:s1], [sflag:$0x1] =	stream.indirect_vreg.gather [hbm4b:s5+s3], $0x80, v4, vm0, $0xb8;
	[tilespmem:$0x11000] =	vst v63  }
0xc6: {  	s2 =	simm.s32 $0x1800  }
0xc7: {  	[tilespmem:s2], [sflag:$0x1] =	stream.indirect_vreg.gather [hbm4b:s6+s3], $0x80, v4, vm0, $0xb8;
	[tilespmem:$0x11000] =	vst v63  }
0xc8: {  	s2 =	simm.s32 $0x2000  }
0xc9: {  	[tilespmem:s2], [sflag:$0x1] =	stream.indirect_vreg.gather [hbm4b:s7+s3], $0x80, v4, vm0, $0xb8;
	[tilespmem:$0x11000] =	vst v63  }
0xca: {  	s2 =	simm.s32 $0x2800  }
0xcb: {  	[tilespmem:s2], [sflag:$0x1] =	stream.indirect_vreg.gather [hbm4b:s8+s3], $0x80, v4, vm0, $0xb8;
	[tilespmem:$0x11000] =	vst v63  }
0xcc: {  	s2 =	simm.s32 $0x3000  }
0xcd: {  	[tilespmem:s2], [sflag:$0x1] =	stream.indirect_vreg.gather [hbm4b:s9+s3], $0x80, v4, vm0, $0xb8;
	[tilespmem:$0x11000] =	vst v63  }
0xce: {  	v3 =	vperm.xlane v3, v2;
	s2 =	simm.s32 $0x3800  }
0xcf: {  	[tilespmem:s2], [sflag:$0x1] =	stream.indirect_vreg.gather [hbm4b:s10+s3], $0x80, v4, vm0, $0xb8;
	[tilespmem:$0x11000] =	vst v63  }
0xd0: {  	v3 =	vadd.s32 v1, v3;
	s2 =	simm.s32 $0x4000  }
0xd1: {  	[tilespmem:s2], [sflag:$0x1] =	stream.indirect_vreg.gather [hbm4b:s11+s3], $0x80, v4, vm0, $0xb8;
	[tilespmem:$0x11000] =	vst v63  }
0xd2: {  	s2 =	simm.s32 $0x4800  }
0xd3: {  	[tilespmem:s2], [sflag:$0x1] =	stream.indirect_vreg.gather [hbm4b:s12+s3], $0x80, v4, vm0, $0xb8;
	[tilespmem:$0x11000] =	vst v63  }
0xd4: {  	s2 =	simm.s32 $0x5000  }
0xd5: {  	[tilespmem:s2], [sflag:$0x1] =	stream.indirect_vreg.gather [hbm4b:s5+s3], $0x80, v3, vm0, $0xb8;
	[tilespmem:$0x11000] =	vst v63  }
0xd6: {  	s2 =	simm.s32 $0x5800  }
0xd7: {  	[tilespmem:s2], [sflag:$0x1] =	stream.indirect_vreg.gather [hbm4b:s6+s3], $0x80, v3, vm0, $0xb8;
	[tilespmem:$0x11000] =	vst v63  }
0xd8: {  	s2 =	simm.s32 $0x6000  }
0xd9: {  	[tilespmem:s2], [sflag:$0x1] =	stream.indirect_vreg.gather [hbm4b:s7+s3], $0x80, v3, vm0, $0xb8;
	[tilespmem:$0x11000] =	vst v63  }
0xda: {  	s2 =	simm.s32 $0x6800  }
0xdb: {  	[tilespmem:s2], [sflag:$0x1] =	stream.indirect_vreg.gather [hbm4b:s8+s3], $0x80, v3, vm0, $0xb8;
	[tilespmem:$0x11000] =	vst v63  }
0xdc: {  	s2 =	simm.s32 $0x7000  }
0xdd: {  	[tilespmem:s2], [sflag:$0x1] =	stream.indirect_vreg.gather [hbm4b:s9+s3], $0x80, v3, vm0, $0xb8;
	[tilespmem:$0x11000] =	vst v63  }
0xde: {  	s2 =	simm.s32 $0x7800  }
0xdf: {  	[tilespmem:s2], [sflag:$0x1] =	stream.indirect_vreg.gather [hbm4b:s10+s3], $0x80, v3, vm0, $0xb8;
	[tilespmem:$0x11000] =	vst v63  }
0xe0: {  	s2 =	simm.s32 $0x8000  }
0xe1: {  	[tilespmem:s2], [sflag:$0x1] =	stream.indirect_vreg.gather [hbm4b:s11+s3], $0x80, v3, vm0, $0xb8;
	[tilespmem:$0x11000] =	vst v63  }
0xe2: {  	s2 =	simm.s32 $0x8800  }
0xe3: {  	[tilespmem:s2], [sflag:$0x1] =	stream.indirect_vreg.gather [hbm4b:s12+s3], $0x80, v3, vm0, $0xb8;
	[tilespmem:$0x11000] =	vst v63  }
0xe4: {  	_ =	swait.ge [sflag:s31], $0x8000  }
0xe5: {  	[sflag:s31] =	ssyncset.done $0x0  }
0xe6: {  	s2 =	rddreg [dreg:$0x5];
	[sflag:s31] =	ssyncadd.s32 $0xFFFF8000  }
0xe7: {  	[hbm4b:s2+s3] =	stream.linear.scatter [tilespmem:s14], [sflag:$0x4], $0x8000, $0x38;
	[tilespmem:$0x11000] =	vst v63  }
0xe8: {  	_ =	swait.ge [sflag:s0], $0x8000  }
0xe9: {  	[sflag:s0] =	ssyncset.done $0x0  }
0xea: {  	[sflag:s0] =	ssyncadd.s32 $0xFFFF8000  }
0xeb: {  	v3 =	vld [tilespmem:s4+$0x50];
	_ =	sdelay $0x4  }
0xec: {  	v61 =	vshll.u32 v3, $0x4  }
0xed: {  	v3 =	vand.u32 $0x7, v3;
	v4 =	vand.u32 $0xFFFFFF80, v61  }
0xee: {  	v3 =	vor.u32 v3, v4  }
0xef: {  	v4 =	vperm.xlane v3, v0;
	_ =	sdelay $0x1  }
0xf0: {  	v4 =	vadd.s32 v1, v4;
	_ =	sdelay $0x4  }
0xf1: {  	[tilespmem:s14], [sflag:$0x2] =	stream.indirect_vreg.gather [hbm4b:s5+s3], $0x80, v4, vm0, $0xb8;
	[tilespmem:$0x11000] =	vst v63  }
0xf2: {  	s16 =	simm.s32 $0x9800  }
0xf3: {  	[tilespmem:s16], [sflag:$0x2] =	stream.indirect_vreg.gather [hbm4b:s6+s3], $0x80, v4, vm0, $0xb8;
	[tilespmem:$0x11000] =	vst v63  }
0xf4: {  	s2 =	simm.s32 $0xA000  }
0xf5: {  	[tilespmem:s2], [sflag:$0x2] =	stream.indirect_vreg.gather [hbm4b:s7+s3], $0x80, v4, vm0, $0xb8;
	[tilespmem:$0x11000] =	vst v63  }
0xf6: {  	s15 =	simm.s32 $0xA800  }
0xf7: {  	[tilespmem:s15], [sflag:$0x2] =	stream.indirect_vreg.gather [hbm4b:s8+s3], $0x80, v4, vm0, $0xb8;
	[tilespmem:$0x11000] =	vst v63  }
0xf8: {  	s26 =	simm.s32 $0xB000  }
0xf9: {  	[tilespmem:s26], [sflag:$0x2] =	stream.indirect_vreg.gather [hbm4b:s9+s3], $0x80, v4, vm0, $0xb8;
	[tilespmem:$0x11000] =	vst v63  }
0xfa: {  	s28 =	simm.s32 $0xB800;
	v3 =	vperm.xlane v3, v2  }
0xfb: {  	[tilespmem:s28], [sflag:$0x2] =	stream.indirect_vreg.gather [hbm4b:s10+s3], $0x80, v4, vm0, $0xb8;
	[tilespmem:$0x11000] =	vst v63  }
0xfc: {  	s17 =	simm.s32 $0xC000;
	v3 =	vadd.s32 v1, v3  }
0xfd: {  	[tilespmem:s17], [sflag:$0x2] =	stream.indirect_vreg.gather [hbm4b:s11+s3], $0x80, v4, vm0, $0xb8;
	[tilespmem:$0x11000] =	vst v63  }
0xfe: {  	s18 =	simm.s32 $0xC800  }
0xff: {  	[tilespmem:s18], [sflag:$0x2] =	stream.indirect_vreg.gather [hbm4b:s12+s3], $0x80, v4, vm0, $0xb8;
	[tilespmem:$0x11000] =	vst v63  }
0x100: {  	s19 =	simm.s32 $0xD000  }
0x101: {  	[tilespmem:s19], [sflag:$0x2] =	stream.indirect_vreg.gather [hbm4b:s5+s3], $0x80, v3, vm0, $0xb8;
	[tilespmem:$0x11000] =	vst v63  }
0x102: {  	s20 =	simm.s32 $0xD800  }
0x103: {  	[tilespmem:s20], [sflag:$0x2] =	stream.indirect_vreg.gather [hbm4b:s6+s3], $0x80, v3, vm0, $0xb8;
	[tilespmem:$0x11000] =	vst v63  }
0x104: {  	s21 =	simm.s32 $0xE000  }
0x105: {  	[tilespmem:s21], [sflag:$0x2] =	stream.indirect_vreg.gather [hbm4b:s7+s3], $0x80, v3, vm0, $0xb8;
	[tilespmem:$0x11000] =	vst v63  }
0x106: {  	s22 =	simm.s32 $0xE800  }
0x107: {  	[tilespmem:s22], [sflag:$0x2] =	stream.indirect_vreg.gather [hbm4b:s8+s3], $0x80, v3, vm0, $0xb8;
	[tilespmem:$0x11000] =	vst v63  }
0x108: {  	s23 =	simm.s32 $0xF000  }
0x109: {  	[tilespmem:s23], [sflag:$0x2] =	stream.indirect_vreg.gather [hbm4b:s9+s3], $0x80, v3, vm0, $0xb8;
	[tilespmem:$0x11000] =	vst v63  }
0x10a: {  	s24 =	simm.s32 $0xF800  }
0x10b: {  	[tilespmem:s24], [sflag:$0x2] =	stream.indirect_vreg.gather [hbm4b:s10+s3], $0x80, v3, vm0, $0xb8;
	[tilespmem:$0x11000] =	vst v63  }
0x10c: {  	s25 =	simm.s32 $0x10000  }
0x10d: {  	[tilespmem:s25], [sflag:$0x2] =	stream.indirect_vreg.gather [hbm4b:s11+s3], $0x80, v3, vm0, $0xb8;
	[tilespmem:$0x11000] =	vst v63  }
0x10e: {  	s2 =	simm.s32 $0x10800  }
0x10f: {  	[tilespmem:s2], [sflag:$0x2] =	stream.indirect_vreg.gather [hbm4b:s12+s3], $0x80, v3, vm0, $0xb8;
	[tilespmem:$0x11000] =	vst v63  }
0x110: {  	_ =	swait.ge [sflag:s29], $0x8000  }
0x111: {  	[sflag:s29] =	ssyncset.done $0x0  }
0x112: {  	s2 =	rddreg [dreg:$0x6];
	[sflag:s29] =	ssyncadd.s32 $0xFFFF8000  }
0x113: {  	[hbm4b:s2+s3] =	stream.linear.scatter [tilespmem:s1], [sflag:$0x3], $0x8000, $0x38;
	[tilespmem:$0x11000] =	vst v63  }
0x114: {  	_ =	swait.ge [sflag:s30], $0x8000  }
0x115: {  	[sflag:s30] =	ssyncset.done $0x0  }
0x116: {  	[sflag:s30] =	ssyncadd.s32 $0xFFFF8000  }
0x117: {  	v3 =	vld [tilespmem:s4+$0x60];
	_ =	sdelay $0x4  }
0x118: {  	v62 =	vshll.u32 v3, $0x4  }
0x119: {  	v3 =	vand.u32 $0x7, v3;
	v4 =	vand.u32 $0xFFFFFF80, v62  }
0x11a: {  	v3 =	vor.u32 v3, v4  }
0x11b: {  	v4 =	vperm.xlane v3, v0;
	_ =	sdelay $0x1  }
0x11c: {  	v4 =	vadd.s32 v1, v4;
	_ =	sdelay $0x4  }
0x11d: {  	[tilespmem:s1], [sflag:$0x1] =	stream.indirect_vreg.gather [hbm4b:s5+s3], $0x80, v4, vm0, $0xb8;
	[tilespmem:$0x11000] =	vst v63  }
0x11e: {  	s2 =	simm.s32 $0x1800  }
0x11f: {  	[tilespmem:s2], [sflag:$0x1] =	stream.indirect_vreg.gather [hbm4b:s6+s3], $0x80, v4, vm0, $0xb8;
	[tilespmem:$0x11000] =	vst v63  }
0x120: {  	s2 =	simm.s32 $0x2000  }
0x121: {  	[tilespmem:s2], [sflag:$0x1] =	stream.indirect_vreg.gather [hbm4b:s7+s3], $0x80, v4, vm0, $0xb8;
	[tilespmem:$0x11000] =	vst v63  }
0x122: {  	s2 =	simm.s32 $0x2800  }
0x123: {  	[tilespmem:s2], [sflag:$0x1] =	stream.indirect_vreg.gather [hbm4b:s8+s3], $0x80, v4, vm0, $0xb8;
	[tilespmem:$0x11000] =	vst v63  }
0x124: {  	s2 =	simm.s32 $0x3000  }
0x125: {  	[tilespmem:s2], [sflag:$0x1] =	stream.indirect_vreg.gather [hbm4b:s9+s3], $0x80, v4, vm0, $0xb8;
	[tilespmem:$0x11000] =	vst v63  }
0x126: {  	v3 =	vperm.xlane v3, v2;
	s2 =	simm.s32 $0x3800  }
0x127: {  	[tilespmem:s2], [sflag:$0x1] =	stream.indirect_vreg.gather [hbm4b:s10+s3], $0x80, v4, vm0, $0xb8;
	[tilespmem:$0x11000] =	vst v63  }
0x128: {  	v3 =	vadd.s32 v1, v3;
	s2 =	simm.s32 $0x4000  }
0x129: {  	[tilespmem:s2], [sflag:$0x1] =	stream.indirect_vreg.gather [hbm4b:s11+s3], $0x80, v4, vm0, $0xb8;
	[tilespmem:$0x11000] =	vst v63  }
0x12a: {  	s2 =	simm.s32 $0x4800  }
0x12b: {  	[tilespmem:s2], [sflag:$0x1] =	stream.indirect_vreg.gather [hbm4b:s12+s3], $0x80, v4, vm0, $0xb8;
	[tilespmem:$0x11000] =	vst v63  }
0x12c: {  	s2 =	simm.s32 $0x5000  }
0x12d: {  	[tilespmem:s2], [sflag:$0x1] =	stream.indirect_vreg.gather [hbm4b:s5+s3], $0x80, v3, vm0, $0xb8;
	[tilespmem:$0x11000] =	vst v63  }
0x12e: {  	s2 =	simm.s32 $0x5800  }
0x12f: {  	[tilespmem:s2], [sflag:$0x1] =	stream.indirect_vreg.gather [hbm4b:s6+s3], $0x80, v3, vm0, $0xb8;
	[tilespmem:$0x11000] =	vst v63  }
0x130: {  	s2 =	simm.s32 $0x6000  }
0x131: {  	[tilespmem:s2], [sflag:$0x1] =	stream.indirect_vreg.gather [hbm4b:s7+s3], $0x80, v3, vm0, $0xb8;
	[tilespmem:$0x11000] =	vst v63  }
0x132: {  	s2 =	simm.s32 $0x6800  }
0x133: {  	[tilespmem:s2], [sflag:$0x1] =	stream.indirect_vreg.gather [hbm4b:s8+s3], $0x80, v3, vm0, $0xb8;
	[tilespmem:$0x11000] =	vst v63  }
0x134: {  	s2 =	simm.s32 $0x7000  }
0x135: {  	[tilespmem:s2], [sflag:$0x1] =	stream.indirect_vreg.gather [hbm4b:s9+s3], $0x80, v3, vm0, $0xb8;
	[tilespmem:$0x11000] =	vst v63  }
0x136: {  	s2 =	simm.s32 $0x7800  }
0x137: {  	[tilespmem:s2], [sflag:$0x1] =	stream.indirect_vreg.gather [hbm4b:s10+s3], $0x80, v3, vm0, $0xb8;
	[tilespmem:$0x11000] =	vst v63  }
0x138: {  	s2 =	simm.s32 $0x8000  }
0x139: {  	[tilespmem:s2], [sflag:$0x1] =	stream.indirect_vreg.gather [hbm4b:s11+s3], $0x80, v3, vm0, $0xb8;
	[tilespmem:$0x11000] =	vst v63  }
0x13a: {  	s2 =	simm.s32 $0x8800  }
0x13b: {  	[tilespmem:s2], [sflag:$0x1] =	stream.indirect_vreg.gather [hbm4b:s12+s3], $0x80, v3, vm0, $0xb8;
	[tilespmem:$0x11000] =	vst v63  }
0x13c: {  	_ =	swait.ge [sflag:s31], $0x8000  }
0x13d: {  	[sflag:s31] =	ssyncset.done $0x0  }
0x13e: {  	s2 =	rddreg [dreg:$0x7];
	[sflag:s31] =	ssyncadd.s32 $0xFFFF8000  }
0x13f: {  	[hbm4b:s2+s3] =	stream.linear.scatter [tilespmem:s14], [sflag:$0x4], $0x8000, $0x38;
	[tilespmem:$0x11000] =	vst v63  }
0x140: {  	_ =	swait.ge [sflag:s0], $0x8000  }
0x141: {  	[sflag:s0] =	ssyncset.done $0x0  }
0x142: {  	[sflag:s0] =	ssyncadd.s32 $0xFFFF8000  }
0x143: {  	v3 =	vld [tilespmem:s4+$0x70];
	_ =	sdelay $0x4  }
0x144: {  	v63 =	vshll.u32 v3, $0x4  }
0x145: {  	v3 =	vand.u32 $0x7, v3;
	v4 =	vand.u32 $0xFFFFFF80, v63  }
0x146: {  	v3 =	vor.u32 v3, v4  }
0x147: {  	v4 =	vperm.xlane v3, v0;
	_ =	sdelay $0x1  }
0x148: {  	v4 =	vadd.s32 v1, v4;
	_ =	sdelay $0x4  }
0x149: {  	[tilespmem:s14], [sflag:$0x2] =	stream.indirect_vreg.gather [hbm4b:s5+s3], $0x80, v4, vm0, $0xb8;
	[tilespmem:$0x11000] =	vst v63  }
0x14a: {  	s16 =	simm.s32 $0x9800  }
0x14b: {  	[tilespmem:s16], [sflag:$0x2] =	stream.indirect_vreg.gather [hbm4b:s6+s3], $0x80, v4, vm0, $0xb8;
	[tilespmem:$0x11000] =	vst v63  }
0x14c: {  	s16 =	simm.s32 $0xA000  }
0x14d: {  	[tilespmem:s16], [sflag:$0x2] =	stream.indirect_vreg.gather [hbm4b:s7+s3], $0x80, v4, vm0, $0xb8;
	[tilespmem:$0x11000] =	vst v63  }
0x14e: {  	s15 =	simm.s32 $0xA800  }
0x14f: {  	[tilespmem:s15], [sflag:$0x2] =	stream.indirect_vreg.gather [hbm4b:s8+s3], $0x80, v4, vm0, $0xb8;
	[tilespmem:$0x11000] =	vst v63  }
0x150: {  	s26 =	simm.s32 $0xB000  }
0x151: {  	[tilespmem:s26], [sflag:$0x2] =	stream.indirect_vreg.gather [hbm4b:s9+s3], $0x80, v4, vm0, $0xb8;
	[tilespmem:$0x11000] =	vst v63  }
0x152: {  	s28 =	simm.s32 $0xB800;
	v3 =	vperm.xlane v3, v2  }
0x153: {  	[tilespmem:s28], [sflag:$0x2] =	stream.indirect_vreg.gather [hbm4b:s10+s3], $0x80, v4, vm0, $0xb8;
	[tilespmem:$0x11000] =	vst v63  }
0x154: {  	s17 =	simm.s32 $0xC000;
	v3 =	vadd.s32 v1, v3  }
0x155: {  	[tilespmem:s17], [sflag:$0x2] =	stream.indirect_vreg.gather [hbm4b:s11+s3], $0x80, v4, vm0, $0xb8;
	[tilespmem:$0x11000] =	vst v63  }
0x156: {  	s18 =	simm.s32 $0xC800  }
0x157: {  	[tilespmem:s18], [sflag:$0x2] =	stream.indirect_vreg.gather [hbm4b:s12+s3], $0x80, v4, vm0, $0xb8;
	[tilespmem:$0x11000] =	vst v63  }
0x158: {  	s19 =	simm.s32 $0xD000  }
0x159: {  	[tilespmem:s19], [sflag:$0x2] =	stream.indirect_vreg.gather [hbm4b:s5+s3], $0x80, v3, vm0, $0xb8;
	[tilespmem:$0x11000] =	vst v63  }
0x15a: {  	s20 =	simm.s32 $0xD800  }
0x15b: {  	[tilespmem:s20], [sflag:$0x2] =	stream.indirect_vreg.gather [hbm4b:s6+s3], $0x80, v3, vm0, $0xb8;
	[tilespmem:$0x11000] =	vst v63  }
0x15c: {  	s21 =	simm.s32 $0xE000  }
0x15d: {  	[tilespmem:s21], [sflag:$0x2] =	stream.indirect_vreg.gather [hbm4b:s7+s3], $0x80, v3, vm0, $0xb8;
	[tilespmem:$0x11000] =	vst v63  }
0x15e: {  	s22 =	simm.s32 $0xE800  }
0x15f: {  	[tilespmem:s22], [sflag:$0x2] =	stream.indirect_vreg.gather [hbm4b:s8+s3], $0x80, v3, vm0, $0xb8;
	[tilespmem:$0x11000] =	vst v63  }
0x160: {  	s23 =	simm.s32 $0xF000  }
0x161: {  	[tilespmem:s23], [sflag:$0x2] =	stream.indirect_vreg.gather [hbm4b:s9+s3], $0x80, v3, vm0, $0xb8;
	[tilespmem:$0x11000] =	vst v63  }
0x162: {  	s24 =	simm.s32 $0xF800  }
0x163: {  	[tilespmem:s24], [sflag:$0x2] =	stream.indirect_vreg.gather [hbm4b:s10+s3], $0x80, v3, vm0, $0xb8;
	[tilespmem:$0x11000] =	vst v63  }
0x164: {  	s25 =	simm.s32 $0x10000  }
0x165: {  	[tilespmem:s25], [sflag:$0x2] =	stream.indirect_vreg.gather [hbm4b:s11+s3], $0x80, v3, vm0, $0xb8;
	[tilespmem:$0x11000] =	vst v63  }
0x166: {  	s25 =	simm.s32 $0x10800  }
0x167: {  	[tilespmem:s25], [sflag:$0x2] =	stream.indirect_vreg.gather [hbm4b:s12+s3], $0x80, v3, vm0, $0xb8;
	[tilespmem:$0x11000] =	vst v63  }
0x168: {  	_ =	swait.ge [sflag:s29], $0x8000  }
0x169: {  	[sflag:s29] =	ssyncset.done $0x0  }
0x16a: {  	s26 =	rddreg [dreg:$0x8];
	[sflag:s29] =	ssyncadd.s32 $0xFFFF8000  }
0x16b: {  	[hbm4b:s26+s3] =	stream.linear.scatter [tilespmem:s1], [sflag:$0x3], $0x8000, $0x38;
	[tilespmem:$0x11000] =	vst v63  }
0x16c: {  	_ =	swait.ge [sflag:s31], $0x8000  }
0x16d: {  	[sflag:s31] =	ssyncset.done $0x0  }
0x16e: {  	s28 =	rddreg [dreg:$0x9];
	[sflag:s31] =	ssyncadd.s32 $0xFFFF8000  }
0x16f: {  	[hbm4b:s28+s3] =	stream.linear.scatter [tilespmem:s14], [sflag:$0x4], $0x8000, $0x38;
	[tilespmem:$0x11000] =	vst v63  }
0x170: {  	p0 =	sne.s32 s13, $0x1;
	_ =	swait.ge [sflag:s0], $0x8000  }
.Ltmp0:
0x171: {  	[sflag:s0] =	ssyncset.done $0x0;
	(pc) =	sbr.rel @p0 .LBB2_1-.Ltmp0, $4  }
0x172: {  	[sflag:s0] =	ssyncadd.s32 $0xFFFF8000  }
0x173: {  	_ =	swait.ge [sflag:s30], $0x8000  }
0x174: {  	[sflag:s30] =	ssyncset.done $0x0  }
0x175: {  	s13 =	sadd.s32 $0xFFFFFFFF, s13;
	[sflag:s30] =	ssyncadd.s32 $0xFFFF8000  }
0x176: {  	_ =	sfence.sel $0x180000  }
0x177: {  	[bflag:$0x0] =	sbarrier.arrive $0xFFFF  }
0x178: {  	_ =	strace $0x9000004A  }
0x179: {  	s0 =	stileid.u32;
	[bflag:$0x2] =	sbarrier.arrive $0xFFFF  }
0x17a: {  	p0 =	sne.s32 s0, $0x0;
	s0 =	rddreg [dreg:$0x1]  }
0x17b: {  	s0 =	sadd.s32 @!p0 $0x100000, s0  }
0x17c: {  	[sflag:s0] =	ssyncadd.tile.s32 @!p0 $0x1;
	_ =	shalt  }
.Lfunc_end2:
_tile_overlayer_lowered:
.L_overlay_start_2:
0x17d: {  	(tag) =	ssettag $0x2  }
0x17e: {  	s0 =	rddreg [dreg:$0x0];
	s2 =	stileid.u32  }
0x17f: {  	s1 =	rddreg [dreg:$0x1];
	p0 =	sne.s32 s2, $0x0  }
0x180: {  	s3 =	rddreg [dreg:$0x2];
	[bflag:$0x3] =	sbarrier.arrive $0xFFFF;
	s2 =	simm.s32 @!p0 $0x1C05  }
0x181: {  	[timem:s3], [sflag:s2] =	dma.local @!p0 [hbm:s0], s1  }
0x182: {  	s0 =	simm.s32 @!p0 $0x5  }
0x183: {  	_ =	swait.ge @!p0 [sflag:s0], s1  }
0x184: {  	s1 =	ssub.s32 @!p0 $0x0, s1;
	[sflag:s0] =	ssyncset.done @!p0 $0x0  }
0x185: {  	[sflag:s0] =	ssyncadd.s32 @!p0 s1  }
0x186: {  	[bflag:$0x3] =	sbarrier.arrive $0xFFFF  }
0x187: {  	_ =	shalt  }

// kernel: kernel.16.cloned.1.call-start
scs
__scs_entry_jumppad:
0x0: {  	(pc) =	sbr.rel $0x88, $3  }
0x1: {  	(tag) =	ssettag $0x0;
	lr =	simm.s32 $0x1  }
0x2: {  	[smem:$0x3F99] =	sst lr;
	_ =	strace $0xD0000000  }
0x3: {  	_ = 	snop  }
0x4: {  	_ = 	snop  }
0x5: {  	_ = 	snop  }
0x6: {  	_ = 	snop  }
0x7: {  	_ = 	snop  }
__scs_overlays_trampoline_lowered:
0x8: {  	[smem:$0x3FA8] =	sst s0  }
0x9: {  	[smem:$0x3FA9] =	sst s1  }
0xa: {  	[smem:$0x3FAA] =	sst s2  }
0xb: {  	[smem:$0x3FAB] =	sst s3  }
0xc: {  	[smem:$0x3FAC] =	sst s4  }
0xd: {  	[smem:$0x3FAD] =	sst s5  }
0xe: {  	[smem:$0x3FAE] =	sst s6  }
0xf: {  	[smem:$0x3FAF] =	sst s7  }
0x10: {  	[smem:$0x3FB0] =	sst s8  }
0x11: {  	[smem:$0x3FB1] =	sst s9;
	s0 =	simm.s32 @!p0 $0x0  }
0x12: {  	s1 =	sld [smem:$0x3F97];
	s0 =	simm.s32 @p0 $0x1  }
0x13: {  	[smem:$0x3FB2] =	sst s0;
	s0 =	simm.s32 @!p1 $0x0  }
0x14: {  	s2 =	sld [smem:$0x3F96];
	s0 =	simm.s32 @p1 $0x1  }
0x15: {  	[smem:$0x3FB3] =	sst s0;
	s0 =	simm.s32 @!p2 $0x0  }
0x16: {  	s3 =	sld [smem:$0x3FDB];
	s0 =	simm.s32 @p2 $0x1  }
0x17: {  	s4 =	simm.s32 $0x1BF5;
	[smem:$0x3FB5] =	sst s0  }
0x18: {  	s0 =	sld [smem:$0x3F98];
	_ =	swait.ge [sflag:s4], $0x0  }
0x19: {  	s7 =	sld [smem:$0x3F99]  }
0x1a: {  	s8 =	sadd.s32 $0xFFFFE003, lr  }
0x1b: {  	s9 =	sadd.s32 $0xFFFFFEF7, lr;
	s5 =	simm.s32 $0xFFFFFFFF;
	p2 =	slt.u32 s8, $0xFFFFF086  }
0x1c: {  	p1 =	slt.u32 s9, $0xF7A;
	s5 =	simm.s32 @!p2 $0x0  }
0x1d: {  	s5 =	simm.s32 @p1 $0x1;
	p0 =	seq.s32 s7, s2  }
0x1e: {  	s7 =	smul.u32 @!p0 $0xF7A, s2;
	p2 =	seq.s32 @!p0 s5, $0x0  }
0x1f: {  	s9 =	smul.u32 $0xF7A, s1;
	s8 =	simm.s32 @!p0 $0x1BF5;
	p2 =	por !p2, p0  }
0x20: {  	[sflag:s8] =	ssyncset.s32 @!p0 $0xFFFFF086;
	s6 =	sadd.s32 @!p0 s3, s7;
	s7 =	simm.s32 @!p0 $0x108  }
0x21: {  	s3 =	sadd.s32 s3, s9;
	s6 =	sadd.s32 @!p0 $0x88, s6;
	s7 =	simm.s32 @p2 $0x1082  }
0x22: {  	[simem:s7], [sflag:s8] =	dma.local @!p0 [hbm:s6], $0xF7A  }
0x23: {  	s9 =	sor.u32 $0xD0000000, s2;
	s6 =	simm.s32 $0x108;
	_ =	swait.ge @!p0 [sflag:s8], $0x0  }
0x24: {  	s3 =	sadd.s32 $0x88, s3;
	s6 =	simm.s32 @!p1 $0x1082;
	[sflag:s4] =	ssyncset.s32 $0xFFFFF086  }
0x25: {  	[simem:s6], [sflag:s4] =	dma.local [hbm:s3], $0xF7A  }
0x26: {  	[smem:$0x3F99] =	sst s1;
	(tag) =	ssettag s2;
	_ =	strace s9  }
0x27: {  	s1 =	sld [smem:$0x3FA9]  }
0x28: {  	s2 =	sld [smem:$0x3FAA]  }
0x29: {  	s4 =	sld [smem:$0x3FAC]  }
0x2a: {  	p0 =	seq.s32 s5, $0x0;
	s5 =	sld [smem:$0x3FAD]  }
0x2b: {  	s6 =	sld [smem:$0x3FAE]  }
0x2c: {  	s7 =	sld [smem:$0x3FAF]  }
0x2d: {  	s3 =	simm.s32 $0x108;
	s8 =	sld [smem:$0x3FB0]  }
0x2e: {  	s3 =	simm.s32 @!p0 $0x1082;
	s9 =	sld [smem:$0x3FB1]  }
0x2f: {  	lr =	sadd.s32 s0, s3;
	s0 =	sld [smem:$0x3FA8]  }
0x30: {  	s3 =	sld [smem:$0x3FAB]  }
0x31: {  	[smem:$0x3FB4] =	sst s10  }
0x32: {  	s10 =	sld [smem:$0x3FB2];
	_ =	sdelay $0x3  }
0x33: {  	p0 =	seq.s32 s10, $0x1;
	s10 =	sld [smem:$0x3FB4];
	_ =	sdelay $0x3  }
0x34: {  	[smem:$0x3FB4] =	sst s10  }
0x35: {  	s10 =	sld [smem:$0x3FB3];
	_ =	sdelay $0x3  }
0x36: {  	p1 =	seq.s32 s10, $0x1;
	s10 =	sld [smem:$0x3FB4];
	_ =	sdelay $0x3  }
0x37: {  	[smem:$0x3FB4] =	sst s10  }
0x38: {  	s10 =	sld [smem:$0x3FB5]  }
0x39: {  	_ = 	snop;
	(pc) =	sbr.ind lr, $3  }
0x3a: {  	_ = 	snop  }
0x3b: {  	_ = 	snop  }
0x3c: {  	p2 =	seq.s32 s10, $0x1;
	s10 =	sld [smem:$0x3FB4]  }
0x3d: {  	_ =	shalt  }
0x3e: {  	_ =	shalt  }
0x3f: {  	_ =	shalt  }
0x40: {  	_ =	shalt  }
0x41: {  	_ =	shalt  }
0x42: {  	_ =	shalt  }
0x43: {  	_ =	shalt  }
0x44: {  	_ =	shalt  }
0x45: {  	_ =	shalt  }
0x46: {  	_ =	shalt  }
0x47: {  	_ =	shalt  }
0x48: {  	_ =	shalt  }
0x49: {  	_ =	shalt  }
0x4a: {  	_ =	shalt  }
0x4b: {  	_ =	shalt  }
0x4c: {  	_ =	shalt  }
0x4d: {  	_ =	shalt  }
0x4e: {  	_ =	shalt  }
0x4f: {  	_ =	shalt  }
0x50: {  	_ =	shalt  }
0x51: {  	_ =	shalt  }
0x52: {  	_ =	shalt  }
0x53: {  	_ =	shalt  }
0x54: {  	_ =	shalt  }
0x55: {  	_ =	shalt  }
0x56: {  	_ =	shalt  }
0x57: {  	_ =	shalt  }
0x58: {  	_ =	shalt  }
0x59: {  	_ =	shalt  }
0x5a: {  	_ =	shalt  }
0x5b: {  	_ =	shalt  }
0x5c: {  	_ =	shalt  }
0x5d: {  	_ =	shalt  }
0x5e: {  	_ =	shalt  }
0x5f: {  	_ =	shalt  }
0x60: {  	_ =	shalt  }
0x61: {  	_ =	shalt  }
0x62: {  	_ =	shalt  }
0x63: {  	_ =	shalt  }
0x64: {  	_ =	shalt  }
0x65: {  	_ =	shalt  }
0x66: {  	_ =	shalt  }
0x67: {  	_ =	shalt  }
0x68: {  	_ =	shalt  }
0x69: {  	_ =	shalt  }
0x6a: {  	_ =	shalt  }
0x6b: {  	_ =	shalt  }
0x6c: {  	_ =	shalt  }
0x6d: {  	_ =	shalt  }
0x6e: {  	_ =	shalt  }
0x6f: {  	_ =	shalt  }
0x70: {  	_ =	shalt  }
0x71: {  	_ =	shalt  }
0x72: {  	_ =	shalt  }
0x73: {  	_ =	shalt  }
0x74: {  	_ =	shalt  }
0x75: {  	_ =	shalt  }
0x76: {  	_ =	shalt  }
0x77: {  	_ =	shalt  }
0x78: {  	_ =	shalt  }
0x79: {  	_ =	shalt  }
0x7a: {  	_ =	shalt  }
0x7b: {  	_ =	shalt  }
0x7c: {  	_ =	shalt  }
0x7d: {  	_ =	shalt  }
0x7e: {  	_ =	shalt  }
0x7f: {  	_ =	shalt  }
0x80: {  	_ =	shalt  }
0x81: {  	_ =	shalt  }
0x82: {  	_ =	shalt  }
0x83: {  	_ =	shalt  }
0x84: {  	_ =	shalt  }
0x85: {  	_ =	shalt  }
0x86: {  	_ =	shalt  }
0x87: {  	_ =	shalt  }
.Lfunc_end0:
.L_simem_size_0:
called_computation.2_lowered:
.L_overlay_start_0:
0x88: {  	s2 =	sld [smem:$0x3FD9]  }
0x89: {  	s3 =	sld [smem:$0x3FFE];
	_ =	sdelay $0x1  }
0x8a: {  	s1 =	srdreg.scid  }
0x8b: {  	s0 =	sand.u32 $0x1, s1  }
0x8c: {  	s16 =	sshll.u32 s0, $0xA;
	s2 =	sadd.s32 s3, s2  }
0x8d: {  	s2 =	sadd.s32 s2, s16  }
0x8e: {  	[smem:$0x3FC0] =	sst s2  }
0x8f: {  	_ = 	snop  }
0x90: {  	(tm) =	ssettm $0x1  }
0x91: {  	s17 =	sld [smem:$0x3FFB];
	_ =	sdelay $0x3  }
0x92: {  	_ =	strace s17  }
0x93: {  	s2 =	sld [smem:$0x3FFC];
	_ =	sdelay $0x3  }
0x94: {  	_ =	strace s2  }
0x95: {  	s2 =	sld [smem:$0x3FFD];
	_ =	sdelay $0x3  }
0x96: {  	_ =	strace s2  }
0x97: {  	_ =	strace $0x8FFFFFFF  }
0x98: {  	s18 =	sld [smem:$0x3FDB];
	_ =	sdelay $0x1  }
0x99: {  	s19 =	simm.s32 $_scs_section_size  }
0x9a: {  	s4 =	simm.s32 $_size__tile_overlayer_lowered;
	s5 =	simm.s32 $_tile_overlayer_lowered  }
0x9b: {  	s22 =	simm.s32 $0x1BFF;
	s21 =	sshll.u32 s5, $0x1;
	s2 =	sadd.s32 s19, s18  }
0x9c: {  	s6 =	simm.s32 $0x0;
	s20 =	sshll.u32 s4, $0x1;
	s4 =	sadd.s32 s21, s2  }
0x9d: {  	[timem:s6], [sflag:s22] =	dma.local [hbm:s4], s20  }
0x9e: {  	_ =	swait.ge [sflag:s22], s20  }
0x9f: {  	s3 =	ssub.s32 $0x0, s20;
	[sflag:s22] =	ssyncset.done $0x0  }
0xa0: {  	[sflag:s22] =	ssyncadd.s32 s3;
	_ =	sdelay $0x1  }
0xa1: {  	s23 =	simm.s32 $0x1B8B  }
0xa2: {  	_ =	swait.ge [sflag:s23], $0x1  }
0xa3: {  	[sflag:s23] =	ssyncset.done $0x0  }
0xa4: {  	s25 =	simm.s32 $0x1B8E;
	s24 =	sld [smem:$0x3FFE];
	[sflag:s23] =	ssyncadd.s32 $0xFFFFFFFF  }
0xa5: {  	s26 =	simm.s32 $execute0_lowered;
	[smem:$0x3FD2] =	sst s25  }
0xa6: {  	s4 =	sshll.u32 s26, $0x1;
	_ =	strace $0x8000004C;
	[dreg:$0x1] =	wrdreg $0xFFFFFFFF  }
0xa7: {  	s28 =	simm.s32 $_size_execute0_lowered;
	s2 =	sadd.s32 s2, s4;
	[dreg:$0x0] =	wrdreg $0x0  }
0xa8: {  	s4 =	sshll.u32 s28, $0x1;
	[dreg:$0x2] =	wrdreg s2  }
0xa9: {  	[dreg:$0x3] =	wrdreg s4  }
0xaa: {  	[dreg:$0x4] =	wrdreg $0xC0  }
0xab: {  	_ =	task [dreg:s6], $0x5FFFF  }
0xac: {  	[dreg:$0x1] =	wrdreg $0xFFFFFFFF  }
0xad: {  	[dreg:$0x0] =	wrdreg $0x60  }
0xae: {  	[dreg:$0x2] =	wrdreg s24  }
0xaf: {  	[dreg:$0x3] =	wrdreg $0x9  }
0xb0: {  	_ =	task.clear_ibuf [dreg:s6], $0x4FFFF;
	_ =	strace $0x9000004C  }
0xb1: {  	s29 =	simm.s32 $0x9;
	_ =	strace $0x8000004E  }
0xb2: {  	_ =	swait.ge [sflag:s29], $0x1  }
0xb3: {  	[sflag:s29] =	ssyncadd.s32 $0xFFFFFFFF  }
0xb4: {  	_ =	strace $0x9000004E  }
0xb5: {  	_ =	sfence  }
0xb6: {  	s30 =	sld [smem:$0x0];
	_ =	sdelay $0x2  }
0xb7: {  	s31 =	sshll.u32 s1, $0xD;
	s1 =	sshrl.u32 s1, $0x2  }
0xb8: {  	s3 =	sand.u32 $0x4000, s31;
	s1 =	sadd.s32 s1, s30  }
0xb9: {  	s0 =	sor.u32 s3, s0;
	s1 =	sshll.u32 s1, $0x11  }
0xba: {  	s0 =	sor.u32 s1, s0  }
0xbb: {  	s0 =	sadd.s32 $0x8F2B, s0  }
0xbc: {  	[sflag:s0] =	ssyncadd.remote.s32 $0x1  }
0xbd: {  	_ =	sfence.sel $0xFFFF  }
0xbe: {  	[dreg:$0x0] =	wrdreg $0xFFFFFFFF;
	(pc) =	sbr.abs _section_cstart, $3  }
0xbf: {  	[dreg:$0x1] =	wrdreg $0xFFFFFFFF  }
0xc0: {  	_ =	task.clear_ibuf [dreg:s6], $0x2FFFF;
	_ =	strace $0x9FFFFFFF  }
0xc1: {  	(tm) =	ssettm $0x7FFFFFFF  }
tec
execute0_lowered:
.L_overlay_start_1:
0x0: {  	(tag) =	ssettag $0x1  }
0x1: {  	s0 =	srdreg.scid  }
0x2: {  	s2 =	stileid.u32;
	s8 =	rddreg [dreg:$0x0];
	s3 =	simm.s32 $0x0  }
0x3: {  	s10 =	simm.s32 $0x1;
	s22 =	simm.s32 $0x3;
	s28 =	simm.s32 $0x1000  }
0x4: {  	s29 =	simm.s32 $0x2000;
	s30 =	simm.s32 $0x2800;
	s31 =	simm.s32 $0x3000  }
0x5: {  	s12 =	simm.s32 $0x5000;
	s13 =	simm.s32 $0x5800;
	s14 =	simm.s32 $0x6000  }
0x6: {  	s15 =	simm.s32 $0x6800;
	s16 =	simm.s32 $0x7000;
	s17 =	simm.s32 $0x7800  }
0x7: {  	s18 =	simm.s32 $0x8000;
	s19 =	simm.s32 $0x8800;
	s0 =	sand.u32 $0x1, s0  }
0x8: {  	s21 =	simm.s32 $0x9000;
	s2 =	sshll.u32 s2, $0x7;
	s1 =	sshll.u32 s0, $0xB  }
0x9: {  	s20 =	simm.s32 $0x9800;
	[smem:$0x7FF] =	sst s3;
	s4 =	sor.u32 s2, s1  }
0xa: {  	s5 =	sadd.s32 $0x200, s8;
	s6 =	sadd.s32 $0x300, s8;
	s1 =	sshll.u32 s4, $0x7  }
0xb: {  	s7 =	sadd.s32 $0x400, s8;
	s0 =	ssub.s32 $0x2, s0;
	s1 =	sadd.s32 s1, s8  }
0xc: {  	_ =	strace $0x8000004D;
	s23 =	sshrl.u32 s0, $0x1;
	s24 =	sadd.s32 $0xC0200, s1  }
0xd: {  	s2 =	simm.s32 $0x4800;
	s25 =	sadd.s32 $0xC1200, s1;
	[dreg:$0x2] =	wrdreg s24  }
0xe: {  	s0 =	ssub.s32 s0, s23;
	s26 =	sadd.s32 $0xC2200, s1;
	[dreg:$0x3] =	wrdreg s25  }
0xf: {  	v2 =	vlaneseq.u32;
	s23 =	simm.s32 $0x2;
	s1 =	sadd.s32 $0xC3200, s1;
	[dreg:$0x4] =	wrdreg s26  }
0x10: {  	vm0 =	vmmov $0xffff;
	v1 =	vshrl.u32 v2, $0x3;
	s8 =	sadd.s32 $0x500, s8;
	s9 =	smax.u32 s0, $0x1;
	[dreg:$0x5] =	wrdreg s1  }
0x11: {  	v0 =	vand.u32 $0x7, v2;
	v2 =	vor.u32 $0x8, v2;
	v1 =	vmul.u32 $0x8, v1;
	s24 =	simm.s32 $0x4;
	s26 =	simm.s32 $0x1800;
	s1 =	simm.s32 $0x3800  }
.LBB2_1:
0x12: {  	s25 =	rddreg [dreg:$0x0];
	s0 =	simm.s32 $0x5  }
0x13: {  	[tilespmem:s3], [sflag:$0x5] =	stream.linear.gather [hbm4b:s25+s3], $0x1000, $0x38;
	[tilespmem:$0x11000] =	vst v63  }
0x14: {  	_ =	swait.ge [sflag:s0], $0x1000  }
0x15: {  	[sflag:s0] =	ssyncset.done $0x0  }
0x16: {  	[sflag:s0] =	ssyncadd.s32 $0xFFFFF000  }
0x17: {  	v3 =	vld [tilespmem:s4+$0x0];
	_ =	sdelay $0x4  }
0x18: {  	v4 =	vshll.u32 v3, $0x3  }
0x19: {  	v3 =	vand.u32 $0x7, v3;
	v4 =	vand.u32 $0xFFFFFFC0, v4  }
0x1a: {  	v3 =	vor.u32 v3, v4  }
0x1b: {  	v4 =	vperm.xlane v3, v0;
	_ =	sdelay $0x1  }
0x1c: {  	v4 =	vadd.s32 v1, v4;
	_ =	sdelay $0x4  }
0x1d: {  	[tilespmem:s28], [sflag:$0x1] =	stream.indirect_vreg.gather [hbm4b:s5+s3], $0x80, v4, vm0, $0xb8;
	[tilespmem:$0x11000] =	vst v63  }
0x1e: {  	v3 =	vperm.xlane v3, v2  }
0x1f: {  	[tilespmem:s26], [sflag:$0x1] =	stream.indirect_vreg.gather [hbm4b:s6+s3], $0x80, v4, vm0, $0xb8;
	[tilespmem:$0x11000] =	vst v63  }
0x20: {  	v3 =	vadd.s32 v1, v3  }
0x21: {  	[tilespmem:s29], [sflag:$0x1] =	stream.indirect_vreg.gather [hbm4b:s7+s3], $0x80, v4, vm0, $0xb8;
	[tilespmem:$0x11000] =	vst v63  }
0x22: {  	_ = 	snop  }
0x23: {  	[tilespmem:s30], [sflag:$0x1] =	stream.indirect_vreg.gather [hbm4b:s8+s3], $0x80, v4, vm0, $0xb8;
	[tilespmem:$0x11000] =	vst v63  }
0x24: {  	_ = 	snop  }
0x25: {  	[tilespmem:s31], [sflag:$0x1] =	stream.indirect_vreg.gather [hbm4b:s5+s3], $0x80, v3, vm0, $0xb8;
	[tilespmem:$0x11000] =	vst v63  }
0x26: {  	_ = 	snop  }
0x27: {  	[tilespmem:s1], [sflag:$0x1] =	stream.indirect_vreg.gather [hbm4b:s6+s3], $0x80, v3, vm0, $0xb8;
	[tilespmem:$0x11000] =	vst v63  }
0x28: {  	s0 =	simm.s32 $0x4000  }
0x29: {  	[tilespmem:s0], [sflag:$0x1] =	stream.indirect_vreg.gather [hbm4b:s7+s3], $0x80, v3, vm0, $0xb8;
	[tilespmem:$0x11000] =	vst v63  }
0x2a: {  	_ = 	snop  }
0x2b: {  	[tilespmem:s2], [sflag:$0x1] =	stream.indirect_vreg.gather [hbm4b:s8+s3], $0x80, v3, vm0, $0xb8;
	[tilespmem:$0x11000] =	vst v63  }
0x2c: {  	v3 =	vld [tilespmem:s4+$0x10];
	_ =	sdelay $0x4  }
0x2d: {  	v57 =	vshll.u32 v3, $0x3  }
0x2e: {  	v3 =	vand.u32 $0x7, v3;
	v4 =	vand.u32 $0xFFFFFFC0, v57  }
0x2f: {  	v3 =	vor.u32 v3, v4  }
0x30: {  	v4 =	vperm.xlane v3, v0;
	_ =	sdelay $0x1  }
0x31: {  	v4 =	vadd.s32 v1, v4;
	_ =	sdelay $0x4  }
0x32: {  	[tilespmem:s12], [sflag:$0x1] =	stream.indirect_vreg.gather [hbm4b:s5+s3], $0x80, v4, vm0, $0xb8;
	[tilespmem:$0x11000] =	vst v63  }
0x33: {  	v3 =	vperm.xlane v3, v2  }
0x34: {  	[tilespmem:s13], [sflag:$0x1] =	stream.indirect_vreg.gather [hbm4b:s6+s3], $0x80, v4, vm0, $0xb8;
	[tilespmem:$0x11000] =	vst v63  }
0x35: {  	v3 =	vadd.s32 v1, v3  }
0x36: {  	[tilespmem:s14], [sflag:$0x1] =	stream.indirect_vreg.gather [hbm4b:s7+s3], $0x80, v4, vm0, $0xb8;
	[tilespmem:$0x11000] =	vst v63  }
0x37: {  	_ = 	snop  }
0x38: {  	[tilespmem:s15], [sflag:$0x1] =	stream.indirect_vreg.gather [hbm4b:s8+s3], $0x80, v4, vm0, $0xb8;
	[tilespmem:$0x11000] =	vst v63  }
0x39: {  	_ = 	snop  }
0x3a: {  	[tilespmem:s16], [sflag:$0x1] =	stream.indirect_vreg.gather [hbm4b:s5+s3], $0x80, v3, vm0, $0xb8;
	[tilespmem:$0x11000] =	vst v63  }
0x3b: {  	_ = 	snop  }
0x3c: {  	[tilespmem:s17], [sflag:$0x1] =	stream.indirect_vreg.gather [hbm4b:s6+s3], $0x80, v3, vm0, $0xb8;
	[tilespmem:$0x11000] =	vst v63  }
0x3d: {  	_ = 	snop  }
0x3e: {  	[tilespmem:s18], [sflag:$0x1] =	stream.indirect_vreg.gather [hbm4b:s7+s3], $0x80, v3, vm0, $0xb8;
	[tilespmem:$0x11000] =	vst v63  }
0x3f: {  	_ = 	snop  }
0x40: {  	[tilespmem:s19], [sflag:$0x1] =	stream.indirect_vreg.gather [hbm4b:s8+s3], $0x80, v3, vm0, $0xb8;
	[tilespmem:$0x11000] =	vst v63  }
0x41: {  	v3 =	vld [tilespmem:s4+$0x20];
	_ =	sdelay $0x4  }
0x42: {  	v58 =	vshll.u32 v3, $0x3  }
0x43: {  	v3 =	vand.u32 $0x7, v3;
	v4 =	vand.u32 $0xFFFFFFC0, v58  }
0x44: {  	v3 =	vor.u32 v3, v4  }
0x45: {  	v4 =	vperm.xlane v3, v0;
	_ =	sdelay $0x1  }
0x46: {  	v4 =	vadd.s32 v1, v4;
	_ =	sdelay $0x4  }
0x47: {  	[tilespmem:s21], [sflag:$0x2] =	stream.indirect_vreg.gather [hbm4b:s5+s3], $0x80, v4, vm0, $0xb8;
	[tilespmem:$0x11000] =	vst v63  }
0x48: {  	v3 =	vperm.xlane v3, v2  }
0x49: {  	[tilespmem:s20], [sflag:$0x2] =	stream.indirect_vreg.gather [hbm4b:s6+s3], $0x80, v4, vm0, $0xb8;
	[tilespmem:$0x11000] =	vst v63  }
0x4a: {  	s11 =	simm.s32 $0xA000;
	v3 =	vadd.s32 v1, v3  }
0x4b: {  	[tilespmem:s11], [sflag:$0x2] =	stream.indirect_vreg.gather [hbm4b:s7+s3], $0x80, v4, vm0, $0xb8;
	[tilespmem:$0x11000] =	vst v63  }
0x4c: {  	s11 =	simm.s32 $0xA800  }
0x4d: {  	[tilespmem:s11], [sflag:$0x2] =	stream.indirect_vreg.gather [hbm4b:s8+s3], $0x80, v4, vm0, $0xb8;
	[tilespmem:$0x11000] =	vst v63  }
0x4e: {  	s25 =	simm.s32 $0xB000  }
0x4f: {  	[tilespmem:s25], [sflag:$0x2] =	stream.indirect_vreg.gather [hbm4b:s5+s3], $0x80, v3, vm0, $0xb8;
	[tilespmem:$0x11000] =	vst v63  }
0x50: {  	s25 =	simm.s32 $0xB800  }
0x51: {  	[tilespmem:s25], [sflag:$0x2] =	stream.indirect_vreg.gather [hbm4b:s6+s3], $0x80, v3, vm0, $0xb8;
	[tilespmem:$0x11000] =	vst v63  }
0x52: {  	s25 =	simm.s32 $0xC000  }
0x53: {  	[tilespmem:s25], [sflag:$0x2] =	stream.indirect_vreg.gather [hbm4b:s7+s3], $0x80, v3, vm0, $0xb8;
	[tilespmem:$0x11000] =	vst v63  }
0x54: {  	s25 =	simm.s32 $0xC800  }
0x55: {  	[tilespmem:s25], [sflag:$0x2] =	stream.indirect_vreg.gather [hbm4b:s8+s3], $0x80, v3, vm0, $0xb8;
	[tilespmem:$0x11000] =	vst v63  }
0x56: {  	v3 =	vld [tilespmem:s4+$0x30];
	_ =	sdelay $0x4  }
0x57: {  	v59 =	vshll.u32 v3, $0x3  }
0x58: {  	v3 =	vand.u32 $0x7, v3;
	v4 =	vand.u32 $0xFFFFFFC0, v59  }
0x59: {  	v3 =	vor.u32 v3, v4  }
0x5a: {  	v4 =	vperm.xlane v3, v0;
	_ =	sdelay $0x1  }
0x5b: {  	v4 =	vadd.s32 v1, v4;
	_ =	sdelay $0x3  }
0x5c: {  	s25 =	simm.s32 $0xD000  }
0x5d: {  	[tilespmem:s25], [sflag:$0x2] =	stream.indirect_vreg.gather [hbm4b:s5+s3], $0x80, v4, vm0, $0xb8;
	[tilespmem:$0x11000] =	vst v63  }
0x5e: {  	v3 =	vperm.xlane v3, v2;
	s25 =	simm.s32 $0xD800  }
0x5f: {  	[tilespmem:s25], [sflag:$0x2] =	stream.indirect_vreg.gather [hbm4b:s6+s3], $0x80, v4, vm0, $0xb8;
	[tilespmem:$0x11000] =	vst v63  }
0x60: {  	v3 =	vadd.s32 v1, v3;
	s25 =	simm.s32 $0xE000  }
0x61: {  	[tilespmem:s25], [sflag:$0x2] =	stream.indirect_vreg.gather [hbm4b:s7+s3], $0x80, v4, vm0, $0xb8;
	[tilespmem:$0x11000] =	vst v63  }
0x62: {  	s25 =	simm.s32 $0xE800  }
0x63: {  	[tilespmem:s25], [sflag:$0x2] =	stream.indirect_vreg.gather [hbm4b:s8+s3], $0x80, v4, vm0, $0xb8;
	[tilespmem:$0x11000] =	vst v63  }
0x64: {  	s25 =	simm.s32 $0xF000  }
0x65: {  	[tilespmem:s25], [sflag:$0x2] =	stream.indirect_vreg.gather [hbm4b:s5+s3], $0x80, v3, vm0, $0xb8;
	[tilespmem:$0x11000] =	vst v63  }
0x66: {  	s25 =	simm.s32 $0xF800  }
0x67: {  	[tilespmem:s25], [sflag:$0x2] =	stream.indirect_vreg.gather [hbm4b:s6+s3], $0x80, v3, vm0, $0xb8;
	[tilespmem:$0x11000] =	vst v63  }
0x68: {  	s25 =	simm.s32 $0x10000  }
0x69: {  	[tilespmem:s25], [sflag:$0x2] =	stream.indirect_vreg.gather [hbm4b:s7+s3], $0x80, v3, vm0, $0xb8;
	[tilespmem:$0x11000] =	vst v63  }
0x6a: {  	s25 =	simm.s32 $0x10800  }
0x6b: {  	[tilespmem:s25], [sflag:$0x2] =	stream.indirect_vreg.gather [hbm4b:s8+s3], $0x80, v3, vm0, $0xb8;
	[tilespmem:$0x11000] =	vst v63  }
0x6c: {  	_ =	swait.ge [sflag:s10], $0x8000  }
0x6d: {  	[sflag:s10] =	ssyncset.done $0x0  }
0x6e: {  	s25 =	rddreg [dreg:$0x2];
	[sflag:s10] =	ssyncadd.s32 $0xFFFF8000  }
0x6f: {  	[hbm4b:s25+s3] =	stream.linear.scatter [tilespmem:s28], [sflag:$0x3], $0x8000, $0x38;
	[tilespmem:$0x11000] =	vst v63  }
0x70: {  	_ =	swait.ge [sflag:s22], $0x8000  }
0x71: {  	[sflag:s22] =	ssyncset.done $0x0  }
0x72: {  	[sflag:s22] =	ssyncadd.s32 $0xFFFF8000  }
0x73: {  	v3 =	vld [tilespmem:s4+$0x40];
	_ =	sdelay $0x4  }
0x74: {  	v60 =	vshll.u32 v3, $0x3  }
0x75: {  	v3 =	vand.u32 $0x7, v3;
	v4 =	vand.u32 $0xFFFFFFC0, v60  }
0x76: {  	v3 =	vor.u32 v3, v4  }
0x77: {  	v4 =	vperm.xlane v3, v0;
	_ =	sdelay $0x1  }
0x78: {  	v4 =	vadd.s32 v1, v4;
	_ =	sdelay $0x4  }
0x79: {  	[tilespmem:s28], [sflag:$0x1] =	stream.indirect_vreg.gather [hbm4b:s5+s3], $0x80, v4, vm0, $0xb8;
	[tilespmem:$0x11000] =	vst v63  }
0x7a: {  	v3 =	vperm.xlane v3, v2  }
0x7b: {  	[tilespmem:s26], [sflag:$0x1] =	stream.indirect_vreg.gather [hbm4b:s6+s3], $0x80, v4, vm0, $0xb8;
	[tilespmem:$0x11000] =	vst v63  }
0x7c: {  	v3 =	vadd.s32 v1, v3  }
0x7d: {  	[tilespmem:s29], [sflag:$0x1] =	stream.indirect_vreg.gather [hbm4b:s7+s3], $0x80, v4, vm0, $0xb8;
	[tilespmem:$0x11000] =	vst v63  }
0x7e: {  	_ = 	snop  }
0x7f: {  	[tilespmem:s30], [sflag:$0x1] =	stream.indirect_vreg.gather [hbm4b:s8+s3], $0x80, v4, vm0, $0xb8;
	[tilespmem:$0x11000] =	vst v63  }
0x80: {  	_ = 	snop  }
0x81: {  	[tilespmem:s31], [sflag:$0x1] =	stream.indirect_vreg.gather [hbm4b:s5+s3], $0x80, v3, vm0, $0xb8;
	[tilespmem:$0x11000] =	vst v63  }
0x82: {  	_ = 	snop  }
0x83: {  	[tilespmem:s1], [sflag:$0x1] =	stream.indirect_vreg.gather [hbm4b:s6+s3], $0x80, v3, vm0, $0xb8;
	[tilespmem:$0x11000] =	vst v63  }
0x84: {  	_ = 	snop  }
0x85: {  	[tilespmem:s0], [sflag:$0x1] =	stream.indirect_vreg.gather [hbm4b:s7+s3], $0x80, v3, vm0, $0xb8;
	[tilespmem:$0x11000] =	vst v63  }
0x86: {  	_ = 	snop  }
0x87: {  	[tilespmem:s2], [sflag:$0x1] =	stream.indirect_vreg.gather [hbm4b:s8+s3], $0x80, v3, vm0, $0xb8;
	[tilespmem:$0x11000] =	vst v63  }
0x88: {  	v3 =	vld [tilespmem:s4+$0x50];
	_ =	sdelay $0x4  }
0x89: {  	v61 =	vshll.u32 v3, $0x3  }
0x8a: {  	v3 =	vand.u32 $0x7, v3;
	v4 =	vand.u32 $0xFFFFFFC0, v61  }
0x8b: {  	v3 =	vor.u32 v3, v4  }
0x8c: {  	v4 =	vperm.xlane v3, v0;
	_ =	sdelay $0x1  }
0x8d: {  	v4 =	vadd.s32 v1, v4;
	_ =	sdelay $0x4  }
0x8e: {  	[tilespmem:s12], [sflag:$0x1] =	stream.indirect_vreg.gather [hbm4b:s5+s3], $0x80, v4, vm0, $0xb8;
	[tilespmem:$0x11000] =	vst v63  }
0x8f: {  	v3 =	vperm.xlane v3, v2  }
0x90: {  	[tilespmem:s13], [sflag:$0x1] =	stream.indirect_vreg.gather [hbm4b:s6+s3], $0x80, v4, vm0, $0xb8;
	[tilespmem:$0x11000] =	vst v63  }
0x91: {  	v3 =	vadd.s32 v1, v3  }
0x92: {  	[tilespmem:s14], [sflag:$0x1] =	stream.indirect_vreg.gather [hbm4b:s7+s3], $0x80, v4, vm0, $0xb8;
	[tilespmem:$0x11000] =	vst v63  }
0x93: {  	_ = 	snop  }
0x94: {  	[tilespmem:s15], [sflag:$0x1] =	stream.indirect_vreg.gather [hbm4b:s8+s3], $0x80, v4, vm0, $0xb8;
	[tilespmem:$0x11000] =	vst v63  }
0x95: {  	_ = 	snop  }
0x96: {  	[tilespmem:s16], [sflag:$0x1] =	stream.indirect_vreg.gather [hbm4b:s5+s3], $0x80, v3, vm0, $0xb8;
	[tilespmem:$0x11000] =	vst v63  }
0x97: {  	_ = 	snop  }
0x98: {  	[tilespmem:s17], [sflag:$0x1] =	stream.indirect_vreg.gather [hbm4b:s6+s3], $0x80, v3, vm0, $0xb8;
	[tilespmem:$0x11000] =	vst v63  }
0x99: {  	_ = 	snop  }
0x9a: {  	[tilespmem:s18], [sflag:$0x1] =	stream.indirect_vreg.gather [hbm4b:s7+s3], $0x80, v3, vm0, $0xb8;
	[tilespmem:$0x11000] =	vst v63  }
0x9b: {  	_ = 	snop  }
0x9c: {  	[tilespmem:s19], [sflag:$0x1] =	stream.indirect_vreg.gather [hbm4b:s8+s3], $0x80, v3, vm0, $0xb8;
	[tilespmem:$0x11000] =	vst v63  }
0x9d: {  	_ =	swait.ge [sflag:s23], $0x8000  }
0x9e: {  	[sflag:s23] =	ssyncset.done $0x0  }
0x9f: {  	s0 =	rddreg [dreg:$0x3];
	[sflag:s23] =	ssyncadd.s32 $0xFFFF8000  }
0xa0: {  	[hbm4b:s0+s3] =	stream.linear.scatter [tilespmem:s21], [sflag:$0x4], $0x8000, $0x38;
	[tilespmem:$0x11000] =	vst v63  }
0xa1: {  	_ =	swait.ge [sflag:s24], $0x8000  }
0xa2: {  	[sflag:s24] =	ssyncset.done $0x0  }
0xa3: {  	[sflag:s24] =	ssyncadd.s32 $0xFFFF8000  }
0xa4: {  	v3 =	vld [tilespmem:s4+$0x60];
	_ =	sdelay $0x4  }
0xa5: {  	v62 =	vshll.u32 v3, $0x3  }
0xa6: {  	v3 =	vand.u32 $0x7, v3;
	v4 =	vand.u32 $0xFFFFFFC0, v62  }
0xa7: {  	v3 =	vor.u32 v3, v4  }
0xa8: {  	v4 =	vperm.xlane v3, v0;
	_ =	sdelay $0x1  }
0xa9: {  	v4 =	vadd.s32 v1, v4;
	_ =	sdelay $0x4  }
0xaa: {  	[tilespmem:s21], [sflag:$0x2] =	stream.indirect_vreg.gather [hbm4b:s5+s3], $0x80, v4, vm0, $0xb8;
	[tilespmem:$0x11000] =	vst v63  }
0xab: {  	v3 =	vperm.xlane v3, v2  }
0xac: {  	[tilespmem:s20], [sflag:$0x2] =	stream.indirect_vreg.gather [hbm4b:s6+s3], $0x80, v4, vm0, $0xb8;
	[tilespmem:$0x11000] =	vst v63  }
0xad: {  	s25 =	simm.s32 $0xA000;
	v3 =	vadd.s32 v1, v3  }
0xae: {  	[tilespmem:s25], [sflag:$0x2] =	stream.indirect_vreg.gather [hbm4b:s7+s3], $0x80, v4, vm0, $0xb8;
	[tilespmem:$0x11000] =	vst v63  }
0xaf: {  	_ = 	snop  }
0xb0: {  	[tilespmem:s11], [sflag:$0x2] =	stream.indirect_vreg.gather [hbm4b:s8+s3], $0x80, v4, vm0, $0xb8;
	[tilespmem:$0x11000] =	vst v63  }
0xb1: {  	s11 =	simm.s32 $0xB000  }
0xb2: {  	[tilespmem:s11], [sflag:$0x2] =	stream.indirect_vreg.gather [hbm4b:s5+s3], $0x80, v3, vm0, $0xb8;
	[tilespmem:$0x11000] =	vst v63  }
0xb3: {  	s25 =	simm.s32 $0xB800  }
0xb4: {  	[tilespmem:s25], [sflag:$0x2] =	stream.indirect_vreg.gather [hbm4b:s6+s3], $0x80, v3, vm0, $0xb8;
	[tilespmem:$0x11000] =	vst v63  }
0xb5: {  	s11 =	simm.s32 $0xC000  }
0xb6: {  	[tilespmem:s11], [sflag:$0x2] =	stream.indirect_vreg.gather [hbm4b:s7+s3], $0x80, v3, vm0, $0xb8;
	[tilespmem:$0x11000] =	vst v63  }
0xb7: {  	s25 =	simm.s32 $0xC800  }
0xb8: {  	[tilespmem:s25], [sflag:$0x2] =	stream.indirect_vreg.gather [hbm4b:s8+s3], $0x80, v3, vm0, $0xb8;
	[tilespmem:$0x11000] =	vst v63  }
0xb9: {  	v3 =	vld [tilespmem:s4+$0x70];
	_ =	sdelay $0x4  }
0xba: {  	v63 =	vshll.u32 v3, $0x3  }
0xbb: {  	v3 =	vand.u32 $0x7, v3;
	v4 =	vand.u32 $0xFFFFFFC0, v63  }
0xbc: {  	v3 =	vor.u32 v3, v4  }
0xbd: {  	v4 =	vperm.xlane v3, v0;
	_ =	sdelay $0x1  }
0xbe: {  	v4 =	vadd.s32 v1, v4;
	_ =	sdelay $0x3  }
0xbf: {  	s11 =	simm.s32 $0xD000  }
0xc0: {  	[tilespmem:s11], [sflag:$0x2] =	stream.indirect_vreg.gather [hbm4b:s5+s3], $0x80, v4, vm0, $0xb8;
	[tilespmem:$0x11000] =	vst v63  }
0xc1: {  	s25 =	simm.s32 $0xD800;
	v3 =	vperm.xlane v3, v2  }
0xc2: {  	[tilespmem:s25], [sflag:$0x2] =	stream.indirect_vreg.gather [hbm4b:s6+s3], $0x80, v4, vm0, $0xb8;
	[tilespmem:$0x11000] =	vst v63  }
0xc3: {  	v3 =	vadd.s32 v1, v3;
	s11 =	simm.s32 $0xE000  }
0xc4: {  	[tilespmem:s11], [sflag:$0x2] =	stream.indirect_vreg.gather [hbm4b:s7+s3], $0x80, v4, vm0, $0xb8;
	[tilespmem:$0x11000] =	vst v63  }
0xc5: {  	s25 =	simm.s32 $0xE800  }
0xc6: {  	[tilespmem:s25], [sflag:$0x2] =	stream.indirect_vreg.gather [hbm4b:s8+s3], $0x80, v4, vm0, $0xb8;
	[tilespmem:$0x11000] =	vst v63  }
0xc7: {  	s11 =	simm.s32 $0xF000  }
0xc8: {  	[tilespmem:s11], [sflag:$0x2] =	stream.indirect_vreg.gather [hbm4b:s5+s3], $0x80, v3, vm0, $0xb8;
	[tilespmem:$0x11000] =	vst v63  }
0xc9: {  	s25 =	simm.s32 $0xF800  }
0xca: {  	[tilespmem:s25], [sflag:$0x2] =	stream.indirect_vreg.gather [hbm4b:s6+s3], $0x80, v3, vm0, $0xb8;
	[tilespmem:$0x11000] =	vst v63  }
0xcb: {  	s11 =	simm.s32 $0x10000  }
0xcc: {  	[tilespmem:s11], [sflag:$0x2] =	stream.indirect_vreg.gather [hbm4b:s7+s3], $0x80, v3, vm0, $0xb8;
	[tilespmem:$0x11000] =	vst v63  }
0xcd: {  	s25 =	simm.s32 $0x10800  }
0xce: {  	[tilespmem:s25], [sflag:$0x2] =	stream.indirect_vreg.gather [hbm4b:s8+s3], $0x80, v3, vm0, $0xb8;
	[tilespmem:$0x11000] =	vst v63  }
0xcf: {  	_ =	swait.ge [sflag:s10], $0x8000  }
0xd0: {  	[sflag:s10] =	ssyncset.done $0x0  }
0xd1: {  	s0 =	rddreg [dreg:$0x4];
	[sflag:s10] =	ssyncadd.s32 $0xFFFF8000  }
0xd2: {  	[hbm4b:s0+s3] =	stream.linear.scatter [tilespmem:s28], [sflag:$0x3], $0x8000, $0x38;
	[tilespmem:$0x11000] =	vst v63  }
0xd3: {  	_ =	swait.ge [sflag:s23], $0x8000  }
0xd4: {  	[sflag:s23] =	ssyncset.done $0x0  }
0xd5: {  	s11 =	rddreg [dreg:$0x5];
	[sflag:s23] =	ssyncadd.s32 $0xFFFF8000  }
0xd6: {  	[hbm4b:s11+s3] =	stream.linear.scatter [tilespmem:s21], [sflag:$0x4], $0x8000, $0x38;
	[tilespmem:$0x11000] =	vst v63  }
0xd7: {  	p0 =	sne.s32 s9, $0x1;
	_ =	swait.ge [sflag:s24], $0x8000  }
.Ltmp0:
0xd8: {  	[sflag:s24] =	ssyncset.done $0x0;
	(pc) =	sbr.rel @p0 .LBB2_1-.Ltmp0, $4  }
0xd9: {  	[sflag:s24] =	ssyncadd.s32 $0xFFFF8000  }
0xda: {  	_ =	swait.ge [sflag:s22], $0x8000  }
0xdb: {  	[sflag:s22] =	ssyncset.done $0x0  }
0xdc: {  	s9 =	sadd.s32 $0xFFFFFFFF, s9;
	[sflag:s22] =	ssyncadd.s32 $0xFFFF8000  }
0xdd: {  	_ =	sfence.sel $0x180000  }
0xde: {  	[bflag:$0x0] =	sbarrier.arrive $0xFFFF  }
0xdf: {  	_ =	strace $0x9000004D  }
0xe0: {  	s0 =	stileid.u32;
	[bflag:$0x2] =	sbarrier.arrive $0xFFFF  }
0xe1: {  	p0 =	sne.s32 s0, $0x0;
	s0 =	rddreg [dreg:$0x1]  }
0xe2: {  	s0 =	sadd.s32 @!p0 $0x100000, s0  }
0xe3: {  	[sflag:s0] =	ssyncadd.tile.s32 @!p0 $0x1;
	_ =	shalt  }
.Lfunc_end2:
_tile_overlayer_lowered:
.L_overlay_start_2:
0xe4: {  	(tag) =	ssettag $0x2  }
0xe5: {  	s0 =	rddreg [dreg:$0x0];
	s2 =	stileid.u32  }
0xe6: {  	s1 =	rddreg [dreg:$0x1];
	p0 =	sne.s32 s2, $0x0  }
0xe7: {  	s3 =	rddreg [dreg:$0x2];
	[bflag:$0x3] =	sbarrier.arrive $0xFFFF;
	s2 =	simm.s32 @!p0 $0x1C05  }
0xe8: {  	[timem:s3], [sflag:s2] =	dma.local @!p0 [hbm:s0], s1  }
0xe9: {  	s0 =	simm.s32 @!p0 $0x5  }
0xea: {  	_ =	swait.ge @!p0 [sflag:s0], s1  }
0xeb: {  	s1 =	ssub.s32 @!p0 $0x0, s1;
	[sflag:s0] =	ssyncset.done @!p0 $0x0  }
0xec: {  	[sflag:s0] =	ssyncadd.s32 @!p0 s1  }
0xed: {  	[bflag:$0x3] =	sbarrier.arrive $0xFFFF  }
0xee: {  	_ =	shalt  }

</sc_bundles>
